<compile_context>
chip_gen: v7x
topology: tpu7x:2x2x1
jax: 0.10.2.dev20260603
libtpu: 0.0.44.dev20260713+nightly
codegen_flags: <defaults>
</compile_context>

<pallas_src>
import functools

import jax
import jax.numpy as jnp
from jax import lax
from jax.experimental import pallas as pl
from jax.experimental.pallas import tpu as pltpu
from jax.experimental.pallas import tpu_sc as plsc

N = 10000
E = 320000
D = 128
G = 64
NE = 7

NC = 2
NS = 16
NW = NC * NS

C = 128
EPW = E // NW
RPW = 80
PADW = RPW * C - EPW
NP = N + 8
RPT = 624
REM = NP - NS * RPT
NBUF = 2
NPH = 2
HRPW = RPW // NPH


@functools.lru_cache(maxsize=None)
def _sc_kernels():
    _mesh = plsc.VectorSubcoreMesh(core_axis_name="c", subcore_axis_name="s",
                                   num_cores=NC, num_subcores=NS)

    @functools.partial(
        pl.kernel,
        out_type=jax.ShapeDtypeStruct((NC, NP, D), jnp.float32),
        mesh=_mesh,
        scratch_types=[
            pltpu.VMEM((HRPW, C), jnp.int32),
            pltpu.VMEM((HRPW, C), jnp.int32),
            pltpu.VMEM((C, D), jnp.float32),
            pltpu.VMEM((C, D), jnp.float32),
            pltpu.VMEM_SHARED((NP, D), jnp.float32),
            pltpu.SemaphoreType.DMA,
            pltpu.SemaphoreType.DMA,
        ],
    )
    def _sc_segsum(h_hbm, src_hbm, dst_hbm, zeros_hbm, out_hbm,
                   src_v, dst_v, r0, r1, agg_sh, g0, g1):
        cid = lax.axis_index("c")
        sid = lax.axis_index("s")
        wid = sid * NC + cid
        rows = [r0, r1]
        gsem = [g0, g1]

        pltpu.sync_copy(zeros_hbm.at[pl.ds(sid * RPT, RPT)],
                        agg_sh.at[pl.ds(sid * RPT, RPT)])

        @pl.when(sid == 0)
        def _():
            pltpu.sync_copy(zeros_hbm.at[pl.ds(NS * RPT, REM)],
                            agg_sh.at[pl.ds(NS * RPT, REM)])

        plsc.subcore_barrier()

        for p in range(NPH):
            pltpu.sync_copy(src_hbm.at[wid, p], src_v)
            pltpu.sync_copy(dst_hbm.at[wid, p], dst_v)
            for b in range(NBUF):
                pltpu.async_copy(h_hbm.at[src_v.at[b]], rows[b], gsem[b])

            @pl.loop(0, HRPW - NBUF, step=NBUF)
            def _(g):
                for b in range(NBUF):
                    j = g + b
                    pltpu.make_async_copy(zeros_hbm.at[pl.ds(0, C)],
                                          rows[b], gsem[b]).wait()
                    pltpu.sync_copy(rows[b], agg_sh.at[dst_v.at[j]],
                                    add=True)
                    pltpu.async_copy(h_hbm.at[src_v.at[j + NBUF]], rows[b],
                                     gsem[b])

            for b in range(NBUF):
                j = HRPW - NBUF + b
                pltpu.make_async_copy(zeros_hbm.at[pl.ds(0, C)], rows[b],
                                      gsem[b]).wait()
                pltpu.sync_copy(rows[b], agg_sh.at[dst_v.at[j]], add=True)

        plsc.subcore_barrier()

        pltpu.sync_copy(agg_sh.at[pl.ds(sid * RPT, RPT)],
                        out_hbm.at[cid, pl.ds(sid * RPT, RPT)])

        @pl.when(sid == 0)
        def _():
            pltpu.sync_copy(agg_sh.at[pl.ds(NS * RPT, REM)],
                            out_hbm.at[cid, pl.ds(NS * RPT, REM)])

    @functools.partial(
        pl.kernel,
        out_type=jax.ShapeDtypeStruct((NC, NP, D), jnp.float32),
        mesh=_mesh,
        scratch_types=[
            pltpu.VMEM((RPW, C), jnp.int32),
            pltpu.VMEM((C, D), jnp.float32),
            pltpu.VMEM_SHARED((NP, D), jnp.float32),
        ],
    )
    def _sc_counts(dst_hbm, zeros_hbm, ones_hbm, out_hbm, dst_v, ones_v,
                   cnt_sh):
        cid = lax.axis_index("c")
        sid = lax.axis_index("s")
        wid = sid * NC + cid

        pltpu.sync_copy(zeros_hbm.at[pl.ds(sid * RPT, RPT)],
                        cnt_sh.at[pl.ds(sid * RPT, RPT)])

        @pl.when(sid == 0)
        def _():
            pltpu.sync_copy(zeros_hbm.at[pl.ds(NS * RPT, REM)],
                            cnt_sh.at[pl.ds(NS * RPT, REM)])

        pltpu.sync_copy(dst_hbm.at[wid], dst_v)
        pltpu.sync_copy(ones_hbm, ones_v)
        plsc.subcore_barrier()

        def body(j, carry):
            pltpu.sync_copy(ones_v, cnt_sh.at[dst_v.at[j]], add=True)
            return carry

        lax.fori_loop(0, RPW, body, 0)
        plsc.subcore_barrier()

        pltpu.sync_copy(cnt_sh.at[pl.ds(sid * RPT, RPT)],
                        out_hbm.at[cid, pl.ds(sid * RPT, RPT)])

        @pl.when(sid == 0)
        def _():
            pltpu.sync_copy(cnt_sh.at[pl.ds(NS * RPT, REM)],
                            out_hbm.at[cid, pl.ds(NS * RPT, REM)])

    return _sc_segsum, _sc_counts


def _dense_body(agg_ref, cnt_ref, h_ref, wlT_ref, bl_ref, wrT_ref,
                gamma_ref, beta_ref, out_ref):
    agg = agg_ref[0, :N, :] + agg_ref[1, :N, :]
    cnt = (cnt_ref[0, :N, :] + cnt_ref[1, :N, :])[:, 0:1]
    mean = agg / jnp.maximum(cnt, 1.0)
    h = h_ref[...]
    y = (jnp.dot(mean, wlT_ref[...], preferred_element_type=jnp.float32)
         + bl_ref[...]
         + jnp.dot(h, wrT_ref[...], preferred_element_type=jnp.float32))
    mu = jnp.mean(y, axis=0, keepdims=True)
    var = jnp.mean((y - mu) * (y - mu), axis=0, keepdims=True)
    z = (y - mu) * lax.rsqrt(var + 1e-5) * gamma_ref[...] + beta_ref[...]
    out_ref[...] = jnp.maximum(z, 0.0)


_tc_dense = pl.pallas_call(
    _dense_body,
    out_shape=jax.ShapeDtypeStruct((N, D), jnp.float32),
)


def _final_body(h_ref, batch_ref, wfcT_ref, bfc_ref, scores_ref,
                probs_ref, ill_ref):
    h = h_ref[...]
    gids = lax.broadcasted_iota(jnp.int32, (N, G), 1)
    onehot = (batch_ref[...] == gids).astype(jnp.float32)
    pooled_sum = lax.dot_general(onehot, h, (((0,), (0,)), ((), ())),
                                 preferred_element_type=jnp.float32)
    counts = jnp.sum(onehot, axis=0)[:, None]
    pooled = pooled_sum / jnp.maximum(counts, 1.0)
    logits = jnp.dot(pooled, wfcT_ref[...],
                     preferred_element_type=jnp.float32) + bfc_ref[...]
    probs = jax.nn.sigmoid(logits)
    probs_ref[...] = probs
    ill = jnp.sum(probs * scores_ref[...], axis=1)[:, None]
    ill_ref[...] = jnp.broadcast_to(ill, (G, D))


_tc_final = pl.pallas_call(
    _final_body,
    out_shape=(jax.ShapeDtypeStruct((G, D), jnp.float32),
               jax.ShapeDtypeStruct((G, D), jnp.float32)),
)


def kernel(x, edge_index, batch,
           W_l0, b_l0, W_r0, gamma0, beta0,
           W_l1, b_l1, W_r1, gamma1, beta1,
           W_l2, b_l2, W_r2, gamma2, beta2,
           W_fc, b_fc):
    src = jnp.concatenate(
        [edge_index[0].reshape(NW, EPW),
         jnp.zeros((NW, PADW), jnp.int32)], axis=1).reshape(NW, NPH,
                                                            HRPW, C)
    dst = jnp.concatenate(
        [edge_index[1].reshape(NW, EPW),
         jnp.full((NW, PADW), N, jnp.int32)], axis=1).reshape(NW, NPH,
                                                              HRPW, C)
    zeros128 = jnp.zeros((NP, D), jnp.float32)

    _sc_segsum, _sc_counts = _sc_kernels()
    ones128 = jnp.ones((C, D), jnp.float32)
    cnt_p = _sc_counts(dst.reshape(NW, RPW, C), zeros128,
                       ones128)

    params = [
        (W_l0, b_l0, W_r0, gamma0, beta0),
        (W_l1, b_l1, W_r1, gamma1, beta1),
        (W_l2, b_l2, W_r2, gamma2, beta2),
    ]
    h = x
    for (W_l, b_l, W_r, gamma, beta) in params:
        agg_p = _sc_segsum(h, src, dst, zeros128)
        h = _tc_dense(agg_p, cnt_p, h, W_l.T, b_l[None, :], W_r.T,
                      gamma[None, :], beta[None, :])

    wfcT_pad = jnp.zeros((D, D), jnp.float32).at[:, :NE].set(W_fc.T)
    bfc_pad = jnp.zeros((1, D), jnp.float32).at[0, :NE].set(b_fc)
    scores = jnp.array([1.0, 0.5, 0.8, -1.0, 1.0, -0.8, 0.0],
                       dtype=jnp.float32)
    scores_pad = jnp.zeros((1, D), jnp.float32).at[0, :NE].set(scores)

    probs_pad, ill_pad = _tc_final(h, batch[:, None], wfcT_pad, bfc_pad,
                                   scores_pad)
    return probs_pad[:, :NE], ill_pad[:, 0]

# --- scband reference (transcript-rebuilt; emitter-appended) ---
"""Pipeline reference for scband-graph-sage-45741401702554 (READ-ONLY COPY).

The authoritative reference and input builder live on the scoring server;
editing this copy changes nothing except your own understanding.
"""

import jax, jax.numpy as jnp
import numpy as np

N = 10000
E = 320000
D = 128
H = [128, 128, 128]
G = 64
NE = 7


def setup_inputs(seed: int = 0) -> dict:
    key = jax.random.key(seed)
    ks = jax.random.split(key, 24)
    inp = {}
    inp["x"] = jax.random.normal(ks[0], (N, D), dtype=jnp.float32)
    inp["edge_index"] = jax.random.randint(ks[1], (2, E), 0, N, dtype=jnp.int32)
    inp["batch"] = jnp.sort(jax.random.randint(ks[2], (N,), 0, G, dtype=jnp.int32))
    dims = [D] + H
    kidx = 3
    for i in range(3):
        fan_in = dims[i]
        s = 1.0 / np.sqrt(fan_in)
        inp[f"W_l{i}"] = jax.random.normal(ks[kidx], (H[i], fan_in), dtype=jnp.float32) * s; kidx += 1
        inp[f"b_l{i}"] = jnp.zeros((H[i],), dtype=jnp.float32)
        inp[f"W_r{i}"] = jax.random.normal(ks[kidx], (H[i], fan_in), dtype=jnp.float32) * s; kidx += 1
        inp[f"gamma{i}"] = jnp.ones((H[i],), dtype=jnp.float32)
        inp[f"beta{i}"] = jnp.zeros((H[i],), dtype=jnp.float32)
    inp["W_fc"] = jax.random.normal(ks[kidx], (NE, H[-1]), dtype=jnp.float32) * (1.0 / np.sqrt(H[-1])); kidx += 1
    inp["b_fc"] = jnp.zeros((NE,), dtype=jnp.float32)
    return inp


def _sage_conv(x, src, dst, W_l, b_l, W_r):
    msgs = x[src]
    agg = jax.ops.segment_sum(msgs, dst, num_segments=N)
    cnt = jax.ops.segment_sum(jnp.ones((E,), dtype=x.dtype), dst, num_segments=N)
    mean = agg / jnp.clip(cnt, 1.0)[:, None]
    return mean @ W_l.T + b_l + x @ W_r.T


def _batch_norm(x, gamma, beta):
    mu = x.mean(axis=0)
    var = x.var(axis=0)
    return (x - mu) / jnp.sqrt(var + 1e-5) * gamma + beta


def reference(x, edge_index, batch,
              W_l0, b_l0, W_r0, gamma0, beta0,
              W_l1, b_l1, W_r1, gamma1, beta1,
              W_l2, b_l2, W_r2, gamma2, beta2,
              W_fc, b_fc):
    src = edge_index[0]
    dst = edge_index[1]
    params = [
        (W_l0, b_l0, W_r0, gamma0, beta0),
        (W_l1, b_l1, W_r1, gamma1, beta1),
        (W_l2, b_l2, W_r2, gamma2, beta2),
    ]
    h = x
    for (W_l, b_l, W_r, gamma, beta) in params:
        h = _sage_conv(h, src, dst, W_l, b_l, W_r)
        h = _batch_norm(h, gamma, beta)
        h = jax.nn.relu(h)
        # dropout is identity in eval mode
    pooled_sum = jax.ops.segment_sum(h, batch, num_segments=G)
    counts = jax.ops.segment_sum(jnp.ones((N,), dtype=h.dtype), batch, num_segments=G)
    pooled = pooled_sum / jnp.clip(counts, 1.0)[:, None]
    emotion_logits = pooled @ W_fc.T + b_fc
    emotion_probs = jax.nn.sigmoid(emotion_logits)
    emotion_scores = jnp.array([1.0, 0.5, 0.8, -1.0, 1.0, -0.8, 0.0], dtype=h.dtype)
    illness_scores = emotion_probs @ emotion_scores
    return (emotion_probs, illness_scores)

if __name__ == "__main__":
    import jax
    _d = setup_inputs()
    print(jax.jit(kernel)(*tuple(_d.values())))

</pallas_src>

<mosaic_0001>
#map = affine_map<(d0, d1) -> (0, 0, 0)>
#map1 = affine_map<(d0, d1) -> (0, 0)>
module attributes {stable_mosaic.version = 14 : i64} {
  func.func @_sc_counts(%arg0: i32, %arg1: i32, %arg2: memref<32x80x128xi32, #tpu.memory_space<hbm>>, %arg3: memref<10008x128xf32, #tpu.memory_space<hbm>>, %arg4: memref<128x128xf32, #tpu.memory_space<hbm>>, %arg5: memref<2x10008x128xf32, #tpu.memory_space<hbm>>, %arg6: memref<80x128xi32, #tpu.memory_space<vmem>>, %arg7: memref<128x128xf32, #tpu.memory_space<vmem>>, %arg8: memref<10008x128xf32, #tpu.memory_space<vmem_shared>>) attributes {dimension_semantics = [#tpu.dimension_semantics<core_parallel>, #tpu.dimension_semantics<subcore_parallel>], iteration_bounds = array<i64: 2, 16>, scalar_prefetch = 0 : i64, scratch_operands = 3 : i64, tpu.core_type = #tpu.core_type<sc_vector_subcore>, window_params = [{transform_indices = #map}, {transform_indices = #map1}, {transform_indices = #map1}, {transform_indices = #map}]} {
    %mul3A = arith.constant 2 : i32
    %mul3A_0 = arith.muli %arg1, %mul3A : i32
    %add3A = arith.addi %mul3A_0, %arg0 : i32
    %mul3A_1 = arith.constant 624 : i32
    %mul3A_2 = arith.muli %arg1, %mul3A_1 : i32
    %mul3A_3 = arith.constant 624 : i32
    %mul3A_4 = arith.muli %arg1, %mul3A_3 : i32
    "tpu.region"() ({
      %run_scoped3A = tpu.sem_alloc : memref<!tpu.dma_semaphore, #tpu.memory_space<semaphore_mem>>
      %dma_start3A = arith.constant 0 : i32
      %dma_start3A_22 = tpu.memref_slice %arg8[%mul3A_4, %dma_start3A] : memref<10008x128xf32, #tpu.memory_space<vmem_shared>> -> memref<624x128xf32, #tpu.memory_space<vmem_shared>>
      %dma_start3A_23 = arith.constant 0 : i32
      %dma_start3A_24 = tpu.memref_slice %arg3[%mul3A_2, %dma_start3A_23] : memref<10008x128xf32, #tpu.memory_space<hbm>> -> memref<624x128xf32, #tpu.memory_space<hbm>>
      tpu.enqueue_dma source(%dma_start3A_24 : memref<624x128xf32, #tpu.memory_space<hbm>>) target(%dma_start3A_22 : memref<624x128xf32, #tpu.memory_space<vmem_shared>>) target_semaphore(%run_scoped3A : memref<!tpu.dma_semaphore, #tpu.memory_space<semaphore_mem>>)
      %dma_wait3A = arith.constant 0 : i32
      %dma_wait3A_25 = tpu.memref_slice %arg8[%mul3A_4, %dma_wait3A] : memref<10008x128xf32, #tpu.memory_space<vmem_shared>> -> memref<624x128xf32, #tpu.memory_space<vmem_shared>>
      %dma_wait3A_26 = arith.constant 0 : i32
      %dma_wait3A_27 = tpu.memref_slice %arg3[%mul3A_2, %dma_wait3A_26] : memref<10008x128xf32, #tpu.memory_space<hbm>> -> memref<624x128xf32, #tpu.memory_space<hbm>>
      tpu.wait_dma2 semaphore(%run_scoped3A : memref<!tpu.dma_semaphore, #tpu.memory_space<semaphore_mem>>) src(%dma_wait3A_27 : memref<624x128xf32, #tpu.memory_space<hbm>>) dst(%dma_wait3A_25 : memref<624x128xf32, #tpu.memory_space<vmem_shared>>)
      tpu.yield
    }) : () -> ()
    %eq3A = arith.constant 0 : i32
    %eq3A_5 = arith.cmpi eq, %arg1, %eq3A : i32
    %convert_element_type3A = arith.extui %eq3A_5 : i1 to i32
    %cond3A = arith.constant 0 : i32
    %cond3A_6 = arith.cmpi ne, %convert_element_type3A, %cond3A : i32
    scf.if %cond3A_6 {
      "tpu.region"() ({
        %run_scoped3A = tpu.sem_alloc : memref<!tpu.dma_semaphore, #tpu.memory_space<semaphore_mem>>
        %dma_start3A = arith.constant 9984 : i32
        %dma_start3A_22 = arith.constant 0 : i32
        %dma_start3A_23 = tpu.memref_slice %arg8[%dma_start3A, %dma_start3A_22] : memref<10008x128xf32, #tpu.memory_space<vmem_shared>> -> memref<24x128xf32, #tpu.memory_space<vmem_shared>>
        %dma_start3A_24 = arith.constant 9984 : i32
        %dma_start3A_25 = arith.constant 0 : i32
        %dma_start3A_26 = tpu.memref_slice %arg3[%dma_start3A_24, %dma_start3A_25] : memref<10008x128xf32, #tpu.memory_space<hbm>> -> memref<24x128xf32, #tpu.memory_space<hbm>>
        tpu.enqueue_dma source(%dma_start3A_26 : memref<24x128xf32, #tpu.memory_space<hbm>>) target(%dma_start3A_23 : memref<24x128xf32, #tpu.memory_space<vmem_shared>>) target_semaphore(%run_scoped3A : memref<!tpu.dma_semaphore, #tpu.memory_space<semaphore_mem>>)
        %dma_wait3A = arith.constant 9984 : i32
        %dma_wait3A_27 = arith.constant 0 : i32
        %dma_wait3A_28 = tpu.memref_slice %arg8[%dma_wait3A, %dma_wait3A_27] : memref<10008x128xf32, #tpu.memory_space<vmem_shared>> -> memref<24x128xf32, #tpu.memory_space<vmem_shared>>
        %dma_wait3A_29 = arith.constant 9984 : i32
        %dma_wait3A_30 = arith.constant 0 : i32
        %dma_wait3A_31 = tpu.memref_slice %arg3[%dma_wait3A_29, %dma_wait3A_30] : memref<10008x128xf32, #tpu.memory_space<hbm>> -> memref<24x128xf32, #tpu.memory_space<hbm>>
        tpu.wait_dma2 semaphore(%run_scoped3A : memref<!tpu.dma_semaphore, #tpu.memory_space<semaphore_mem>>) src(%dma_wait3A_31 : memref<24x128xf32, #tpu.memory_space<hbm>>) dst(%dma_wait3A_28 : memref<24x128xf32, #tpu.memory_space<vmem_shared>>)
        tpu.yield
      }) : () -> ()
    } else {
    }
    "tpu.region"() ({
      %run_scoped3A = tpu.sem_alloc : memref<!tpu.dma_semaphore, #tpu.memory_space<semaphore_mem>>
      %dma_start3A = arith.constant 0 : i32
      %dma_start3A_22 = arith.constant 0 : i32
      %dma_start3A_23 = tpu.memref_slice %arg2[%add3A, %dma_start3A, %dma_start3A_22] : memref<32x80x128xi32, #tpu.memory_space<hbm>> -> memref<1x80x128xi32, #tpu.memory_space<hbm>>
      %dma_start3A_24 = tpu.memref_squeeze %dma_start3A_23 : memref<1x80x128xi32, #tpu.memory_space<hbm>> -> memref<80x128xi32, #tpu.memory_space<hbm>>
      %dma_start3A_25 = arith.constant 0 : i32
      %dma_start3A_26 = arith.constant 0 : i32
      %dma_start3A_27 = tpu.memref_slice %arg2[%add3A, %dma_start3A_25, %dma_start3A_26] : memref<32x80x128xi32, #tpu.memory_space<hbm>> -> memref<1x80x128xi32, #tpu.memory_space<hbm>>
      %dma_start3A_28 = tpu.memref_squeeze %dma_start3A_27 : memref<1x80x128xi32, #tpu.memory_space<hbm>> -> memref<80x128xi32, #tpu.memory_space<hbm>>
      tpu.enqueue_dma source(%dma_start3A_28 : memref<80x128xi32, #tpu.memory_space<hbm>>) target(%arg6 : memref<80x128xi32, #tpu.memory_space<vmem>>) target_semaphore(%run_scoped3A : memref<!tpu.dma_semaphore, #tpu.memory_space<semaphore_mem>>)
      %dma_wait3A = arith.constant 0 : i32
      %dma_wait3A_29 = arith.constant 0 : i32
      %dma_wait3A_30 = tpu.memref_slice %arg2[%add3A, %dma_wait3A, %dma_wait3A_29] : memref<32x80x128xi32, #tpu.memory_space<hbm>> -> memref<1x80x128xi32, #tpu.memory_space<hbm>>
      %dma_wait3A_31 = tpu.memref_squeeze %dma_wait3A_30 : memref<1x80x128xi32, #tpu.memory_space<hbm>> -> memref<80x128xi32, #tpu.memory_space<hbm>>
      %dma_wait3A_32 = arith.constant 0 : i32
      %dma_wait3A_33 = arith.constant 0 : i32
      %dma_wait3A_34 = tpu.memref_slice %arg2[%add3A, %dma_wait3A_32, %dma_wait3A_33] : memref<32x80x128xi32, #tpu.memory_space<hbm>> -> memref<1x80x128xi32, #tpu.memory_space<hbm>>
      %dma_wait3A_35 = tpu.memref_squeeze %dma_wait3A_34 : memref<1x80x128xi32, #tpu.memory_space<hbm>> -> memref<80x128xi32, #tpu.memory_space<hbm>>
      tpu.wait_dma2 semaphore(%run_scoped3A : memref<!tpu.dma_semaphore, #tpu.memory_space<semaphore_mem>>) src(%dma_wait3A_35 : memref<80x128xi32, #tpu.memory_space<hbm>>) dst(%arg6 : memref<80x128xi32, #tpu.memory_space<vmem>>)
      tpu.yield
    }) : () -> ()
    "tpu.region"() ({
      %run_scoped3A = tpu.sem_alloc : memref<!tpu.dma_semaphore, #tpu.memory_space<semaphore_mem>>
      tpu.enqueue_dma source(%arg4 : memref<128x128xf32, #tpu.memory_space<hbm>>) target(%arg7 : memref<128x128xf32, #tpu.memory_space<vmem>>) target_semaphore(%run_scoped3A : memref<!tpu.dma_semaphore, #tpu.memory_space<semaphore_mem>>)
      tpu.wait_dma2 semaphore(%run_scoped3A : memref<!tpu.dma_semaphore, #tpu.memory_space<semaphore_mem>>) src(%arg4 : memref<128x128xf32, #tpu.memory_space<hbm>>) dst(%arg7 : memref<128x128xf32, #tpu.memory_space<vmem>>)
      tpu.yield
    }) : () -> ()
    %barrier3A = arith.constant 0 : index
    tpu.barrier barrier_id(%barrier3A)
    %scan3A = arith.constant 0 : i32
    %scan3A_7 = arith.constant 0 : i32
    %scan3A_8 = arith.constant 80 : i32
    %scan3A_9 = arith.addi %scan3A_7, %scan3A_8 : i32
    %scan3A_10 = arith.constant 1 : i32
    scf.for %scan3A_22 = %scan3A_7 to %scan3A_9 step %scan3A_10  : i32 {
      "tpu.region"() ({
        %run_scoped3A = tpu.sem_alloc : memref<!tpu.dma_semaphore, #tpu.memory_space<semaphore_mem>>
        %dma_start3A = arith.constant 0 : i32
        %dma_start3A_23 = tpu.memref_slice %arg6[%scan3A_22, %dma_start3A] : memref<80x128xi32, #tpu.memory_space<vmem>> -> memref<1x128xi32, #tpu.memory_space<vmem>>
        %dma_start3A_24 = tpu.memref_squeeze %dma_start3A_23 : memref<1x128xi32, #tpu.memory_space<vmem>> -> memref<128xi32, #tpu.memory_space<vmem>>
        %dma_start3A_25 = arith.constant 0 : i32
        %dma_start3A_26 = arith.constant 0 : i32
        %dma_start3A_27 = tpu.memref_slice %arg8[%dma_start3A_25, %dma_start3A_26] : memref<10008x128xf32, #tpu.memory_space<vmem_shared>> -> memref<10008x128xf32, #tpu.memory_space<vmem_shared>>
        tpu.enqueue_indirect_dma source(%arg7 : memref<128x128xf32, #tpu.memory_space<vmem>>) target(%dma_start3A_27 : memref<10008x128xf32, #tpu.memory_space<vmem_shared>>) offsets(%dma_start3A_24 : memref<128xi32, #tpu.memory_space<vmem>>) semaphore(%run_scoped3A : memref<!tpu.dma_semaphore, #tpu.memory_space<semaphore_mem>>) {add = true}
        %dma_wait3A = arith.constant 0 : i32
        %dma_wait3A_28 = tpu.memref_slice %arg6[%scan3A_22, %dma_wait3A] : memref<80x128xi32, #tpu.memory_space<vmem>> -> memref<1x128xi32, #tpu.memory_space<vmem>>
        %dma_wait3A_29 = tpu.memref_squeeze %dma_wait3A_28 : memref<1x128xi32, #tpu.memory_space<vmem>> -> memref<128xi32, #tpu.memory_space<vmem>>
        %dma_wait3A_30 = arith.constant 0 : i32
        %dma_wait3A_31 = arith.constant 0 : i32
        %dma_wait3A_32 = tpu.memref_slice %arg8[%dma_wait3A_30, %dma_wait3A_31] : memref<10008x128xf32, #tpu.memory_space<vmem_shared>> -> memref<10008x128xf32, #tpu.memory_space<vmem_shared>>
        tpu.wait_indirect_dma semaphore(%run_scoped3A : memref<!tpu.dma_semaphore, #tpu.memory_space<semaphore_mem>>) src(%arg7 : memref<128x128xf32, #tpu.memory_space<vmem>>) dst(%dma_wait3A_32 : memref<10008x128xf32, #tpu.memory_space<vmem_shared>>)
        tpu.yield
      }) : () -> ()
    }
    %scan3A_11 = arith.constant 80 : i32
    %barrier3A_12 = arith.constant 0 : index
    tpu.barrier barrier_id(%barrier3A_12)
    %mul3A_13 = arith.constant 624 : i32
    %mul3A_14 = arith.muli %arg1, %mul3A_13 : i32
    %mul3A_15 = arith.constant 624 : i32
    %mul3A_16 = arith.muli %arg1, %mul3A_15 : i32
    "tpu.region"() ({
      %run_scoped3A = tpu.sem_alloc : memref<!tpu.dma_semaphore, #tpu.memory_space<semaphore_mem>>
      %dma_start3A = arith.constant 0 : i32
      %dma_start3A_22 = tpu.memref_slice %arg5[%arg0, %mul3A_16, %dma_start3A] : memref<2x10008x128xf32, #tpu.memory_space<hbm>> -> memref<1x624x128xf32, #tpu.memory_space<hbm>>
      %dma_start3A_23 = tpu.memref_squeeze %dma_start3A_22 : memref<1x624x128xf32, #tpu.memory_space<hbm>> -> memref<624x128xf32, #tpu.memory_space<hbm>>
      %dma_start3A_24 = arith.constant 0 : i32
      %dma_start3A_25 = tpu.memref_slice %arg8[%mul3A_14, %dma_start3A_24] : memref<10008x128xf32, #tpu.memory_space<vmem_shared>> -> memref<624x128xf32, #tpu.memory_space<vmem_shared>>
      tpu.enqueue_dma source(%dma_start3A_25 : memref<624x128xf32, #tpu.memory_space<vmem_shared>>) target(%dma_start3A_23 : memref<624x128xf32, #tpu.memory_space<hbm>>) target_semaphore(%run_scoped3A : memref<!tpu.dma_semaphore, #tpu.memory_space<semaphore_mem>>)
      %dma_wait3A = arith.constant 0 : i32
      %dma_wait3A_26 = tpu.memref_slice %arg5[%arg0, %mul3A_16, %dma_wait3A] : memref<2x10008x128xf32, #tpu.memory_space<hbm>> -> memref<1x624x128xf32, #tpu.memory_space<hbm>>
      %dma_wait3A_27 = tpu.memref_squeeze %dma_wait3A_26 : memref<1x624x128xf32, #tpu.memory_space<hbm>> -> memref<624x128xf32, #tpu.memory_space<hbm>>
      %dma_wait3A_28 = arith.constant 0 : i32
      %dma_wait3A_29 = tpu.memref_slice %arg8[%mul3A_14, %dma_wait3A_28] : memref<10008x128xf32, #tpu.memory_space<vmem_shared>> -> memref<624x128xf32, #tpu.memory_space<vmem_shared>>
      tpu.wait_dma2 semaphore(%run_scoped3A : memref<!tpu.dma_semaphore, #tpu.memory_space<semaphore_mem>>) src(%dma_wait3A_29 : memref<624x128xf32, #tpu.memory_space<vmem_shared>>) dst(%dma_wait3A_27 : memref<624x128xf32, #tpu.memory_space<hbm>>)
      tpu.yield
    }) : () -> ()
    %eq3A_17 = arith.constant 0 : i32
    %eq3A_18 = arith.cmpi eq, %arg1, %eq3A_17 : i32
    %convert_element_type3A_19 = arith.extui %eq3A_18 : i1 to i32
    %cond3A_20 = arith.constant 0 : i32
    %cond3A_21 = arith.cmpi ne, %convert_element_type3A_19, %cond3A_20 : i32
    scf.if %cond3A_21 {
      "tpu.region"() ({
        %run_scoped3A = tpu.sem_alloc : memref<!tpu.dma_semaphore, #tpu.memory_space<semaphore_mem>>
        %dma_start3A = arith.constant 9984 : i32
        %dma_start3A_22 = arith.constant 0 : i32
        %dma_start3A_23 = tpu.memref_slice %arg5[%arg0, %dma_start3A, %dma_start3A_22] : memref<2x10008x128xf32, #tpu.memory_space<hbm>> -> memref<1x24x128xf32, #tpu.memory_space<hbm>>
        %dma_start3A_24 = tpu.memref_squeeze %dma_start3A_23 : memref<1x24x128xf32, #tpu.memory_space<hbm>> -> memref<24x128xf32, #tpu.memory_space<hbm>>
        %dma_start3A_25 = arith.constant 9984 : i32
        %dma_start3A_26 = arith.constant 0 : i32
        %dma_start3A_27 = tpu.memref_slice %arg8[%dma_start3A_25, %dma_start3A_26] : memref<10008x128xf32, #tpu.memory_space<vmem_shared>> -> memref<24x128xf32, #tpu.memory_space<vmem_shared>>
        tpu.enqueue_dma source(%dma_start3A_27 : memref<24x128xf32, #tpu.memory_space<vmem_shared>>) target(%dma_start3A_24 : memref<24x128xf32, #tpu.memory_space<hbm>>) target_semaphore(%run_scoped3A : memref<!tpu.dma_semaphore, #tpu.memory_space<semaphore_mem>>)
        %dma_wait3A = arith.constant 9984 : i32
        %dma_wait3A_28 = arith.constant 0 : i32
        %dma_wait3A_29 = tpu.memref_slice %arg5[%arg0, %dma_wait3A, %dma_wait3A_28] : memref<2x10008x128xf32, #tpu.memory_space<hbm>> -> memref<1x24x128xf32, #tpu.memory_space<hbm>>
        %dma_wait3A_30 = tpu.memref_squeeze %dma_wait3A_29 : memref<1x24x128xf32, #tpu.memory_space<hbm>> -> memref<24x128xf32, #tpu.memory_space<hbm>>
        %dma_wait3A_31 = arith.constant 9984 : i32
        %dma_wait3A_32 = arith.constant 0 : i32
        %dma_wait3A_33 = tpu.memref_slice %arg8[%dma_wait3A_31, %dma_wait3A_32] : memref<10008x128xf32, #tpu.memory_space<vmem_shared>> -> memref<24x128xf32, #tpu.memory_space<vmem_shared>>
        tpu.wait_dma2 semaphore(%run_scoped3A : memref<!tpu.dma_semaphore, #tpu.memory_space<semaphore_mem>>) src(%dma_wait3A_33 : memref<24x128xf32, #tpu.memory_space<vmem_shared>>) dst(%dma_wait3A_30 : memref<24x128xf32, #tpu.memory_space<hbm>>)
        tpu.yield
      }) : () -> ()
    } else {
    }
    return
  }
}

#map = affine_map<(d0, d1) -> (0, 0)>
#map1 = affine_map<(d0, d1) -> (0, 0, 0, 0)>
#map2 = affine_map<(d0, d1) -> (0, 0, 0)>
module attributes {stable_mosaic.version = 14 : i64} {
  func.func @_sc_segsum(%arg0: i32, %arg1: i32, %arg2: memref<10000x128xf32, #tpu.memory_space<hbm>>, %arg3: memref<32x2x40x128xi32, #tpu.memory_space<hbm>>, %arg4: memref<32x2x40x128xi32, #tpu.memory_space<hbm>>, %arg5: memref<10008x128xf32, #tpu.memory_space<hbm>>, %arg6: memref<2x10008x128xf32, #tpu.memory_space<hbm>>, %arg7: memref<40x128xi32, #tpu.memory_space<vmem>>, %arg8: memref<40x128xi32, #tpu.memory_space<vmem>>, %arg9: memref<128x128xf32, #tpu.memory_space<vmem>>, %arg10: memref<128x128xf32, #tpu.memory_space<vmem>>, %arg11: memref<10008x128xf32, #tpu.memory_space<vmem_shared>>, %arg12: memref<!tpu.dma_semaphore, #tpu.memory_space<semaphore_mem>>, %arg13: memref<!tpu.dma_semaphore, #tpu.memory_space<semaphore_mem>>) attributes {dimension_semantics = [#tpu.dimension_semantics<core_parallel>, #tpu.dimension_semantics<subcore_parallel>], iteration_bounds = array<i64: 2, 16>, scalar_prefetch = 0 : i64, scratch_operands = 7 : i64, tpu.core_type = #tpu.core_type<sc_vector_subcore>, window_params = [{transform_indices = #map}, {transform_indices = #map1}, {transform_indices = #map1}, {transform_indices = #map}, {transform_indices = #map2}]} {
    %mul3A = arith.constant 2 : i32
    %mul3A_0 = arith.muli %arg1, %mul3A : i32
    %add3A = arith.addi %mul3A_0, %arg0 : i32
    %mul3A_1 = arith.constant 624 : i32
    %mul3A_2 = arith.muli %arg1, %mul3A_1 : i32
    %mul3A_3 = arith.constant 624 : i32
    %mul3A_4 = arith.muli %arg1, %mul3A_3 : i32
    "tpu.region"() ({
      %run_scoped3A_83 = tpu.sem_alloc : memref<!tpu.dma_semaphore, #tpu.memory_space<semaphore_mem>>
      %dma_start3A_84 = arith.constant 0 : i32
      %dma_start3A_85 = tpu.memref_slice %arg11[%mul3A_4, %dma_start3A_84] : memref<10008x128xf32, #tpu.memory_space<vmem_shared>> -> memref<624x128xf32, #tpu.memory_space<vmem_shared>>
      %dma_start3A_86 = arith.constant 0 : i32
      %dma_start3A_87 = tpu.memref_slice %arg5[%mul3A_2, %dma_start3A_86] : memref<10008x128xf32, #tpu.memory_space<hbm>> -> memref<624x128xf32, #tpu.memory_space<hbm>>
      tpu.enqueue_dma source(%dma_start3A_87 : memref<624x128xf32, #tpu.memory_space<hbm>>) target(%dma_start3A_85 : memref<624x128xf32, #tpu.memory_space<vmem_shared>>) target_semaphore(%run_scoped3A_83 : memref<!tpu.dma_semaphore, #tpu.memory_space<semaphore_mem>>)
      %dma_wait3A_88 = arith.constant 0 : i32
      %dma_wait3A_89 = tpu.memref_slice %arg11[%mul3A_4, %dma_wait3A_88] : memref<10008x128xf32, #tpu.memory_space<vmem_shared>> -> memref<624x128xf32, #tpu.memory_space<vmem_shared>>
      %dma_wait3A_90 = arith.constant 0 : i32
      %dma_wait3A_91 = tpu.memref_slice %arg5[%mul3A_2, %dma_wait3A_90] : memref<10008x128xf32, #tpu.memory_space<hbm>> -> memref<624x128xf32, #tpu.memory_space<hbm>>
      tpu.wait_dma2 semaphore(%run_scoped3A_83 : memref<!tpu.dma_semaphore, #tpu.memory_space<semaphore_mem>>) src(%dma_wait3A_91 : memref<624x128xf32, #tpu.memory_space<hbm>>) dst(%dma_wait3A_89 : memref<624x128xf32, #tpu.memory_space<vmem_shared>>)
      tpu.yield
    }) : () -> ()
    %eq3A = arith.constant 0 : i32
    %eq3A_5 = arith.cmpi eq, %arg1, %eq3A : i32
    %convert_element_type3A = arith.extui %eq3A_5 : i1 to i32
    %cond3A = arith.constant 0 : i32
    %cond3A_6 = arith.cmpi ne, %convert_element_type3A, %cond3A : i32
    scf.if %cond3A_6 {
      "tpu.region"() ({
        %run_scoped3A_83 = tpu.sem_alloc : memref<!tpu.dma_semaphore, #tpu.memory_space<semaphore_mem>>
        %dma_start3A_84 = arith.constant 9984 : i32
        %dma_start3A_85 = arith.constant 0 : i32
        %dma_start3A_86 = tpu.memref_slice %arg11[%dma_start3A_84, %dma_start3A_85] : memref<10008x128xf32, #tpu.memory_space<vmem_shared>> -> memref<24x128xf32, #tpu.memory_space<vmem_shared>>
        %dma_start3A_87 = arith.constant 9984 : i32
        %dma_start3A_88 = arith.constant 0 : i32
        %dma_start3A_89 = tpu.memref_slice %arg5[%dma_start3A_87, %dma_start3A_88] : memref<10008x128xf32, #tpu.memory_space<hbm>> -> memref<24x128xf32, #tpu.memory_space<hbm>>
        tpu.enqueue_dma source(%dma_start3A_89 : memref<24x128xf32, #tpu.memory_space<hbm>>) target(%dma_start3A_86 : memref<24x128xf32, #tpu.memory_space<vmem_shared>>) target_semaphore(%run_scoped3A_83 : memref<!tpu.dma_semaphore, #tpu.memory_space<semaphore_mem>>)
        %dma_wait3A_90 = arith.constant 9984 : i32
        %dma_wait3A_91 = arith.constant 0 : i32
        %dma_wait3A_92 = tpu.memref_slice %arg11[%dma_wait3A_90, %dma_wait3A_91] : memref<10008x128xf32, #tpu.memory_space<vmem_shared>> -> memref<24x128xf32, #tpu.memory_space<vmem_shared>>
        %dma_wait3A_93 = arith.constant 9984 : i32
        %dma_wait3A_94 = arith.constant 0 : i32
        %dma_wait3A_95 = tpu.memref_slice %arg5[%dma_wait3A_93, %dma_wait3A_94] : memref<10008x128xf32, #tpu.memory_space<hbm>> -> memref<24x128xf32, #tpu.memory_space<hbm>>
        tpu.wait_dma2 semaphore(%run_scoped3A_83 : memref<!tpu.dma_semaphore, #tpu.memory_space<semaphore_mem>>) src(%dma_wait3A_95 : memref<24x128xf32, #tpu.memory_space<hbm>>) dst(%dma_wait3A_92 : memref<24x128xf32, #tpu.memory_space<vmem_shared>>)
        tpu.yield
      }) : () -> ()
    } else {
    }
    %barrier3A = arith.constant 0 : index
    tpu.barrier barrier_id(%barrier3A)
    %run_scoped3A = arith.constant 0 : i32
    "tpu.region"() ({
      %run_scoped3A_83 = tpu.sem_alloc : memref<!tpu.dma_semaphore, #tpu.memory_space<semaphore_mem>>
      %dma_start3A_84 = arith.constant 0 : i32
      %dma_start3A_85 = arith.constant 0 : i32
      %dma_start3A_86 = tpu.memref_slice %arg3[%add3A, %run_scoped3A, %dma_start3A_84, %dma_start3A_85] : memref<32x2x40x128xi32, #tpu.memory_space<hbm>> -> memref<1x1x40x128xi32, #tpu.memory_space<hbm>>
      %dma_start3A_87 = tpu.memref_squeeze %dma_start3A_86 : memref<1x1x40x128xi32, #tpu.memory_space<hbm>> -> memref<40x128xi32, #tpu.memory_space<hbm>>
      %dma_start3A_88 = arith.constant 0 : i32
      %dma_start3A_89 = arith.constant 0 : i32
      %dma_start3A_90 = tpu.memref_slice %arg3[%add3A, %run_scoped3A, %dma_start3A_88, %dma_start3A_89] : memref<32x2x40x128xi32, #tpu.memory_space<hbm>> -> memref<1x1x40x128xi32, #tpu.memory_space<hbm>>
      %dma_start3A_91 = tpu.memref_squeeze %dma_start3A_90 : memref<1x1x40x128xi32, #tpu.memory_space<hbm>> -> memref<40x128xi32, #tpu.memory_space<hbm>>
      tpu.enqueue_dma source(%dma_start3A_91 : memref<40x128xi32, #tpu.memory_space<hbm>>) target(%arg7 : memref<40x128xi32, #tpu.memory_space<vmem>>) target_semaphore(%run_scoped3A_83 : memref<!tpu.dma_semaphore, #tpu.memory_space<semaphore_mem>>)
      %dma_wait3A_92 = arith.constant 0 : i32
      %dma_wait3A_93 = arith.constant 0 : i32
      %dma_wait3A_94 = tpu.memref_slice %arg3[%add3A, %run_scoped3A, %dma_wait3A_92, %dma_wait3A_93] : memref<32x2x40x128xi32, #tpu.memory_space<hbm>> -> memref<1x1x40x128xi32, #tpu.memory_space<hbm>>
      %dma_wait3A_95 = tpu.memref_squeeze %dma_wait3A_94 : memref<1x1x40x128xi32, #tpu.memory_space<hbm>> -> memref<40x128xi32, #tpu.memory_space<hbm>>
      %dma_wait3A_96 = arith.constant 0 : i32
      %dma_wait3A_97 = arith.constant 0 : i32
      %dma_wait3A_98 = tpu.memref_slice %arg3[%add3A, %run_scoped3A, %dma_wait3A_96, %dma_wait3A_97] : memref<32x2x40x128xi32, #tpu.memory_space<hbm>> -> memref<1x1x40x128xi32, #tpu.memory_space<hbm>>
      %dma_wait3A_99 = tpu.memref_squeeze %dma_wait3A_98 : memref<1x1x40x128xi32, #tpu.memory_space<hbm>> -> memref<40x128xi32, #tpu.memory_space<hbm>>
      tpu.wait_dma2 semaphore(%run_scoped3A_83 : memref<!tpu.dma_semaphore, #tpu.memory_space<semaphore_mem>>) src(%dma_wait3A_99 : memref<40x128xi32, #tpu.memory_space<hbm>>) dst(%arg7 : memref<40x128xi32, #tpu.memory_space<vmem>>)
      tpu.yield
    }) : () -> ()
    %run_scoped3A_7 = arith.constant 0 : i32
    "tpu.region"() ({
      %run_scoped3A_83 = tpu.sem_alloc : memref<!tpu.dma_semaphore, #tpu.memory_space<semaphore_mem>>
      %dma_start3A_84 = arith.constant 0 : i32
      %dma_start3A_85 = arith.constant 0 : i32
      %dma_start3A_86 = tpu.memref_slice %arg4[%add3A, %run_scoped3A_7, %dma_start3A_84, %dma_start3A_85] : memref<32x2x40x128xi32, #tpu.memory_space<hbm>> -> memref<1x1x40x128xi32, #tpu.memory_space<hbm>>
      %dma_start3A_87 = tpu.memref_squeeze %dma_start3A_86 : memref<1x1x40x128xi32, #tpu.memory_space<hbm>> -> memref<40x128xi32, #tpu.memory_space<hbm>>
      %dma_start3A_88 = arith.constant 0 : i32
      %dma_start3A_89 = arith.constant 0 : i32
      %dma_start3A_90 = tpu.memref_slice %arg4[%add3A, %run_scoped3A_7, %dma_start3A_88, %dma_start3A_89] : memref<32x2x40x128xi32, #tpu.memory_space<hbm>> -> memref<1x1x40x128xi32, #tpu.memory_space<hbm>>
      %dma_start3A_91 = tpu.memref_squeeze %dma_start3A_90 : memref<1x1x40x128xi32, #tpu.memory_space<hbm>> -> memref<40x128xi32, #tpu.memory_space<hbm>>
      tpu.enqueue_dma source(%dma_start3A_91 : memref<40x128xi32, #tpu.memory_space<hbm>>) target(%arg8 : memref<40x128xi32, #tpu.memory_space<vmem>>) target_semaphore(%run_scoped3A_83 : memref<!tpu.dma_semaphore, #tpu.memory_space<semaphore_mem>>)
      %dma_wait3A_92 = arith.constant 0 : i32
      %dma_wait3A_93 = arith.constant 0 : i32
      %dma_wait3A_94 = tpu.memref_slice %arg4[%add3A, %run_scoped3A_7, %dma_wait3A_92, %dma_wait3A_93] : memref<32x2x40x128xi32, #tpu.memory_space<hbm>> -> memref<1x1x40x128xi32, #tpu.memory_space<hbm>>
      %dma_wait3A_95 = tpu.memref_squeeze %dma_wait3A_94 : memref<1x1x40x128xi32, #tpu.memory_space<hbm>> -> memref<40x128xi32, #tpu.memory_space<hbm>>
      %dma_wait3A_96 = arith.constant 0 : i32
      %dma_wait3A_97 = arith.constant 0 : i32
      %dma_wait3A_98 = tpu.memref_slice %arg4[%add3A, %run_scoped3A_7, %dma_wait3A_96, %dma_wait3A_97] : memref<32x2x40x128xi32, #tpu.memory_space<hbm>> -> memref<1x1x40x128xi32, #tpu.memory_space<hbm>>
      %dma_wait3A_99 = tpu.memref_squeeze %dma_wait3A_98 : memref<1x1x40x128xi32, #tpu.memory_space<hbm>> -> memref<40x128xi32, #tpu.memory_space<hbm>>
      tpu.wait_dma2 semaphore(%run_scoped3A_83 : memref<!tpu.dma_semaphore, #tpu.memory_space<semaphore_mem>>) src(%dma_wait3A_99 : memref<40x128xi32, #tpu.memory_space<hbm>>) dst(%arg8 : memref<40x128xi32, #tpu.memory_space<vmem>>)
      tpu.yield
    }) : () -> ()
    %dma_start3A = arith.constant 0 : i32
    %dma_start3A_8 = arith.constant 0 : i32
    %dma_start3A_9 = tpu.memref_slice %arg7[%dma_start3A, %dma_start3A_8] : memref<40x128xi32, #tpu.memory_space<vmem>> -> memref<1x128xi32, #tpu.memory_space<vmem>>
    %dma_start3A_10 = tpu.memref_squeeze %dma_start3A_9 : memref<1x128xi32, #tpu.memory_space<vmem>> -> memref<128xi32, #tpu.memory_space<vmem>>
    %dma_start3A_11 = arith.constant 0 : i32
    %dma_start3A_12 = arith.constant 0 : i32
    %dma_start3A_13 = tpu.memref_slice %arg2[%dma_start3A_11, %dma_start3A_12] : memref<10000x128xf32, #tpu.memory_space<hbm>> -> memref<10000x128xf32, #tpu.memory_space<hbm>>
    tpu.enqueue_indirect_dma source(%dma_start3A_13 : memref<10000x128xf32, #tpu.memory_space<hbm>>) target(%arg9 : memref<128x128xf32, #tpu.memory_space<vmem>>) offsets(%dma_start3A_10 : memref<128xi32, #tpu.memory_space<vmem>>) semaphore(%arg12 : memref<!tpu.dma_semaphore, #tpu.memory_space<semaphore_mem>>)
    %dma_start3A_14 = arith.constant 1 : i32
    %dma_start3A_15 = arith.constant 0 : i32
    %dma_start3A_16 = tpu.memref_slice %arg7[%dma_start3A_14, %dma_start3A_15] : memref<40x128xi32, #tpu.memory_space<vmem>> -> memref<1x128xi32, #tpu.memory_space<vmem>>
    %dma_start3A_17 = tpu.memref_squeeze %dma_start3A_16 : memref<1x128xi32, #tpu.memory_space<vmem>> -> memref<128xi32, #tpu.memory_space<vmem>>
    %dma_start3A_18 = arith.constant 0 : i32
    %dma_start3A_19 = arith.constant 0 : i32
    %dma_start3A_20 = tpu.memref_slice %arg2[%dma_start3A_18, %dma_start3A_19] : memref<10000x128xf32, #tpu.memory_space<hbm>> -> memref<10000x128xf32, #tpu.memory_space<hbm>>
    tpu.enqueue_indirect_dma source(%dma_start3A_20 : memref<10000x128xf32, #tpu.memory_space<hbm>>) target(%arg10 : memref<128x128xf32, #tpu.memory_space<vmem>>) offsets(%dma_start3A_17 : memref<128xi32, #tpu.memory_space<vmem>>) semaphore(%arg13 : memref<!tpu.dma_semaphore, #tpu.memory_space<semaphore_mem>>)
    %scan3A = arith.constant 0 : i32
    %scan3A_21 = arith.constant 19 : i32
    %scan3A_22 = arith.addi %scan3A, %scan3A_21 : i32
    %scan3A_23 = arith.constant 1 : i32
    scf.for %scan3A_83 = %scan3A to %scan3A_22 step %scan3A_23  : i32 {
      %mul3A_84 = arith.constant 2 : i32
      %mul3A_85 = arith.muli %scan3A_83, %mul3A_84 : i32
      %add3A_86 = arith.constant 0 : i32
      %add3A_87 = arith.addi %add3A_86, %mul3A_85 : i32
      %add3A_88 = arith.constant 0 : i32
      %add3A_89 = arith.addi %add3A_87, %add3A_88 : i32
      %dma_wait3A_90 = arith.constant 0 : i32
      %dma_wait3A_91 = arith.constant 0 : i32
      %dma_wait3A_92 = tpu.memref_slice %arg5[%dma_wait3A_90, %dma_wait3A_91] : memref<10008x128xf32, #tpu.memory_space<hbm>> -> memref<128x128xf32, #tpu.memory_space<hbm>>
      %dma_wait3A_93 = arith.constant 0 : i32
      %dma_wait3A_94 = arith.constant 0 : i32
      %dma_wait3A_95 = tpu.memref_slice %arg5[%dma_wait3A_93, %dma_wait3A_94] : memref<10008x128xf32, #tpu.memory_space<hbm>> -> memref<128x128xf32, #tpu.memory_space<hbm>>
      tpu.wait_dma2 semaphore(%arg12 : memref<!tpu.dma_semaphore, #tpu.memory_space<semaphore_mem>>) src(%dma_wait3A_95 : memref<128x128xf32, #tpu.memory_space<hbm>>) dst(%arg9 : memref<128x128xf32, #tpu.memory_space<vmem>>)
      "tpu.region"() ({
        %run_scoped3A_120 = tpu.sem_alloc : memref<!tpu.dma_semaphore, #tpu.memory_space<semaphore_mem>>
        %dma_start3A_121 = arith.constant 0 : i32
        %dma_start3A_122 = tpu.memref_slice %arg8[%add3A_89, %dma_start3A_121] : memref<40x128xi32, #tpu.memory_space<vmem>> -> memref<1x128xi32, #tpu.memory_space<vmem>>
        %dma_start3A_123 = tpu.memref_squeeze %dma_start3A_122 : memref<1x128xi32, #tpu.memory_space<vmem>> -> memref<128xi32, #tpu.memory_space<vmem>>
        %dma_start3A_124 = arith.constant 0 : i32
        %dma_start3A_125 = arith.constant 0 : i32
        %dma_start3A_126 = tpu.memref_slice %arg11[%dma_start3A_124, %dma_start3A_125] : memref<10008x128xf32, #tpu.memory_space<vmem_shared>> -> memref<10008x128xf32, #tpu.memory_space<vmem_shared>>
        tpu.enqueue_indirect_dma source(%arg9 : memref<128x128xf32, #tpu.memory_space<vmem>>) target(%dma_start3A_126 : memref<10008x128xf32, #tpu.memory_space<vmem_shared>>) offsets(%dma_start3A_123 : memref<128xi32, #tpu.memory_space<vmem>>) semaphore(%run_scoped3A_120 : memref<!tpu.dma_semaphore, #tpu.memory_space<semaphore_mem>>) {add = true}
        %dma_wait3A_127 = arith.constant 0 : i32
        %dma_wait3A_128 = tpu.memref_slice %arg8[%add3A_89, %dma_wait3A_127] : memref<40x128xi32, #tpu.memory_space<vmem>> -> memref<1x128xi32, #tpu.memory_space<vmem>>
        %dma_wait3A_129 = tpu.memref_squeeze %dma_wait3A_128 : memref<1x128xi32, #tpu.memory_space<vmem>> -> memref<128xi32, #tpu.memory_space<vmem>>
        %dma_wait3A_130 = arith.constant 0 : i32
        %dma_wait3A_131 = arith.constant 0 : i32
        %dma_wait3A_132 = tpu.memref_slice %arg11[%dma_wait3A_130, %dma_wait3A_131] : memref<10008x128xf32, #tpu.memory_space<vmem_shared>> -> memref<10008x128xf32, #tpu.memory_space<vmem_shared>>
        tpu.wait_indirect_dma semaphore(%run_scoped3A_120 : memref<!tpu.dma_semaphore, #tpu.memory_space<semaphore_mem>>) src(%arg9 : memref<128x128xf32, #tpu.memory_space<vmem>>) dst(%dma_wait3A_132 : memref<10008x128xf32, #tpu.memory_space<vmem_shared>>)
        tpu.yield
      }) : () -> ()
      %add3A_96 = arith.constant 2 : i32
      %add3A_97 = arith.addi %add3A_89, %add3A_96 : i32
      %dma_start3A_98 = arith.constant 0 : i32
      %dma_start3A_99 = tpu.memref_slice %arg7[%add3A_97, %dma_start3A_98] : memref<40x128xi32, #tpu.memory_space<vmem>> -> memref<1x128xi32, #tpu.memory_space<vmem>>
      %dma_start3A_100 = tpu.memref_squeeze %dma_start3A_99 : memref<1x128xi32, #tpu.memory_space<vmem>> -> memref<128xi32, #tpu.memory_space<vmem>>
      %dma_start3A_101 = arith.constant 0 : i32
      %dma_start3A_102 = arith.constant 0 : i32
      %dma_start3A_103 = tpu.memref_slice %arg2[%dma_start3A_101, %dma_start3A_102] : memref<10000x128xf32, #tpu.memory_space<hbm>> -> memref<10000x128xf32, #tpu.memory_space<hbm>>
      tpu.enqueue_indirect_dma source(%dma_start3A_103 : memref<10000x128xf32, #tpu.memory_space<hbm>>) target(%arg9 : memref<128x128xf32, #tpu.memory_space<vmem>>) offsets(%dma_start3A_100 : memref<128xi32, #tpu.memory_space<vmem>>) semaphore(%arg12 : memref<!tpu.dma_semaphore, #tpu.memory_space<semaphore_mem>>)
      %add3A_104 = arith.constant 1 : i32
      %add3A_105 = arith.addi %add3A_87, %add3A_104 : i32
      %dma_wait3A_106 = arith.constant 0 : i32
      %dma_wait3A_107 = arith.constant 0 : i32
      %dma_wait3A_108 = tpu.memref_slice %arg5[%dma_wait3A_106, %dma_wait3A_107] : memref<10008x128xf32, #tpu.memory_space<hbm>> -> memref<128x128xf32, #tpu.memory_space<hbm>>
      %dma_wait3A_109 = arith.constant 0 : i32
      %dma_wait3A_110 = arith.constant 0 : i32
      %dma_wait3A_111 = tpu.memref_slice %arg5[%dma_wait3A_109, %dma_wait3A_110] : memref<10008x128xf32, #tpu.memory_space<hbm>> -> memref<128x128xf32, #tpu.memory_space<hbm>>
      tpu.wait_dma2 semaphore(%arg13 : memref<!tpu.dma_semaphore, #tpu.memory_space<semaphore_mem>>) src(%dma_wait3A_111 : memref<128x128xf32, #tpu.memory_space<hbm>>) dst(%arg10 : memref<128x128xf32, #tpu.memory_space<vmem>>)
      "tpu.region"() ({
        %run_scoped3A_120 = tpu.sem_alloc : memref<!tpu.dma_semaphore, #tpu.memory_space<semaphore_mem>>
        %dma_start3A_121 = arith.constant 0 : i32
        %dma_start3A_122 = tpu.memref_slice %arg8[%add3A_105, %dma_start3A_121] : memref<40x128xi32, #tpu.memory_space<vmem>> -> memref<1x128xi32, #tpu.memory_space<vmem>>
        %dma_start3A_123 = tpu.memref_squeeze %dma_start3A_122 : memref<1x128xi32, #tpu.memory_space<vmem>> -> memref<128xi32, #tpu.memory_space<vmem>>
        %dma_start3A_124 = arith.constant 0 : i32
        %dma_start3A_125 = arith.constant 0 : i32
        %dma_start3A_126 = tpu.memref_slice %arg11[%dma_start3A_124, %dma_start3A_125] : memref<10008x128xf32, #tpu.memory_space<vmem_shared>> -> memref<10008x128xf32, #tpu.memory_space<vmem_shared>>
        tpu.enqueue_indirect_dma source(%arg10 : memref<128x128xf32, #tpu.memory_space<vmem>>) target(%dma_start3A_126 : memref<10008x128xf32, #tpu.memory_space<vmem_shared>>) offsets(%dma_start3A_123 : memref<128xi32, #tpu.memory_space<vmem>>) semaphore(%run_scoped3A_120 : memref<!tpu.dma_semaphore, #tpu.memory_space<semaphore_mem>>) {add = true}
        %dma_wait3A_127 = arith.constant 0 : i32
        %dma_wait3A_128 = tpu.memref_slice %arg8[%add3A_105, %dma_wait3A_127] : memref<40x128xi32, #tpu.memory_space<vmem>> -> memref<1x128xi32, #tpu.memory_space<vmem>>
        %dma_wait3A_129 = tpu.memref_squeeze %dma_wait3A_128 : memref<1x128xi32, #tpu.memory_space<vmem>> -> memref<128xi32, #tpu.memory_space<vmem>>
        %dma_wait3A_130 = arith.constant 0 : i32
        %dma_wait3A_131 = arith.constant 0 : i32
        %dma_wait3A_132 = tpu.memref_slice %arg11[%dma_wait3A_130, %dma_wait3A_131] : memref<10008x128xf32, #tpu.memory_space<vmem_shared>> -> memref<10008x128xf32, #tpu.memory_space<vmem_shared>>
        tpu.wait_indirect_dma semaphore(%run_scoped3A_120 : memref<!tpu.dma_semaphore, #tpu.memory_space<semaphore_mem>>) src(%arg10 : memref<128x128xf32, #tpu.memory_space<vmem>>) dst(%dma_wait3A_132 : memref<10008x128xf32, #tpu.memory_space<vmem_shared>>)
        tpu.yield
      }) : () -> ()
      %add3A_112 = arith.constant 2 : i32
      %add3A_113 = arith.addi %add3A_105, %add3A_112 : i32
      %dma_start3A_114 = arith.constant 0 : i32
      %dma_start3A_115 = tpu.memref_slice %arg7[%add3A_113, %dma_start3A_114] : memref<40x128xi32, #tpu.memory_space<vmem>> -> memref<1x128xi32, #tpu.memory_space<vmem>>
      %dma_start3A_116 = tpu.memref_squeeze %dma_start3A_115 : memref<1x128xi32, #tpu.memory_space<vmem>> -> memref<128xi32, #tpu.memory_space<vmem>>
      %dma_start3A_117 = arith.constant 0 : i32
      %dma_start3A_118 = arith.constant 0 : i32
      %dma_start3A_119 = tpu.memref_slice %arg2[%dma_start3A_117, %dma_start3A_118] : memref<10000x128xf32, #tpu.memory_space<hbm>> -> memref<10000x128xf32, #tpu.memory_space<hbm>>
      tpu.enqueue_indirect_dma source(%dma_start3A_119 : memref<10000x128xf32, #tpu.memory_space<hbm>>) target(%arg10 : memref<128x128xf32, #tpu.memory_space<vmem>>) offsets(%dma_start3A_116 : memref<128xi32, #tpu.memory_space<vmem>>) semaphore(%arg13 : memref<!tpu.dma_semaphore, #tpu.memory_space<semaphore_mem>>)
    }
    %scan3A_24 = arith.constant 19 : i32
    %dma_wait3A = arith.constant 0 : i32
    %dma_wait3A_25 = arith.constant 0 : i32
    %dma_wait3A_26 = tpu.memref_slice %arg5[%dma_wait3A, %dma_wait3A_25] : memref<10008x128xf32, #tpu.memory_space<hbm>> -> memref<128x128xf32, #tpu.memory_space<hbm>>
    %dma_wait3A_27 = arith.constant 0 : i32
    %dma_wait3A_28 = arith.constant 0 : i32
    %dma_wait3A_29 = tpu.memref_slice %arg5[%dma_wait3A_27, %dma_wait3A_28] : memref<10008x128xf32, #tpu.memory_space<hbm>> -> memref<128x128xf32, #tpu.memory_space<hbm>>
    tpu.wait_dma2 semaphore(%arg12 : memref<!tpu.dma_semaphore, #tpu.memory_space<semaphore_mem>>) src(%dma_wait3A_29 : memref<128x128xf32, #tpu.memory_space<hbm>>) dst(%arg9 : memref<128x128xf32, #tpu.memory_space<vmem>>)
    %run_scoped3A_30 = arith.constant 38 : i32
    "tpu.region"() ({
      %run_scoped3A_83 = tpu.sem_alloc : memref<!tpu.dma_semaphore, #tpu.memory_space<semaphore_mem>>
      %dma_start3A_84 = arith.constant 0 : i32
      %dma_start3A_85 = tpu.memref_slice %arg8[%run_scoped3A_30, %dma_start3A_84] : memref<40x128xi32, #tpu.memory_space<vmem>> -> memref<1x128xi32, #tpu.memory_space<vmem>>
      %dma_start3A_86 = tpu.memref_squeeze %dma_start3A_85 : memref<1x128xi32, #tpu.memory_space<vmem>> -> memref<128xi32, #tpu.memory_space<vmem>>
      %dma_start3A_87 = arith.constant 0 : i32
      %dma_start3A_88 = arith.constant 0 : i32
      %dma_start3A_89 = tpu.memref_slice %arg11[%dma_start3A_87, %dma_start3A_88] : memref<10008x128xf32, #tpu.memory_space<vmem_shared>> -> memref<10008x128xf32, #tpu.memory_space<vmem_shared>>
      tpu.enqueue_indirect_dma source(%arg9 : memref<128x128xf32, #tpu.memory_space<vmem>>) target(%dma_start3A_89 : memref<10008x128xf32, #tpu.memory_space<vmem_shared>>) offsets(%dma_start3A_86 : memref<128xi32, #tpu.memory_space<vmem>>) semaphore(%run_scoped3A_83 : memref<!tpu.dma_semaphore, #tpu.memory_space<semaphore_mem>>) {add = true}
      %dma_wait3A_90 = arith.constant 0 : i32
      %dma_wait3A_91 = tpu.memref_slice %arg8[%run_scoped3A_30, %dma_wait3A_90] : memref<40x128xi32, #tpu.memory_space<vmem>> -> memref<1x128xi32, #tpu.memory_space<vmem>>
      %dma_wait3A_92 = tpu.memref_squeeze %dma_wait3A_91 : memref<1x128xi32, #tpu.memory_space<vmem>> -> memref<128xi32, #tpu.memory_space<vmem>>
      %dma_wait3A_93 = arith.constant 0 : i32
      %dma_wait3A_94 = arith.constant 0 : i32
      %dma_wait3A_95 = tpu.memref_slice %arg11[%dma_wait3A_93, %dma_wait3A_94] : memref<10008x128xf32, #tpu.memory_space<vmem_shared>> -> memref<10008x128xf32, #tpu.memory_space<vmem_shared>>
      tpu.wait_indirect_dma semaphore(%run_scoped3A_83 : memref<!tpu.dma_semaphore, #tpu.memory_space<semaphore_mem>>) src(%arg9 : memref<128x128xf32, #tpu.memory_space<vmem>>) dst(%dma_wait3A_95 : memref<10008x128xf32, #tpu.memory_space<vmem_shared>>)
      tpu.yield
    }) : () -> ()
    %dma_wait3A_31 = arith.constant 0 : i32
    %dma_wait3A_32 = arith.constant 0 : i32
    %dma_wait3A_33 = tpu.memref_slice %arg5[%dma_wait3A_31, %dma_wait3A_32] : memref<10008x128xf32, #tpu.memory_space<hbm>> -> memref<128x128xf32, #tpu.memory_space<hbm>>
    %dma_wait3A_34 = arith.constant 0 : i32
    %dma_wait3A_35 = arith.constant 0 : i32
    %dma_wait3A_36 = tpu.memref_slice %arg5[%dma_wait3A_34, %dma_wait3A_35] : memref<10008x128xf32, #tpu.memory_space<hbm>> -> memref<128x128xf32, #tpu.memory_space<hbm>>
    tpu.wait_dma2 semaphore(%arg13 : memref<!tpu.dma_semaphore, #tpu.memory_space<semaphore_mem>>) src(%dma_wait3A_36 : memref<128x128xf32, #tpu.memory_space<hbm>>) dst(%arg10 : memref<128x128xf32, #tpu.memory_space<vmem>>)
    %run_scoped3A_37 = arith.constant 39 : i32
    "tpu.region"() ({
      %run_scoped3A_83 = tpu.sem_alloc : memref<!tpu.dma_semaphore, #tpu.memory_space<semaphore_mem>>
      %dma_start3A_84 = arith.constant 0 : i32
      %dma_start3A_85 = tpu.memref_slice %arg8[%run_scoped3A_37, %dma_start3A_84] : memref<40x128xi32, #tpu.memory_space<vmem>> -> memref<1x128xi32, #tpu.memory_space<vmem>>
      %dma_start3A_86 = tpu.memref_squeeze %dma_start3A_85 : memref<1x128xi32, #tpu.memory_space<vmem>> -> memref<128xi32, #tpu.memory_space<vmem>>
      %dma_start3A_87 = arith.constant 0 : i32
      %dma_start3A_88 = arith.constant 0 : i32
      %dma_start3A_89 = tpu.memref_slice %arg11[%dma_start3A_87, %dma_start3A_88] : memref<10008x128xf32, #tpu.memory_space<vmem_shared>> -> memref<10008x128xf32, #tpu.memory_space<vmem_shared>>
      tpu.enqueue_indirect_dma source(%arg10 : memref<128x128xf32, #tpu.memory_space<vmem>>) target(%dma_start3A_89 : memref<10008x128xf32, #tpu.memory_space<vmem_shared>>) offsets(%dma_start3A_86 : memref<128xi32, #tpu.memory_space<vmem>>) semaphore(%run_scoped3A_83 : memref<!tpu.dma_semaphore, #tpu.memory_space<semaphore_mem>>) {add = true}
      %dma_wait3A_90 = arith.constant 0 : i32
      %dma_wait3A_91 = tpu.memref_slice %arg8[%run_scoped3A_37, %dma_wait3A_90] : memref<40x128xi32, #tpu.memory_space<vmem>> -> memref<1x128xi32, #tpu.memory_space<vmem>>
      %dma_wait3A_92 = tpu.memref_squeeze %dma_wait3A_91 : memref<1x128xi32, #tpu.memory_space<vmem>> -> memref<128xi32, #tpu.memory_space<vmem>>
      %dma_wait3A_93 = arith.constant 0 : i32
      %dma_wait3A_94 = arith.constant 0 : i32
      %dma_wait3A_95 = tpu.memref_slice %arg11[%dma_wait3A_93, %dma_wait3A_94] : memref<10008x128xf32, #tpu.memory_space<vmem_shared>> -> memref<10008x128xf32, #tpu.memory_space<vmem_shared>>
      tpu.wait_indirect_dma semaphore(%run_scoped3A_83 : memref<!tpu.dma_semaphore, #tpu.memory_space<semaphore_mem>>) src(%arg10 : memref<128x128xf32, #tpu.memory_space<vmem>>) dst(%dma_wait3A_95 : memref<10008x128xf32, #tpu.memory_space<vmem_shared>>)
      tpu.yield
    }) : () -> ()
    %run_scoped3A_38 = arith.constant 1 : i32
    "tpu.region"() ({
      %run_scoped3A_83 = tpu.sem_alloc : memref<!tpu.dma_semaphore, #tpu.memory_space<semaphore_mem>>
      %dma_start3A_84 = arith.constant 0 : i32
      %dma_start3A_85 = arith.constant 0 : i32
      %dma_start3A_86 = tpu.memref_slice %arg3[%add3A, %run_scoped3A_38, %dma_start3A_84, %dma_start3A_85] : memref<32x2x40x128xi32, #tpu.memory_space<hbm>> -> memref<1x1x40x128xi32, #tpu.memory_space<hbm>>
      %dma_start3A_87 = tpu.memref_squeeze %dma_start3A_86 : memref<1x1x40x128xi32, #tpu.memory_space<hbm>> -> memref<40x128xi32, #tpu.memory_space<hbm>>
      %dma_start3A_88 = arith.constant 0 : i32
      %dma_start3A_89 = arith.constant 0 : i32
      %dma_start3A_90 = tpu.memref_slice %arg3[%add3A, %run_scoped3A_38, %dma_start3A_88, %dma_start3A_89] : memref<32x2x40x128xi32, #tpu.memory_space<hbm>> -> memref<1x1x40x128xi32, #tpu.memory_space<hbm>>
      %dma_start3A_91 = tpu.memref_squeeze %dma_start3A_90 : memref<1x1x40x128xi32, #tpu.memory_space<hbm>> -> memref<40x128xi32, #tpu.memory_space<hbm>>
      tpu.enqueue_dma source(%dma_start3A_91 : memref<40x128xi32, #tpu.memory_space<hbm>>) target(%arg7 : memref<40x128xi32, #tpu.memory_space<vmem>>) target_semaphore(%run_scoped3A_83 : memref<!tpu.dma_semaphore, #tpu.memory_space<semaphore_mem>>)
      %dma_wait3A_92 = arith.constant 0 : i32
      %dma_wait3A_93 = arith.constant 0 : i32
      %dma_wait3A_94 = tpu.memref_slice %arg3[%add3A, %run_scoped3A_38, %dma_wait3A_92, %dma_wait3A_93] : memref<32x2x40x128xi32, #tpu.memory_space<hbm>> -> memref<1x1x40x128xi32, #tpu.memory_space<hbm>>
      %dma_wait3A_95 = tpu.memref_squeeze %dma_wait3A_94 : memref<1x1x40x128xi32, #tpu.memory_space<hbm>> -> memref<40x128xi32, #tpu.memory_space<hbm>>
      %dma_wait3A_96 = arith.constant 0 : i32
      %dma_wait3A_97 = arith.constant 0 : i32
      %dma_wait3A_98 = tpu.memref_slice %arg3[%add3A, %run_scoped3A_38, %dma_wait3A_96, %dma_wait3A_97] : memref<32x2x40x128xi32, #tpu.memory_space<hbm>> -> memref<1x1x40x128xi32, #tpu.memory_space<hbm>>
      %dma_wait3A_99 = tpu.memref_squeeze %dma_wait3A_98 : memref<1x1x40x128xi32, #tpu.memory_space<hbm>> -> memref<40x128xi32, #tpu.memory_space<hbm>>
      tpu.wait_dma2 semaphore(%run_scoped3A_83 : memref<!tpu.dma_semaphore, #tpu.memory_space<semaphore_mem>>) src(%dma_wait3A_99 : memref<40x128xi32, #tpu.memory_space<hbm>>) dst(%arg7 : memref<40x128xi32, #tpu.memory_space<vmem>>)
      tpu.yield
    }) : () -> ()
    %run_scoped3A_39 = arith.constant 1 : i32
    "tpu.region"() ({
      %run_scoped3A_83 = tpu.sem_alloc : memref<!tpu.dma_semaphore, #tpu.memory_space<semaphore_mem>>
      %dma_start3A_84 = arith.constant 0 : i32
      %dma_start3A_85 = arith.constant 0 : i32
      %dma_start3A_86 = tpu.memref_slice %arg4[%add3A, %run_scoped3A_39, %dma_start3A_84, %dma_start3A_85] : memref<32x2x40x128xi32, #tpu.memory_space<hbm>> -> memref<1x1x40x128xi32, #tpu.memory_space<hbm>>
      %dma_start3A_87 = tpu.memref_squeeze %dma_start3A_86 : memref<1x1x40x128xi32, #tpu.memory_space<hbm>> -> memref<40x128xi32, #tpu.memory_space<hbm>>
      %dma_start3A_88 = arith.constant 0 : i32
      %dma_start3A_89 = arith.constant 0 : i32
      %dma_start3A_90 = tpu.memref_slice %arg4[%add3A, %run_scoped3A_39, %dma_start3A_88, %dma_start3A_89] : memref<32x2x40x128xi32, #tpu.memory_space<hbm>> -> memref<1x1x40x128xi32, #tpu.memory_space<hbm>>
      %dma_start3A_91 = tpu.memref_squeeze %dma_start3A_90 : memref<1x1x40x128xi32, #tpu.memory_space<hbm>> -> memref<40x128xi32, #tpu.memory_space<hbm>>
      tpu.enqueue_dma source(%dma_start3A_91 : memref<40x128xi32, #tpu.memory_space<hbm>>) target(%arg8 : memref<40x128xi32, #tpu.memory_space<vmem>>) target_semaphore(%run_scoped3A_83 : memref<!tpu.dma_semaphore, #tpu.memory_space<semaphore_mem>>)
      %dma_wait3A_92 = arith.constant 0 : i32
      %dma_wait3A_93 = arith.constant 0 : i32
      %dma_wait3A_94 = tpu.memref_slice %arg4[%add3A, %run_scoped3A_39, %dma_wait3A_92, %dma_wait3A_93] : memref<32x2x40x128xi32, #tpu.memory_space<hbm>> -> memref<1x1x40x128xi32, #tpu.memory_space<hbm>>
      %dma_wait3A_95 = tpu.memref_squeeze %dma_wait3A_94 : memref<1x1x40x128xi32, #tpu.memory_space<hbm>> -> memref<40x128xi32, #tpu.memory_space<hbm>>
      %dma_wait3A_96 = arith.constant 0 : i32
      %dma_wait3A_97 = arith.constant 0 : i32
      %dma_wait3A_98 = tpu.memref_slice %arg4[%add3A, %run_scoped3A_39, %dma_wait3A_96, %dma_wait3A_97] : memref<32x2x40x128xi32, #tpu.memory_space<hbm>> -> memref<1x1x40x128xi32, #tpu.memory_space<hbm>>
      %dma_wait3A_99 = tpu.memref_squeeze %dma_wait3A_98 : memref<1x1x40x128xi32, #tpu.memory_space<hbm>> -> memref<40x128xi32, #tpu.memory_space<hbm>>
      tpu.wait_dma2 semaphore(%run_scoped3A_83 : memref<!tpu.dma_semaphore, #tpu.memory_space<semaphore_mem>>) src(%dma_wait3A_99 : memref<40x128xi32, #tpu.memory_space<hbm>>) dst(%arg8 : memref<40x128xi32, #tpu.memory_space<vmem>>)
      tpu.yield
    }) : () -> ()
    %dma_start3A_40 = arith.constant 0 : i32
    %dma_start3A_41 = arith.constant 0 : i32
    %dma_start3A_42 = tpu.memref_slice %arg7[%dma_start3A_40, %dma_start3A_41] : memref<40x128xi32, #tpu.memory_space<vmem>> -> memref<1x128xi32, #tpu.memory_space<vmem>>
    %dma_start3A_43 = tpu.memref_squeeze %dma_start3A_42 : memref<1x128xi32, #tpu.memory_space<vmem>> -> memref<128xi32, #tpu.memory_space<vmem>>
    %dma_start3A_44 = arith.constant 0 : i32
    %dma_start3A_45 = arith.constant 0 : i32
    %dma_start3A_46 = tpu.memref_slice %arg2[%dma_start3A_44, %dma_start3A_45] : memref<10000x128xf32, #tpu.memory_space<hbm>> -> memref<10000x128xf32, #tpu.memory_space<hbm>>
    tpu.enqueue_indirect_dma source(%dma_start3A_46 : memref<10000x128xf32, #tpu.memory_space<hbm>>) target(%arg9 : memref<128x128xf32, #tpu.memory_space<vmem>>) offsets(%dma_start3A_43 : memref<128xi32, #tpu.memory_space<vmem>>) semaphore(%arg12 : memref<!tpu.dma_semaphore, #tpu.memory_space<semaphore_mem>>)
    %dma_start3A_47 = arith.constant 1 : i32
    %dma_start3A_48 = arith.constant 0 : i32
    %dma_start3A_49 = tpu.memref_slice %arg7[%dma_start3A_47, %dma_start3A_48] : memref<40x128xi32, #tpu.memory_space<vmem>> -> memref<1x128xi32, #tpu.memory_space<vmem>>
    %dma_start3A_50 = tpu.memref_squeeze %dma_start3A_49 : memref<1x128xi32, #tpu.memory_space<vmem>> -> memref<128xi32, #tpu.memory_space<vmem>>
    %dma_start3A_51 = arith.constant 0 : i32
    %dma_start3A_52 = arith.constant 0 : i32
    %dma_start3A_53 = tpu.memref_slice %arg2[%dma_start3A_51, %dma_start3A_52] : memref<10000x128xf32, #tpu.memory_space<hbm>> -> memref<10000x128xf32, #tpu.memory_space<hbm>>
    tpu.enqueue_indirect_dma source(%dma_start3A_53 : memref<10000x128xf32, #tpu.memory_space<hbm>>) target(%arg10 : memref<128x128xf32, #tpu.memory_space<vmem>>) offsets(%dma_start3A_50 : memref<128xi32, #tpu.memory_space<vmem>>) semaphore(%arg13 : memref<!tpu.dma_semaphore, #tpu.memory_space<semaphore_mem>>)
    %scan3A_54 = arith.constant 0 : i32
    %scan3A_55 = arith.constant 19 : i32
    %scan3A_56 = arith.addi %scan3A_54, %scan3A_55 : i32
    %scan3A_57 = arith.constant 1 : i32
    scf.for %scan3A_83 = %scan3A_54 to %scan3A_56 step %scan3A_57  : i32 {
      %mul3A_84 = arith.constant 2 : i32
      %mul3A_85 = arith.muli %scan3A_83, %mul3A_84 : i32
      %add3A_86 = arith.constant 0 : i32
      %add3A_87 = arith.addi %add3A_86, %mul3A_85 : i32
      %add3A_88 = arith.constant 0 : i32
      %add3A_89 = arith.addi %add3A_87, %add3A_88 : i32
      %dma_wait3A_90 = arith.constant 0 : i32
      %dma_wait3A_91 = arith.constant 0 : i32
      %dma_wait3A_92 = tpu.memref_slice %arg5[%dma_wait3A_90, %dma_wait3A_91] : memref<10008x128xf32, #tpu.memory_space<hbm>> -> memref<128x128xf32, #tpu.memory_space<hbm>>
      %dma_wait3A_93 = arith.constant 0 : i32
      %dma_wait3A_94 = arith.constant 0 : i32
      %dma_wait3A_95 = tpu.memref_slice %arg5[%dma_wait3A_93, %dma_wait3A_94] : memref<10008x128xf32, #tpu.memory_space<hbm>> -> memref<128x128xf32, #tpu.memory_space<hbm>>
      tpu.wait_dma2 semaphore(%arg12 : memref<!tpu.dma_semaphore, #tpu.memory_space<semaphore_mem>>) src(%dma_wait3A_95 : memref<128x128xf32, #tpu.memory_space<hbm>>) dst(%arg9 : memref<128x128xf32, #tpu.memory_space<vmem>>)
      "tpu.region"() ({
        %run_scoped3A_120 = tpu.sem_alloc : memref<!tpu.dma_semaphore, #tpu.memory_space<semaphore_mem>>
        %dma_start3A_121 = arith.constant 0 : i32
        %dma_start3A_122 = tpu.memref_slice %arg8[%add3A_89, %dma_start3A_121] : memref<40x128xi32, #tpu.memory_space<vmem>> -> memref<1x128xi32, #tpu.memory_space<vmem>>
        %dma_start3A_123 = tpu.memref_squeeze %dma_start3A_122 : memref<1x128xi32, #tpu.memory_space<vmem>> -> memref<128xi32, #tpu.memory_space<vmem>>
        %dma_start3A_124 = arith.constant 0 : i32
        %dma_start3A_125 = arith.constant 0 : i32
        %dma_start3A_126 = tpu.memref_slice %arg11[%dma_start3A_124, %dma_start3A_125] : memref<10008x128xf32, #tpu.memory_space<vmem_shared>> -> memref<10008x128xf32, #tpu.memory_space<vmem_shared>>
        tpu.enqueue_indirect_dma source(%arg9 : memref<128x128xf32, #tpu.memory_space<vmem>>) target(%dma_start3A_126 : memref<10008x128xf32, #tpu.memory_space<vmem_shared>>) offsets(%dma_start3A_123 : memref<128xi32, #tpu.memory_space<vmem>>) semaphore(%run_scoped3A_120 : memref<!tpu.dma_semaphore, #tpu.memory_space<semaphore_mem>>) {add = true}
        %dma_wait3A_127 = arith.constant 0 : i32
        %dma_wait3A_128 = tpu.memref_slice %arg8[%add3A_89, %dma_wait3A_127] : memref<40x128xi32, #tpu.memory_space<vmem>> -> memref<1x128xi32, #tpu.memory_space<vmem>>
        %dma_wait3A_129 = tpu.memref_squeeze %dma_wait3A_128 : memref<1x128xi32, #tpu.memory_space<vmem>> -> memref<128xi32, #tpu.memory_space<vmem>>
        %dma_wait3A_130 = arith.constant 0 : i32
        %dma_wait3A_131 = arith.constant 0 : i32
        %dma_wait3A_132 = tpu.memref_slice %arg11[%dma_wait3A_130, %dma_wait3A_131] : memref<10008x128xf32, #tpu.memory_space<vmem_shared>> -> memref<10008x128xf32, #tpu.memory_space<vmem_shared>>
        tpu.wait_indirect_dma semaphore(%run_scoped3A_120 : memref<!tpu.dma_semaphore, #tpu.memory_space<semaphore_mem>>) src(%arg9 : memref<128x128xf32, #tpu.memory_space<vmem>>) dst(%dma_wait3A_132 : memref<10008x128xf32, #tpu.memory_space<vmem_shared>>)
        tpu.yield
      }) : () -> ()
      %add3A_96 = arith.constant 2 : i32
      %add3A_97 = arith.addi %add3A_89, %add3A_96 : i32
      %dma_start3A_98 = arith.constant 0 : i32
      %dma_start3A_99 = tpu.memref_slice %arg7[%add3A_97, %dma_start3A_98] : memref<40x128xi32, #tpu.memory_space<vmem>> -> memref<1x128xi32, #tpu.memory_space<vmem>>
      %dma_start3A_100 = tpu.memref_squeeze %dma_start3A_99 : memref<1x128xi32, #tpu.memory_space<vmem>> -> memref<128xi32, #tpu.memory_space<vmem>>
      %dma_start3A_101 = arith.constant 0 : i32
      %dma_start3A_102 = arith.constant 0 : i32
      %dma_start3A_103 = tpu.memref_slice %arg2[%dma_start3A_101, %dma_start3A_102] : memref<10000x128xf32, #tpu.memory_space<hbm>> -> memref<10000x128xf32, #tpu.memory_space<hbm>>
      tpu.enqueue_indirect_dma source(%dma_start3A_103 : memref<10000x128xf32, #tpu.memory_space<hbm>>) target(%arg9 : memref<128x128xf32, #tpu.memory_space<vmem>>) offsets(%dma_start3A_100 : memref<128xi32, #tpu.memory_space<vmem>>) semaphore(%arg12 : memref<!tpu.dma_semaphore, #tpu.memory_space<semaphore_mem>>)
      %add3A_104 = arith.constant 1 : i32
      %add3A_105 = arith.addi %add3A_87, %add3A_104 : i32
      %dma_wait3A_106 = arith.constant 0 : i32
      %dma_wait3A_107 = arith.constant 0 : i32
      %dma_wait3A_108 = tpu.memref_slice %arg5[%dma_wait3A_106, %dma_wait3A_107] : memref<10008x128xf32, #tpu.memory_space<hbm>> -> memref<128x128xf32, #tpu.memory_space<hbm>>
      %dma_wait3A_109 = arith.constant 0 : i32
      %dma_wait3A_110 = arith.constant 0 : i32
      %dma_wait3A_111 = tpu.memref_slice %arg5[%dma_wait3A_109, %dma_wait3A_110] : memref<10008x128xf32, #tpu.memory_space<hbm>> -> memref<128x128xf32, #tpu.memory_space<hbm>>
      tpu.wait_dma2 semaphore(%arg13 : memref<!tpu.dma_semaphore, #tpu.memory_space<semaphore_mem>>) src(%dma_wait3A_111 : memref<128x128xf32, #tpu.memory_space<hbm>>) dst(%arg10 : memref<128x128xf32, #tpu.memory_space<vmem>>)
      "tpu.region"() ({
        %run_scoped3A_120 = tpu.sem_alloc : memref<!tpu.dma_semaphore, #tpu.memory_space<semaphore_mem>>
        %dma_start3A_121 = arith.constant 0 : i32
        %dma_start3A_122 = tpu.memref_slice %arg8[%add3A_105, %dma_start3A_121] : memref<40x128xi32, #tpu.memory_space<vmem>> -> memref<1x128xi32, #tpu.memory_space<vmem>>
        %dma_start3A_123 = tpu.memref_squeeze %dma_start3A_122 : memref<1x128xi32, #tpu.memory_space<vmem>> -> memref<128xi32, #tpu.memory_space<vmem>>
        %dma_start3A_124 = arith.constant 0 : i32
        %dma_start3A_125 = arith.constant 0 : i32
        %dma_start3A_126 = tpu.memref_slice %arg11[%dma_start3A_124, %dma_start3A_125] : memref<10008x128xf32, #tpu.memory_space<vmem_shared>> -> memref<10008x128xf32, #tpu.memory_space<vmem_shared>>
        tpu.enqueue_indirect_dma source(%arg10 : memref<128x128xf32, #tpu.memory_space<vmem>>) target(%dma_start3A_126 : memref<10008x128xf32, #tpu.memory_space<vmem_shared>>) offsets(%dma_start3A_123 : memref<128xi32, #tpu.memory_space<vmem>>) semaphore(%run_scoped3A_120 : memref<!tpu.dma_semaphore, #tpu.memory_space<semaphore_mem>>) {add = true}
        %dma_wait3A_127 = arith.constant 0 : i32
        %dma_wait3A_128 = tpu.memref_slice %arg8[%add3A_105, %dma_wait3A_127] : memref<40x128xi32, #tpu.memory_space<vmem>> -> memref<1x128xi32, #tpu.memory_space<vmem>>
        %dma_wait3A_129 = tpu.memref_squeeze %dma_wait3A_128 : memref<1x128xi32, #tpu.memory_space<vmem>> -> memref<128xi32, #tpu.memory_space<vmem>>
        %dma_wait3A_130 = arith.constant 0 : i32
        %dma_wait3A_131 = arith.constant 0 : i32
        %dma_wait3A_132 = tpu.memref_slice %arg11[%dma_wait3A_130, %dma_wait3A_131] : memref<10008x128xf32, #tpu.memory_space<vmem_shared>> -> memref<10008x128xf32, #tpu.memory_space<vmem_shared>>
        tpu.wait_indirect_dma semaphore(%run_scoped3A_120 : memref<!tpu.dma_semaphore, #tpu.memory_space<semaphore_mem>>) src(%arg10 : memref<128x128xf32, #tpu.memory_space<vmem>>) dst(%dma_wait3A_132 : memref<10008x128xf32, #tpu.memory_space<vmem_shared>>)
        tpu.yield
      }) : () -> ()
      %add3A_112 = arith.constant 2 : i32
      %add3A_113 = arith.addi %add3A_105, %add3A_112 : i32
      %dma_start3A_114 = arith.constant 0 : i32
      %dma_start3A_115 = tpu.memref_slice %arg7[%add3A_113, %dma_start3A_114] : memref<40x128xi32, #tpu.memory_space<vmem>> -> memref<1x128xi32, #tpu.memory_space<vmem>>
      %dma_start3A_116 = tpu.memref_squeeze %dma_start3A_115 : memref<1x128xi32, #tpu.memory_space<vmem>> -> memref<128xi32, #tpu.memory_space<vmem>>
      %dma_start3A_117 = arith.constant 0 : i32
      %dma_start3A_118 = arith.constant 0 : i32
      %dma_start3A_119 = tpu.memref_slice %arg2[%dma_start3A_117, %dma_start3A_118] : memref<10000x128xf32, #tpu.memory_space<hbm>> -> memref<10000x128xf32, #tpu.memory_space<hbm>>
      tpu.enqueue_indirect_dma source(%dma_start3A_119 : memref<10000x128xf32, #tpu.memory_space<hbm>>) target(%arg10 : memref<128x128xf32, #tpu.memory_space<vmem>>) offsets(%dma_start3A_116 : memref<128xi32, #tpu.memory_space<vmem>>) semaphore(%arg13 : memref<!tpu.dma_semaphore, #tpu.memory_space<semaphore_mem>>)
    }
    %scan3A_58 = arith.constant 19 : i32
    %dma_wait3A_59 = arith.constant 0 : i32
    %dma_wait3A_60 = arith.constant 0 : i32
    %dma_wait3A_61 = tpu.memref_slice %arg5[%dma_wait3A_59, %dma_wait3A_60] : memref<10008x128xf32, #tpu.memory_space<hbm>> -> memref<128x128xf32, #tpu.memory_space<hbm>>
    %dma_wait3A_62 = arith.constant 0 : i32
    %dma_wait3A_63 = arith.constant 0 : i32
    %dma_wait3A_64 = tpu.memref_slice %arg5[%dma_wait3A_62, %dma_wait3A_63] : memref<10008x128xf32, #tpu.memory_space<hbm>> -> memref<128x128xf32, #tpu.memory_space<hbm>>
    tpu.wait_dma2 semaphore(%arg12 : memref<!tpu.dma_semaphore, #tpu.memory_space<semaphore_mem>>) src(%dma_wait3A_64 : memref<128x128xf32, #tpu.memory_space<hbm>>) dst(%arg9 : memref<128x128xf32, #tpu.memory_space<vmem>>)
    %run_scoped3A_65 = arith.constant 38 : i32
    "tpu.region"() ({
      %run_scoped3A_83 = tpu.sem_alloc : memref<!tpu.dma_semaphore, #tpu.memory_space<semaphore_mem>>
      %dma_start3A_84 = arith.constant 0 : i32
      %dma_start3A_85 = tpu.memref_slice %arg8[%run_scoped3A_65, %dma_start3A_84] : memref<40x128xi32, #tpu.memory_space<vmem>> -> memref<1x128xi32, #tpu.memory_space<vmem>>
      %dma_start3A_86 = tpu.memref_squeeze %dma_start3A_85 : memref<1x128xi32, #tpu.memory_space<vmem>> -> memref<128xi32, #tpu.memory_space<vmem>>
      %dma_start3A_87 = arith.constant 0 : i32
      %dma_start3A_88 = arith.constant 0 : i32
      %dma_start3A_89 = tpu.memref_slice %arg11[%dma_start3A_87, %dma_start3A_88] : memref<10008x128xf32, #tpu.memory_space<vmem_shared>> -> memref<10008x128xf32, #tpu.memory_space<vmem_shared>>
      tpu.enqueue_indirect_dma source(%arg9 : memref<128x128xf32, #tpu.memory_space<vmem>>) target(%dma_start3A_89 : memref<10008x128xf32, #tpu.memory_space<vmem_shared>>) offsets(%dma_start3A_86 : memref<128xi32, #tpu.memory_space<vmem>>) semaphore(%run_scoped3A_83 : memref<!tpu.dma_semaphore, #tpu.memory_space<semaphore_mem>>) {add = true}
      %dma_wait3A_90 = arith.constant 0 : i32
      %dma_wait3A_91 = tpu.memref_slice %arg8[%run_scoped3A_65, %dma_wait3A_90] : memref<40x128xi32, #tpu.memory_space<vmem>> -> memref<1x128xi32, #tpu.memory_space<vmem>>
      %dma_wait3A_92 = tpu.memref_squeeze %dma_wait3A_91 : memref<1x128xi32, #tpu.memory_space<vmem>> -> memref<128xi32, #tpu.memory_space<vmem>>
      %dma_wait3A_93 = arith.constant 0 : i32
      %dma_wait3A_94 = arith.constant 0 : i32
      %dma_wait3A_95 = tpu.memref_slice %arg11[%dma_wait3A_93, %dma_wait3A_94] : memref<10008x128xf32, #tpu.memory_space<vmem_shared>> -> memref<10008x128xf32, #tpu.memory_space<vmem_shared>>
      tpu.wait_indirect_dma semaphore(%run_scoped3A_83 : memref<!tpu.dma_semaphore, #tpu.memory_space<semaphore_mem>>) src(%arg9 : memref<128x128xf32, #tpu.memory_space<vmem>>) dst(%dma_wait3A_95 : memref<10008x128xf32, #tpu.memory_space<vmem_shared>>)
      tpu.yield
    }) : () -> ()
    %dma_wait3A_66 = arith.constant 0 : i32
    %dma_wait3A_67 = arith.constant 0 : i32
    %dma_wait3A_68 = tpu.memref_slice %arg5[%dma_wait3A_66, %dma_wait3A_67] : memref<10008x128xf32, #tpu.memory_space<hbm>> -> memref<128x128xf32, #tpu.memory_space<hbm>>
    %dma_wait3A_69 = arith.constant 0 : i32
    %dma_wait3A_70 = arith.constant 0 : i32
    %dma_wait3A_71 = tpu.memref_slice %arg5[%dma_wait3A_69, %dma_wait3A_70] : memref<10008x128xf32, #tpu.memory_space<hbm>> -> memref<128x128xf32, #tpu.memory_space<hbm>>
    tpu.wait_dma2 semaphore(%arg13 : memref<!tpu.dma_semaphore, #tpu.memory_space<semaphore_mem>>) src(%dma_wait3A_71 : memref<128x128xf32, #tpu.memory_space<hbm>>) dst(%arg10 : memref<128x128xf32, #tpu.memory_space<vmem>>)
    %run_scoped3A_72 = arith.constant 39 : i32
    "tpu.region"() ({
      %run_scoped3A_83 = tpu.sem_alloc : memref<!tpu.dma_semaphore, #tpu.memory_space<semaphore_mem>>
      %dma_start3A_84 = arith.constant 0 : i32
      %dma_start3A_85 = tpu.memref_slice %arg8[%run_scoped3A_72, %dma_start3A_84] : memref<40x128xi32, #tpu.memory_space<vmem>> -> memref<1x128xi32, #tpu.memory_space<vmem>>
      %dma_start3A_86 = tpu.memref_squeeze %dma_start3A_85 : memref<1x128xi32, #tpu.memory_space<vmem>> -> memref<128xi32, #tpu.memory_space<vmem>>
      %dma_start3A_87 = arith.constant 0 : i32
      %dma_start3A_88 = arith.constant 0 : i32
      %dma_start3A_89 = tpu.memref_slice %arg11[%dma_start3A_87, %dma_start3A_88] : memref<10008x128xf32, #tpu.memory_space<vmem_shared>> -> memref<10008x128xf32, #tpu.memory_space<vmem_shared>>
      tpu.enqueue_indirect_dma source(%arg10 : memref<128x128xf32, #tpu.memory_space<vmem>>) target(%dma_start3A_89 : memref<10008x128xf32, #tpu.memory_space<vmem_shared>>) offsets(%dma_start3A_86 : memref<128xi32, #tpu.memory_space<vmem>>) semaphore(%run_scoped3A_83 : memref<!tpu.dma_semaphore, #tpu.memory_space<semaphore_mem>>) {add = true}
      %dma_wait3A_90 = arith.constant 0 : i32
      %dma_wait3A_91 = tpu.memref_slice %arg8[%run_scoped3A_72, %dma_wait3A_90] : memref<40x128xi32, #tpu.memory_space<vmem>> -> memref<1x128xi32, #tpu.memory_space<vmem>>
      %dma_wait3A_92 = tpu.memref_squeeze %dma_wait3A_91 : memref<1x128xi32, #tpu.memory_space<vmem>> -> memref<128xi32, #tpu.memory_space<vmem>>
      %dma_wait3A_93 = arith.constant 0 : i32
      %dma_wait3A_94 = arith.constant 0 : i32
      %dma_wait3A_95 = tpu.memref_slice %arg11[%dma_wait3A_93, %dma_wait3A_94] : memref<10008x128xf32, #tpu.memory_space<vmem_shared>> -> memref<10008x128xf32, #tpu.memory_space<vmem_shared>>
      tpu.wait_indirect_dma semaphore(%run_scoped3A_83 : memref<!tpu.dma_semaphore, #tpu.memory_space<semaphore_mem>>) src(%arg10 : memref<128x128xf32, #tpu.memory_space<vmem>>) dst(%dma_wait3A_95 : memref<10008x128xf32, #tpu.memory_space<vmem_shared>>)
      tpu.yield
    }) : () -> ()
    %barrier3A_73 = arith.constant 0 : index
    tpu.barrier barrier_id(%barrier3A_73)
    %mul3A_74 = arith.constant 624 : i32
    %mul3A_75 = arith.muli %arg1, %mul3A_74 : i32
    %mul3A_76 = arith.constant 624 : i32
    %mul3A_77 = arith.muli %arg1, %mul3A_76 : i32
    "tpu.region"() ({
      %run_scoped3A_83 = tpu.sem_alloc : memref<!tpu.dma_semaphore, #tpu.memory_space<semaphore_mem>>
      %dma_start3A_84 = arith.constant 0 : i32
      %dma_start3A_85 = tpu.memref_slice %arg6[%arg0, %mul3A_77, %dma_start3A_84] : memref<2x10008x128xf32, #tpu.memory_space<hbm>> -> memref<1x624x128xf32, #tpu.memory_space<hbm>>
      %dma_start3A_86 = tpu.memref_squeeze %dma_start3A_85 : memref<1x624x128xf32, #tpu.memory_space<hbm>> -> memref<624x128xf32, #tpu.memory_space<hbm>>
      %dma_start3A_87 = arith.constant 0 : i32
      %dma_start3A_88 = tpu.memref_slice %arg11[%mul3A_75, %dma_start3A_87] : memref<10008x128xf32, #tpu.memory_space<vmem_shared>> -> memref<624x128xf32, #tpu.memory_space<vmem_shared>>
      tpu.enqueue_dma source(%dma_start3A_88 : memref<624x128xf32, #tpu.memory_space<vmem_shared>>) target(%dma_start3A_86 : memref<624x128xf32, #tpu.memory_space<hbm>>) target_semaphore(%run_scoped3A_83 : memref<!tpu.dma_semaphore, #tpu.memory_space<semaphore_mem>>)
      %dma_wait3A_89 = arith.constant 0 : i32
      %dma_wait3A_90 = tpu.memref_slice %arg6[%arg0, %mul3A_77, %dma_wait3A_89] : memref<2x10008x128xf32, #tpu.memory_space<hbm>> -> memref<1x624x128xf32, #tpu.memory_space<hbm>>
      %dma_wait3A_91 = tpu.memref_squeeze %dma_wait3A_90 : memref<1x624x128xf32, #tpu.memory_space<hbm>> -> memref<624x128xf32, #tpu.memory_space<hbm>>
      %dma_wait3A_92 = arith.constant 0 : i32
      %dma_wait3A_93 = tpu.memref_slice %arg11[%mul3A_75, %dma_wait3A_92] : memref<10008x128xf32, #tpu.memory_space<vmem_shared>> -> memref<624x128xf32, #tpu.memory_space<vmem_shared>>
      tpu.wait_dma2 semaphore(%run_scoped3A_83 : memref<!tpu.dma_semaphore, #tpu.memory_space<semaphore_mem>>) src(%dma_wait3A_93 : memref<624x128xf32, #tpu.memory_space<vmem_shared>>) dst(%dma_wait3A_91 : memref<624x128xf32, #tpu.memory_space<hbm>>)
      tpu.yield
    }) : () -> ()
    %eq3A_78 = arith.constant 0 : i32
    %eq3A_79 = arith.cmpi eq, %arg1, %eq3A_78 : i32
    %convert_element_type3A_80 = arith.extui %eq3A_79 : i1 to i32
    %cond3A_81 = arith.constant 0 : i32
    %cond3A_82 = arith.cmpi ne, %convert_element_type3A_80, %cond3A_81 : i32
    scf.if %cond3A_82 {
      "tpu.region"() ({
        %run_scoped3A_83 = tpu.sem_alloc : memref<!tpu.dma_semaphore, #tpu.memory_space<semaphore_mem>>
        %dma_start3A_84 = arith.constant 9984 : i32
        %dma_start3A_85 = arith.constant 0 : i32
        %dma_start3A_86 = tpu.memref_slice %arg6[%arg0, %dma_start3A_84, %dma_start3A_85] : memref<2x10008x128xf32, #tpu.memory_space<hbm>> -> memref<1x24x128xf32, #tpu.memory_space<hbm>>
        %dma_start3A_87 = tpu.memref_squeeze %dma_start3A_86 : memref<1x24x128xf32, #tpu.memory_space<hbm>> -> memref<24x128xf32, #tpu.memory_space<hbm>>
        %dma_start3A_88 = arith.constant 9984 : i32
        %dma_start3A_89 = arith.constant 0 : i32
        %dma_start3A_90 = tpu.memref_slice %arg11[%dma_start3A_88, %dma_start3A_89] : memref<10008x128xf32, #tpu.memory_space<vmem_shared>> -> memref<24x128xf32, #tpu.memory_space<vmem_shared>>
        tpu.enqueue_dma source(%dma_start3A_90 : memref<24x128xf32, #tpu.memory_space<vmem_shared>>) target(%dma_start3A_87 : memref<24x128xf32, #tpu.memory_space<hbm>>) target_semaphore(%run_scoped3A_83 : memref<!tpu.dma_semaphore, #tpu.memory_space<semaphore_mem>>)
        %dma_wait3A_91 = arith.constant 9984 : i32
        %dma_wait3A_92 = arith.constant 0 : i32
        %dma_wait3A_93 = tpu.memref_slice %arg6[%arg0, %dma_wait3A_91, %dma_wait3A_92] : memref<2x10008x128xf32, #tpu.memory_space<hbm>> -> memref<1x24x128xf32, #tpu.memory_space<hbm>>
        %dma_wait3A_94 = tpu.memref_squeeze %dma_wait3A_93 : memref<1x24x128xf32, #tpu.memory_space<hbm>> -> memref<24x128xf32, #tpu.memory_space<hbm>>
        %dma_wait3A_95 = arith.constant 9984 : i32
        %dma_wait3A_96 = arith.constant 0 : i32
        %dma_wait3A_97 = tpu.memref_slice %arg11[%dma_wait3A_95, %dma_wait3A_96] : memref<10008x128xf32, #tpu.memory_space<vmem_shared>> -> memref<24x128xf32, #tpu.memory_space<vmem_shared>>
        tpu.wait_dma2 semaphore(%run_scoped3A_83 : memref<!tpu.dma_semaphore, #tpu.memory_space<semaphore_mem>>) src(%dma_wait3A_97 : memref<24x128xf32, #tpu.memory_space<vmem_shared>>) dst(%dma_wait3A_94 : memref<24x128xf32, #tpu.memory_space<hbm>>)
        tpu.yield
      }) : () -> ()
    } else {
    }
    return
  }
}

#map = affine_map<(d0, d1) -> (0, 0)>
#map1 = affine_map<(d0, d1) -> (0, 0, 0, 0)>
#map2 = affine_map<(d0, d1) -> (0, 0, 0)>
module attributes {stable_mosaic.version = 14 : i64} {
  func.func @_sc_segsum(%arg0: i32, %arg1: i32, %arg2: memref<10000x128xf32, #tpu.memory_space<hbm>>, %arg3: memref<32x2x40x128xi32, #tpu.memory_space<hbm>>, %arg4: memref<32x2x40x128xi32, #tpu.memory_space<hbm>>, %arg5: memref<10008x128xf32, #tpu.memory_space<hbm>>, %arg6: memref<2x10008x128xf32, #tpu.memory_space<hbm>>, %arg7: memref<40x128xi32, #tpu.memory_space<vmem>>, %arg8: memref<40x128xi32, #tpu.memory_space<vmem>>, %arg9: memref<128x128xf32, #tpu.memory_space<vmem>>, %arg10: memref<128x128xf32, #tpu.memory_space<vmem>>, %arg11: memref<10008x128xf32, #tpu.memory_space<vmem_shared>>, %arg12: memref<!tpu.dma_semaphore, #tpu.memory_space<semaphore_mem>>, %arg13: memref<!tpu.dma_semaphore, #tpu.memory_space<semaphore_mem>>) attributes {dimension_semantics = [#tpu.dimension_semantics<core_parallel>, #tpu.dimension_semantics<subcore_parallel>], iteration_bounds = array<i64: 2, 16>, scalar_prefetch = 0 : i64, scratch_operands = 7 : i64, tpu.core_type = #tpu.core_type<sc_vector_subcore>, window_params = [{transform_indices = #map}, {transform_indices = #map1}, {transform_indices = #map1}, {transform_indices = #map}, {transform_indices = #map2}]} {
    %mul3A = arith.constant 2 : i32
    %mul3A_0 = arith.muli %arg1, %mul3A : i32
    %add3A = arith.addi %mul3A_0, %arg0 : i32
    %mul3A_1 = arith.constant 624 : i32
    %mul3A_2 = arith.muli %arg1, %mul3A_1 : i32
    %mul3A_3 = arith.constant 624 : i32
    %mul3A_4 = arith.muli %arg1, %mul3A_3 : i32
    "tpu.region"() ({
      %run_scoped3A_83 = tpu.sem_alloc : memref<!tpu.dma_semaphore, #tpu.memory_space<semaphore_mem>>
      %dma_start3A_84 = arith.constant 0 : i32
      %dma_start3A_85 = tpu.memref_slice %arg11[%mul3A_4, %dma_start3A_84] : memref<10008x128xf32, #tpu.memory_space<vmem_shared>> -> memref<624x128xf32, #tpu.memory_space<vmem_shared>>
      %dma_start3A_86 = arith.constant 0 : i32
      %dma_start3A_87 = tpu.memref_slice %arg5[%mul3A_2, %dma_start3A_86] : memref<10008x128xf32, #tpu.memory_space<hbm>> -> memref<624x128xf32, #tpu.memory_space<hbm>>
      tpu.enqueue_dma source(%dma_start3A_87 : memref<624x128xf32, #tpu.memory_space<hbm>>) target(%dma_start3A_85 : memref<624x128xf32, #tpu.memory_space<vmem_shared>>) target_semaphore(%run_scoped3A_83 : memref<!tpu.dma_semaphore, #tpu.memory_space<semaphore_mem>>)
      %dma_wait3A_88 = arith.constant 0 : i32
      %dma_wait3A_89 = tpu.memref_slice %arg11[%mul3A_4, %dma_wait3A_88] : memref<10008x128xf32, #tpu.memory_space<vmem_shared>> -> memref<624x128xf32, #tpu.memory_space<vmem_shared>>
      %dma_wait3A_90 = arith.constant 0 : i32
      %dma_wait3A_91 = tpu.memref_slice %arg5[%mul3A_2, %dma_wait3A_90] : memref<10008x128xf32, #tpu.memory_space<hbm>> -> memref<624x128xf32, #tpu.memory_space<hbm>>
      tpu.wait_dma2 semaphore(%run_scoped3A_83 : memref<!tpu.dma_semaphore, #tpu.memory_space<semaphore_mem>>) src(%dma_wait3A_91 : memref<624x128xf32, #tpu.memory_space<hbm>>) dst(%dma_wait3A_89 : memref<624x128xf32, #tpu.memory_space<vmem_shared>>)
      tpu.yield
    }) : () -> ()
    %eq3A = arith.constant 0 : i32
    %eq3A_5 = arith.cmpi eq, %arg1, %eq3A : i32
    %convert_element_type3A = arith.extui %eq3A_5 : i1 to i32
    %cond3A = arith.constant 0 : i32
    %cond3A_6 = arith.cmpi ne, %convert_element_type3A, %cond3A : i32
    scf.if %cond3A_6 {
      "tpu.region"() ({
        %run_scoped3A_83 = tpu.sem_alloc : memref<!tpu.dma_semaphore, #tpu.memory_space<semaphore_mem>>
        %dma_start3A_84 = arith.constant 9984 : i32
        %dma_start3A_85 = arith.constant 0 : i32
        %dma_start3A_86 = tpu.memref_slice %arg11[%dma_start3A_84, %dma_start3A_85] : memref<10008x128xf32, #tpu.memory_space<vmem_shared>> -> memref<24x128xf32, #tpu.memory_space<vmem_shared>>
        %dma_start3A_87 = arith.constant 9984 : i32
        %dma_start3A_88 = arith.constant 0 : i32
        %dma_start3A_89 = tpu.memref_slice %arg5[%dma_start3A_87, %dma_start3A_88] : memref<10008x128xf32, #tpu.memory_space<hbm>> -> memref<24x128xf32, #tpu.memory_space<hbm>>
        tpu.enqueue_dma source(%dma_start3A_89 : memref<24x128xf32, #tpu.memory_space<hbm>>) target(%dma_start3A_86 : memref<24x128xf32, #tpu.memory_space<vmem_shared>>) target_semaphore(%run_scoped3A_83 : memref<!tpu.dma_semaphore, #tpu.memory_space<semaphore_mem>>)
        %dma_wait3A_90 = arith.constant 9984 : i32
        %dma_wait3A_91 = arith.constant 0 : i32
        %dma_wait3A_92 = tpu.memref_slice %arg11[%dma_wait3A_90, %dma_wait3A_91] : memref<10008x128xf32, #tpu.memory_space<vmem_shared>> -> memref<24x128xf32, #tpu.memory_space<vmem_shared>>
        %dma_wait3A_93 = arith.constant 9984 : i32
        %dma_wait3A_94 = arith.constant 0 : i32
        %dma_wait3A_95 = tpu.memref_slice %arg5[%dma_wait3A_93, %dma_wait3A_94] : memref<10008x128xf32, #tpu.memory_space<hbm>> -> memref<24x128xf32, #tpu.memory_space<hbm>>
        tpu.wait_dma2 semaphore(%run_scoped3A_83 : memref<!tpu.dma_semaphore, #tpu.memory_space<semaphore_mem>>) src(%dma_wait3A_95 : memref<24x128xf32, #tpu.memory_space<hbm>>) dst(%dma_wait3A_92 : memref<24x128xf32, #tpu.memory_space<vmem_shared>>)
        tpu.yield
      }) : () -> ()
    } else {
    }
    %barrier3A = arith.constant 0 : index
    tpu.barrier barrier_id(%barrier3A)
    %run_scoped3A = arith.constant 0 : i32
    "tpu.region"() ({
      %run_scoped3A_83 = tpu.sem_alloc : memref<!tpu.dma_semaphore, #tpu.memory_space<semaphore_mem>>
      %dma_start3A_84 = arith.constant 0 : i32
      %dma_start3A_85 = arith.constant 0 : i32
      %dma_start3A_86 = tpu.memref_slice %arg3[%add3A, %run_scoped3A, %dma_start3A_84, %dma_start3A_85] : memref<32x2x40x128xi32, #tpu.memory_space<hbm>> -> memref<1x1x40x128xi32, #tpu.memory_space<hbm>>
      %dma_start3A_87 = tpu.memref_squeeze %dma_start3A_86 : memref<1x1x40x128xi32, #tpu.memory_space<hbm>> -> memref<40x128xi32, #tpu.memory_space<hbm>>
      %dma_start3A_88 = arith.constant 0 : i32
      %dma_start3A_89 = arith.constant 0 : i32
      %dma_start3A_90 = tpu.memref_slice %arg3[%add3A, %run_scoped3A, %dma_start3A_88, %dma_start3A_89] : memref<32x2x40x128xi32, #tpu.memory_space<hbm>> -> memref<1x1x40x128xi32, #tpu.memory_space<hbm>>
      %dma_start3A_91 = tpu.memref_squeeze %dma_start3A_90 : memref<1x1x40x128xi32, #tpu.memory_space<hbm>> -> memref<40x128xi32, #tpu.memory_space<hbm>>
      tpu.enqueue_dma source(%dma_start3A_91 : memref<40x128xi32, #tpu.memory_space<hbm>>) target(%arg7 : memref<40x128xi32, #tpu.memory_space<vmem>>) target_semaphore(%run_scoped3A_83 : memref<!tpu.dma_semaphore, #tpu.memory_space<semaphore_mem>>)
      %dma_wait3A_92 = arith.constant 0 : i32
      %dma_wait3A_93 = arith.constant 0 : i32
      %dma_wait3A_94 = tpu.memref_slice %arg3[%add3A, %run_scoped3A, %dma_wait3A_92, %dma_wait3A_93] : memref<32x2x40x128xi32, #tpu.memory_space<hbm>> -> memref<1x1x40x128xi32, #tpu.memory_space<hbm>>
      %dma_wait3A_95 = tpu.memref_squeeze %dma_wait3A_94 : memref<1x1x40x128xi32, #tpu.memory_space<hbm>> -> memref<40x128xi32, #tpu.memory_space<hbm>>
      %dma_wait3A_96 = arith.constant 0 : i32
      %dma_wait3A_97 = arith.constant 0 : i32
      %dma_wait3A_98 = tpu.memref_slice %arg3[%add3A, %run_scoped3A, %dma_wait3A_96, %dma_wait3A_97] : memref<32x2x40x128xi32, #tpu.memory_space<hbm>> -> memref<1x1x40x128xi32, #tpu.memory_space<hbm>>
      %dma_wait3A_99 = tpu.memref_squeeze %dma_wait3A_98 : memref<1x1x40x128xi32, #tpu.memory_space<hbm>> -> memref<40x128xi32, #tpu.memory_space<hbm>>
      tpu.wait_dma2 semaphore(%run_scoped3A_83 : memref<!tpu.dma_semaphore, #tpu.memory_space<semaphore_mem>>) src(%dma_wait3A_99 : memref<40x128xi32, #tpu.memory_space<hbm>>) dst(%arg7 : memref<40x128xi32, #tpu.memory_space<vmem>>)
      tpu.yield
    }) : () -> ()
    %run_scoped3A_7 = arith.constant 0 : i32
    "tpu.region"() ({
      %run_scoped3A_83 = tpu.sem_alloc : memref<!tpu.dma_semaphore, #tpu.memory_space<semaphore_mem>>
      %dma_start3A_84 = arith.constant 0 : i32
      %dma_start3A_85 = arith.constant 0 : i32
      %dma_start3A_86 = tpu.memref_slice %arg4[%add3A, %run_scoped3A_7, %dma_start3A_84, %dma_start3A_85] : memref<32x2x40x128xi32, #tpu.memory_space<hbm>> -> memref<1x1x40x128xi32, #tpu.memory_space<hbm>>
      %dma_start3A_87 = tpu.memref_squeeze %dma_start3A_86 : memref<1x1x40x128xi32, #tpu.memory_space<hbm>> -> memref<40x128xi32, #tpu.memory_space<hbm>>
      %dma_start3A_88 = arith.constant 0 : i32
      %dma_start3A_89 = arith.constant 0 : i32
      %dma_start3A_90 = tpu.memref_slice %arg4[%add3A, %run_scoped3A_7, %dma_start3A_88, %dma_start3A_89] : memref<32x2x40x128xi32, #tpu.memory_space<hbm>> -> memref<1x1x40x128xi32, #tpu.memory_space<hbm>>
      %dma_start3A_91 = tpu.memref_squeeze %dma_start3A_90 : memref<1x1x40x128xi32, #tpu.memory_space<hbm>> -> memref<40x128xi32, #tpu.memory_space<hbm>>
      tpu.enqueue_dma source(%dma_start3A_91 : memref<40x128xi32, #tpu.memory_space<hbm>>) target(%arg8 : memref<40x128xi32, #tpu.memory_space<vmem>>) target_semaphore(%run_scoped3A_83 : memref<!tpu.dma_semaphore, #tpu.memory_space<semaphore_mem>>)
      %dma_wait3A_92 = arith.constant 0 : i32
      %dma_wait3A_93 = arith.constant 0 : i32
      %dma_wait3A_94 = tpu.memref_slice %arg4[%add3A, %run_scoped3A_7, %dma_wait3A_92, %dma_wait3A_93] : memref<32x2x40x128xi32, #tpu.memory_space<hbm>> -> memref<1x1x40x128xi32, #tpu.memory_space<hbm>>
      %dma_wait3A_95 = tpu.memref_squeeze %dma_wait3A_94 : memref<1x1x40x128xi32, #tpu.memory_space<hbm>> -> memref<40x128xi32, #tpu.memory_space<hbm>>
      %dma_wait3A_96 = arith.constant 0 : i32
      %dma_wait3A_97 = arith.constant 0 : i32
      %dma_wait3A_98 = tpu.memref_slice %arg4[%add3A, %run_scoped3A_7, %dma_wait3A_96, %dma_wait3A_97] : memref<32x2x40x128xi32, #tpu.memory_space<hbm>> -> memref<1x1x40x128xi32, #tpu.memory_space<hbm>>
      %dma_wait3A_99 = tpu.memref_squeeze %dma_wait3A_98 : memref<1x1x40x128xi32, #tpu.memory_space<hbm>> -> memref<40x128xi32, #tpu.memory_space<hbm>>
      tpu.wait_dma2 semaphore(%run_scoped3A_83 : memref<!tpu.dma_semaphore, #tpu.memory_space<semaphore_mem>>) src(%dma_wait3A_99 : memref<40x128xi32, #tpu.memory_space<hbm>>) dst(%arg8 : memref<40x128xi32, #tpu.memory_space<vmem>>)
      tpu.yield
    }) : () -> ()
    %dma_start3A = arith.constant 0 : i32
    %dma_start3A_8 = arith.constant 0 : i32
    %dma_start3A_9 = tpu.memref_slice %arg7[%dma_start3A, %dma_start3A_8] : memref<40x128xi32, #tpu.memory_space<vmem>> -> memref<1x128xi32, #tpu.memory_space<vmem>>
    %dma_start3A_10 = tpu.memref_squeeze %dma_start3A_9 : memref<1x128xi32, #tpu.memory_space<vmem>> -> memref<128xi32, #tpu.memory_space<vmem>>
    %dma_start3A_11 = arith.constant 0 : i32
    %dma_start3A_12 = arith.constant 0 : i32
    %dma_start3A_13 = tpu.memref_slice %arg2[%dma_start3A_11, %dma_start3A_12] : memref<10000x128xf32, #tpu.memory_space<hbm>> -> memref<10000x128xf32, #tpu.memory_space<hbm>>
    tpu.enqueue_indirect_dma source(%dma_start3A_13 : memref<10000x128xf32, #tpu.memory_space<hbm>>) target(%arg9 : memref<128x128xf32, #tpu.memory_space<vmem>>) offsets(%dma_start3A_10 : memref<128xi32, #tpu.memory_space<vmem>>) semaphore(%arg12 : memref<!tpu.dma_semaphore, #tpu.memory_space<semaphore_mem>>)
    %dma_start3A_14 = arith.constant 1 : i32
    %dma_start3A_15 = arith.constant 0 : i32
    %dma_start3A_16 = tpu.memref_slice %arg7[%dma_start3A_14, %dma_start3A_15] : memref<40x128xi32, #tpu.memory_space<vmem>> -> memref<1x128xi32, #tpu.memory_space<vmem>>
    %dma_start3A_17 = tpu.memref_squeeze %dma_start3A_16 : memref<1x128xi32, #tpu.memory_space<vmem>> -> memref<128xi32, #tpu.memory_space<vmem>>
    %dma_start3A_18 = arith.constant 0 : i32
    %dma_start3A_19 = arith.constant 0 : i32
    %dma_start3A_20 = tpu.memref_slice %arg2[%dma_start3A_18, %dma_start3A_19] : memref<10000x128xf32, #tpu.memory_space<hbm>> -> memref<10000x128xf32, #tpu.memory_space<hbm>>
    tpu.enqueue_indirect_dma source(%dma_start3A_20 : memref<10000x128xf32, #tpu.memory_space<hbm>>) target(%arg10 : memref<128x128xf32, #tpu.memory_space<vmem>>) offsets(%dma_start3A_17 : memref<128xi32, #tpu.memory_space<vmem>>) semaphore(%arg13 : memref<!tpu.dma_semaphore, #tpu.memory_space<semaphore_mem>>)
    %scan3A = arith.constant 0 : i32
    %scan3A_21 = arith.constant 19 : i32
    %scan3A_22 = arith.addi %scan3A, %scan3A_21 : i32
    %scan3A_23 = arith.constant 1 : i32
    scf.for %scan3A_83 = %scan3A to %scan3A_22 step %scan3A_23  : i32 {
      %mul3A_84 = arith.constant 2 : i32
      %mul3A_85 = arith.muli %scan3A_83, %mul3A_84 : i32
      %add3A_86 = arith.constant 0 : i32
      %add3A_87 = arith.addi %add3A_86, %mul3A_85 : i32
      %add3A_88 = arith.constant 0 : i32
      %add3A_89 = arith.addi %add3A_87, %add3A_88 : i32
      %dma_wait3A_90 = arith.constant 0 : i32
      %dma_wait3A_91 = arith.constant 0 : i32
      %dma_wait3A_92 = tpu.memref_slice %arg5[%dma_wait3A_90, %dma_wait3A_91] : memref<10008x128xf32, #tpu.memory_space<hbm>> -> memref<128x128xf32, #tpu.memory_space<hbm>>
      %dma_wait3A_93 = arith.constant 0 : i32
      %dma_wait3A_94 = arith.constant 0 : i32
      %dma_wait3A_95 = tpu.memref_slice %arg5[%dma_wait3A_93, %dma_wait3A_94] : memref<10008x128xf32, #tpu.memory_space<hbm>> -> memref<128x128xf32, #tpu.memory_space<hbm>>
      tpu.wait_dma2 semaphore(%arg12 : memref<!tpu.dma_semaphore, #tpu.memory_space<semaphore_mem>>) src(%dma_wait3A_95 : memref<128x128xf32, #tpu.memory_space<hbm>>) dst(%arg9 : memref<128x128xf32, #tpu.memory_space<vmem>>)
      "tpu.region"() ({
        %run_scoped3A_120 = tpu.sem_alloc : memref<!tpu.dma_semaphore, #tpu.memory_space<semaphore_mem>>
        %dma_start3A_121 = arith.constant 0 : i32
        %dma_start3A_122 = tpu.memref_slice %arg8[%add3A_89, %dma_start3A_121] : memref<40x128xi32, #tpu.memory_space<vmem>> -> memref<1x128xi32, #tpu.memory_space<vmem>>
        %dma_start3A_123 = tpu.memref_squeeze %dma_start3A_122 : memref<1x128xi32, #tpu.memory_space<vmem>> -> memref<128xi32, #tpu.memory_space<vmem>>
        %dma_start3A_124 = arith.constant 0 : i32
        %dma_start3A_125 = arith.constant 0 : i32
        %dma_start3A_126 = tpu.memref_slice %arg11[%dma_start3A_124, %dma_start3A_125] : memref<10008x128xf32, #tpu.memory_space<vmem_shared>> -> memref<10008x128xf32, #tpu.memory_space<vmem_shared>>
        tpu.enqueue_indirect_dma source(%arg9 : memref<128x128xf32, #tpu.memory_space<vmem>>) target(%dma_start3A_126 : memref<10008x128xf32, #tpu.memory_space<vmem_shared>>) offsets(%dma_start3A_123 : memref<128xi32, #tpu.memory_space<vmem>>) semaphore(%run_scoped3A_120 : memref<!tpu.dma_semaphore, #tpu.memory_space<semaphore_mem>>) {add = true}
        %dma_wait3A_127 = arith.constant 0 : i32
        %dma_wait3A_128 = tpu.memref_slice %arg8[%add3A_89, %dma_wait3A_127] : memref<40x128xi32, #tpu.memory_space<vmem>> -> memref<1x128xi32, #tpu.memory_space<vmem>>
        %dma_wait3A_129 = tpu.memref_squeeze %dma_wait3A_128 : memref<1x128xi32, #tpu.memory_space<vmem>> -> memref<128xi32, #tpu.memory_space<vmem>>
        %dma_wait3A_130 = arith.constant 0 : i32
        %dma_wait3A_131 = arith.constant 0 : i32
        %dma_wait3A_132 = tpu.memref_slice %arg11[%dma_wait3A_130, %dma_wait3A_131] : memref<10008x128xf32, #tpu.memory_space<vmem_shared>> -> memref<10008x128xf32, #tpu.memory_space<vmem_shared>>
        tpu.wait_indirect_dma semaphore(%run_scoped3A_120 : memref<!tpu.dma_semaphore, #tpu.memory_space<semaphore_mem>>) src(%arg9 : memref<128x128xf32, #tpu.memory_space<vmem>>) dst(%dma_wait3A_132 : memref<10008x128xf32, #tpu.memory_space<vmem_shared>>)
        tpu.yield
      }) : () -> ()
      %add3A_96 = arith.constant 2 : i32
      %add3A_97 = arith.addi %add3A_89, %add3A_96 : i32
      %dma_start3A_98 = arith.constant 0 : i32
      %dma_start3A_99 = tpu.memref_slice %arg7[%add3A_97, %dma_start3A_98] : memref<40x128xi32, #tpu.memory_space<vmem>> -> memref<1x128xi32, #tpu.memory_space<vmem>>
      %dma_start3A_100 = tpu.memref_squeeze %dma_start3A_99 : memref<1x128xi32, #tpu.memory_space<vmem>> -> memref<128xi32, #tpu.memory_space<vmem>>
      %dma_start3A_101 = arith.constant 0 : i32
      %dma_start3A_102 = arith.constant 0 : i32
      %dma_start3A_103 = tpu.memref_slice %arg2[%dma_start3A_101, %dma_start3A_102] : memref<10000x128xf32, #tpu.memory_space<hbm>> -> memref<10000x128xf32, #tpu.memory_space<hbm>>
      tpu.enqueue_indirect_dma source(%dma_start3A_103 : memref<10000x128xf32, #tpu.memory_space<hbm>>) target(%arg9 : memref<128x128xf32, #tpu.memory_space<vmem>>) offsets(%dma_start3A_100 : memref<128xi32, #tpu.memory_space<vmem>>) semaphore(%arg12 : memref<!tpu.dma_semaphore, #tpu.memory_space<semaphore_mem>>)
      %add3A_104 = arith.constant 1 : i32
      %add3A_105 = arith.addi %add3A_87, %add3A_104 : i32
      %dma_wait3A_106 = arith.constant 0 : i32
      %dma_wait3A_107 = arith.constant 0 : i32
      %dma_wait3A_108 = tpu.memref_slice %arg5[%dma_wait3A_106, %dma_wait3A_107] : memref<10008x128xf32, #tpu.memory_space<hbm>> -> memref<128x128xf32, #tpu.memory_space<hbm>>
      %dma_wait3A_109 = arith.constant 0 : i32
      %dma_wait3A_110 = arith.constant 0 : i32
      %dma_wait3A_111 = tpu.memref_slice %arg5[%dma_wait3A_109, %dma_wait3A_110] : memref<10008x128xf32, #tpu.memory_space<hbm>> -> memref<128x128xf32, #tpu.memory_space<hbm>>
      tpu.wait_dma2 semaphore(%arg13 : memref<!tpu.dma_semaphore, #tpu.memory_space<semaphore_mem>>) src(%dma_wait3A_111 : memref<128x128xf32, #tpu.memory_space<hbm>>) dst(%arg10 : memref<128x128xf32, #tpu.memory_space<vmem>>)
      "tpu.region"() ({
        %run_scoped3A_120 = tpu.sem_alloc : memref<!tpu.dma_semaphore, #tpu.memory_space<semaphore_mem>>
        %dma_start3A_121 = arith.constant 0 : i32
        %dma_start3A_122 = tpu.memref_slice %arg8[%add3A_105, %dma_start3A_121] : memref<40x128xi32, #tpu.memory_space<vmem>> -> memref<1x128xi32, #tpu.memory_space<vmem>>
        %dma_start3A_123 = tpu.memref_squeeze %dma_start3A_122 : memref<1x128xi32, #tpu.memory_space<vmem>> -> memref<128xi32, #tpu.memory_space<vmem>>
        %dma_start3A_124 = arith.constant 0 : i32
        %dma_start3A_125 = arith.constant 0 : i32
        %dma_start3A_126 = tpu.memref_slice %arg11[%dma_start3A_124, %dma_start3A_125] : memref<10008x128xf32, #tpu.memory_space<vmem_shared>> -> memref<10008x128xf32, #tpu.memory_space<vmem_shared>>
        tpu.enqueue_indirect_dma source(%arg10 : memref<128x128xf32, #tpu.memory_space<vmem>>) target(%dma_start3A_126 : memref<10008x128xf32, #tpu.memory_space<vmem_shared>>) offsets(%dma_start3A_123 : memref<128xi32, #tpu.memory_space<vmem>>) semaphore(%run_scoped3A_120 : memref<!tpu.dma_semaphore, #tpu.memory_space<semaphore_mem>>) {add = true}
        %dma_wait3A_127 = arith.constant 0 : i32
        %dma_wait3A_128 = tpu.memref_slice %arg8[%add3A_105, %dma_wait3A_127] : memref<40x128xi32, #tpu.memory_space<vmem>> -> memref<1x128xi32, #tpu.memory_space<vmem>>
        %dma_wait3A_129 = tpu.memref_squeeze %dma_wait3A_128 : memref<1x128xi32, #tpu.memory_space<vmem>> -> memref<128xi32, #tpu.memory_space<vmem>>
        %dma_wait3A_130 = arith.constant 0 : i32
        %dma_wait3A_131 = arith.constant 0 : i32
        %dma_wait3A_132 = tpu.memref_slice %arg11[%dma_wait3A_130, %dma_wait3A_131] : memref<10008x128xf32, #tpu.memory_space<vmem_shared>> -> memref<10008x128xf32, #tpu.memory_space<vmem_shared>>
        tpu.wait_indirect_dma semaphore(%run_scoped3A_120 : memref<!tpu.dma_semaphore, #tpu.memory_space<semaphore_mem>>) src(%arg10 : memref<128x128xf32, #tpu.memory_space<vmem>>) dst(%dma_wait3A_132 : memref<10008x128xf32, #tpu.memory_space<vmem_shared>>)
        tpu.yield
      }) : () -> ()
      %add3A_112 = arith.constant 2 : i32
      %add3A_113 = arith.addi %add3A_105, %add3A_112 : i32
      %dma_start3A_114 = arith.constant 0 : i32
      %dma_start3A_115 = tpu.memref_slice %arg7[%add3A_113, %dma_start3A_114] : memref<40x128xi32, #tpu.memory_space<vmem>> -> memref<1x128xi32, #tpu.memory_space<vmem>>
      %dma_start3A_116 = tpu.memref_squeeze %dma_start3A_115 : memref<1x128xi32, #tpu.memory_space<vmem>> -> memref<128xi32, #tpu.memory_space<vmem>>
      %dma_start3A_117 = arith.constant 0 : i32
      %dma_start3A_118 = arith.constant 0 : i32
      %dma_start3A_119 = tpu.memref_slice %arg2[%dma_start3A_117, %dma_start3A_118] : memref<10000x128xf32, #tpu.memory_space<hbm>> -> memref<10000x128xf32, #tpu.memory_space<hbm>>
      tpu.enqueue_indirect_dma source(%dma_start3A_119 : memref<10000x128xf32, #tpu.memory_space<hbm>>) target(%arg10 : memref<128x128xf32, #tpu.memory_space<vmem>>) offsets(%dma_start3A_116 : memref<128xi32, #tpu.memory_space<vmem>>) semaphore(%arg13 : memref<!tpu.dma_semaphore, #tpu.memory_space<semaphore_mem>>)
    }
    %scan3A_24 = arith.constant 19 : i32
    %dma_wait3A = arith.constant 0 : i32
    %dma_wait3A_25 = arith.constant 0 : i32
    %dma_wait3A_26 = tpu.memref_slice %arg5[%dma_wait3A, %dma_wait3A_25] : memref<10008x128xf32, #tpu.memory_space<hbm>> -> memref<128x128xf32, #tpu.memory_space<hbm>>
    %dma_wait3A_27 = arith.constant 0 : i32
    %dma_wait3A_28 = arith.constant 0 : i32
    %dma_wait3A_29 = tpu.memref_slice %arg5[%dma_wait3A_27, %dma_wait3A_28] : memref<10008x128xf32, #tpu.memory_space<hbm>> -> memref<128x128xf32, #tpu.memory_space<hbm>>
    tpu.wait_dma2 semaphore(%arg12 : memref<!tpu.dma_semaphore, #tpu.memory_space<semaphore_mem>>) src(%dma_wait3A_29 : memref<128x128xf32, #tpu.memory_space<hbm>>) dst(%arg9 : memref<128x128xf32, #tpu.memory_space<vmem>>)
    %run_scoped3A_30 = arith.constant 38 : i32
    "tpu.region"() ({
      %run_scoped3A_83 = tpu.sem_alloc : memref<!tpu.dma_semaphore, #tpu.memory_space<semaphore_mem>>
      %dma_start3A_84 = arith.constant 0 : i32
      %dma_start3A_85 = tpu.memref_slice %arg8[%run_scoped3A_30, %dma_start3A_84] : memref<40x128xi32, #tpu.memory_space<vmem>> -> memref<1x128xi32, #tpu.memory_space<vmem>>
      %dma_start3A_86 = tpu.memref_squeeze %dma_start3A_85 : memref<1x128xi32, #tpu.memory_space<vmem>> -> memref<128xi32, #tpu.memory_space<vmem>>
      %dma_start3A_87 = arith.constant 0 : i32
      %dma_start3A_88 = arith.constant 0 : i32
      %dma_start3A_89 = tpu.memref_slice %arg11[%dma_start3A_87, %dma_start3A_88] : memref<10008x128xf32, #tpu.memory_space<vmem_shared>> -> memref<10008x128xf32, #tpu.memory_space<vmem_shared>>
      tpu.enqueue_indirect_dma source(%arg9 : memref<128x128xf32, #tpu.memory_space<vmem>>) target(%dma_start3A_89 : memref<10008x128xf32, #tpu.memory_space<vmem_shared>>) offsets(%dma_start3A_86 : memref<128xi32, #tpu.memory_space<vmem>>) semaphore(%run_scoped3A_83 : memref<!tpu.dma_semaphore, #tpu.memory_space<semaphore_mem>>) {add = true}
      %dma_wait3A_90 = arith.constant 0 : i32
      %dma_wait3A_91 = tpu.memref_slice %arg8[%run_scoped3A_30, %dma_wait3A_90] : memref<40x128xi32, #tpu.memory_space<vmem>> -> memref<1x128xi32, #tpu.memory_space<vmem>>
      %dma_wait3A_92 = tpu.memref_squeeze %dma_wait3A_91 : memref<1x128xi32, #tpu.memory_space<vmem>> -> memref<128xi32, #tpu.memory_space<vmem>>
      %dma_wait3A_93 = arith.constant 0 : i32
      %dma_wait3A_94 = arith.constant 0 : i32
      %dma_wait3A_95 = tpu.memref_slice %arg11[%dma_wait3A_93, %dma_wait3A_94] : memref<10008x128xf32, #tpu.memory_space<vmem_shared>> -> memref<10008x128xf32, #tpu.memory_space<vmem_shared>>
      tpu.wait_indirect_dma semaphore(%run_scoped3A_83 : memref<!tpu.dma_semaphore, #tpu.memory_space<semaphore_mem>>) src(%arg9 : memref<128x128xf32, #tpu.memory_space<vmem>>) dst(%dma_wait3A_95 : memref<10008x128xf32, #tpu.memory_space<vmem_shared>>)
      tpu.yield
    }) : () -> ()
    %dma_wait3A_31 = arith.constant 0 : i32
    %dma_wait3A_32 = arith.constant 0 : i32
    %dma_wait3A_33 = tpu.memref_slice %arg5[%dma_wait3A_31, %dma_wait3A_32] : memref<10008x128xf32, #tpu.memory_space<hbm>> -> memref<128x128xf32, #tpu.memory_space<hbm>>
    %dma_wait3A_34 = arith.constant 0 : i32
    %dma_wait3A_35 = arith.constant 0 : i32
    %dma_wait3A_36 = tpu.memref_slice %arg5[%dma_wait3A_34, %dma_wait3A_35] : memref<10008x128xf32, #tpu.memory_space<hbm>> -> memref<128x128xf32, #tpu.memory_space<hbm>>
    tpu.wait_dma2 semaphore(%arg13 : memref<!tpu.dma_semaphore, #tpu.memory_space<semaphore_mem>>) src(%dma_wait3A_36 : memref<128x128xf32, #tpu.memory_space<hbm>>) dst(%arg10 : memref<128x128xf32, #tpu.memory_space<vmem>>)
    %run_scoped3A_37 = arith.constant 39 : i32
    "tpu.region"() ({
      %run_scoped3A_83 = tpu.sem_alloc : memref<!tpu.dma_semaphore, #tpu.memory_space<semaphore_mem>>
      %dma_start3A_84 = arith.constant 0 : i32
      %dma_start3A_85 = tpu.memref_slice %arg8[%run_scoped3A_37, %dma_start3A_84] : memref<40x128xi32, #tpu.memory_space<vmem>> -> memref<1x128xi32, #tpu.memory_space<vmem>>
      %dma_start3A_86 = tpu.memref_squeeze %dma_start3A_85 : memref<1x128xi32, #tpu.memory_space<vmem>> -> memref<128xi32, #tpu.memory_space<vmem>>
      %dma_start3A_87 = arith.constant 0 : i32
      %dma_start3A_88 = arith.constant 0 : i32
      %dma_start3A_89 = tpu.memref_slice %arg11[%dma_start3A_87, %dma_start3A_88] : memref<10008x128xf32, #tpu.memory_space<vmem_shared>> -> memref<10008x128xf32, #tpu.memory_space<vmem_shared>>
      tpu.enqueue_indirect_dma source(%arg10 : memref<128x128xf32, #tpu.memory_space<vmem>>) target(%dma_start3A_89 : memref<10008x128xf32, #tpu.memory_space<vmem_shared>>) offsets(%dma_start3A_86 : memref<128xi32, #tpu.memory_space<vmem>>) semaphore(%run_scoped3A_83 : memref<!tpu.dma_semaphore, #tpu.memory_space<semaphore_mem>>) {add = true}
      %dma_wait3A_90 = arith.constant 0 : i32
      %dma_wait3A_91 = tpu.memref_slice %arg8[%run_scoped3A_37, %dma_wait3A_90] : memref<40x128xi32, #tpu.memory_space<vmem>> -> memref<1x128xi32, #tpu.memory_space<vmem>>
      %dma_wait3A_92 = tpu.memref_squeeze %dma_wait3A_91 : memref<1x128xi32, #tpu.memory_space<vmem>> -> memref<128xi32, #tpu.memory_space<vmem>>
      %dma_wait3A_93 = arith.constant 0 : i32
      %dma_wait3A_94 = arith.constant 0 : i32
      %dma_wait3A_95 = tpu.memref_slice %arg11[%dma_wait3A_93, %dma_wait3A_94] : memref<10008x128xf32, #tpu.memory_space<vmem_shared>> -> memref<10008x128xf32, #tpu.memory_space<vmem_shared>>
      tpu.wait_indirect_dma semaphore(%run_scoped3A_83 : memref<!tpu.dma_semaphore, #tpu.memory_space<semaphore_mem>>) src(%arg10 : memref<128x128xf32, #tpu.memory_space<vmem>>) dst(%dma_wait3A_95 : memref<10008x128xf32, #tpu.memory_space<vmem_shared>>)
      tpu.yield
    }) : () -> ()
    %run_scoped3A_38 = arith.constant 1 : i32
    "tpu.region"() ({
      %run_scoped3A_83 = tpu.sem_alloc : memref<!tpu.dma_semaphore, #tpu.memory_space<semaphore_mem>>
      %dma_start3A_84 = arith.constant 0 : i32
      %dma_start3A_85 = arith.constant 0 : i32
      %dma_start3A_86 = tpu.memref_slice %arg3[%add3A, %run_scoped3A_38, %dma_start3A_84, %dma_start3A_85] : memref<32x2x40x128xi32, #tpu.memory_space<hbm>> -> memref<1x1x40x128xi32, #tpu.memory_space<hbm>>
      %dma_start3A_87 = tpu.memref_squeeze %dma_start3A_86 : memref<1x1x40x128xi32, #tpu.memory_space<hbm>> -> memref<40x128xi32, #tpu.memory_space<hbm>>
      %dma_start3A_88 = arith.constant 0 : i32
      %dma_start3A_89 = arith.constant 0 : i32
      %dma_start3A_90 = tpu.memref_slice %arg3[%add3A, %run_scoped3A_38, %dma_start3A_88, %dma_start3A_89] : memref<32x2x40x128xi32, #tpu.memory_space<hbm>> -> memref<1x1x40x128xi32, #tpu.memory_space<hbm>>
      %dma_start3A_91 = tpu.memref_squeeze %dma_start3A_90 : memref<1x1x40x128xi32, #tpu.memory_space<hbm>> -> memref<40x128xi32, #tpu.memory_space<hbm>>
      tpu.enqueue_dma source(%dma_start3A_91 : memref<40x128xi32, #tpu.memory_space<hbm>>) target(%arg7 : memref<40x128xi32, #tpu.memory_space<vmem>>) target_semaphore(%run_scoped3A_83 : memref<!tpu.dma_semaphore, #tpu.memory_space<semaphore_mem>>)
      %dma_wait3A_92 = arith.constant 0 : i32
      %dma_wait3A_93 = arith.constant 0 : i32
      %dma_wait3A_94 = tpu.memref_slice %arg3[%add3A, %run_scoped3A_38, %dma_wait3A_92, %dma_wait3A_93] : memref<32x2x40x128xi32, #tpu.memory_space<hbm>> -> memref<1x1x40x128xi32, #tpu.memory_space<hbm>>
      %dma_wait3A_95 = tpu.memref_squeeze %dma_wait3A_94 : memref<1x1x40x128xi32, #tpu.memory_space<hbm>> -> memref<40x128xi32, #tpu.memory_space<hbm>>
      %dma_wait3A_96 = arith.constant 0 : i32
      %dma_wait3A_97 = arith.constant 0 : i32
      %dma_wait3A_98 = tpu.memref_slice %arg3[%add3A, %run_scoped3A_38, %dma_wait3A_96, %dma_wait3A_97] : memref<32x2x40x128xi32, #tpu.memory_space<hbm>> -> memref<1x1x40x128xi32, #tpu.memory_space<hbm>>
      %dma_wait3A_99 = tpu.memref_squeeze %dma_wait3A_98 : memref<1x1x40x128xi32, #tpu.memory_space<hbm>> -> memref<40x128xi32, #tpu.memory_space<hbm>>
      tpu.wait_dma2 semaphore(%run_scoped3A_83 : memref<!tpu.dma_semaphore, #tpu.memory_space<semaphore_mem>>) src(%dma_wait3A_99 : memref<40x128xi32, #tpu.memory_space<hbm>>) dst(%arg7 : memref<40x128xi32, #tpu.memory_space<vmem>>)
      tpu.yield
    }) : () -> ()
    %run_scoped3A_39 = arith.constant 1 : i32
    "tpu.region"() ({
      %run_scoped3A_83 = tpu.sem_alloc : memref<!tpu.dma_semaphore, #tpu.memory_space<semaphore_mem>>
      %dma_start3A_84 = arith.constant 0 : i32
      %dma_start3A_85 = arith.constant 0 : i32
      %dma_start3A_86 = tpu.memref_slice %arg4[%add3A, %run_scoped3A_39, %dma_start3A_84, %dma_start3A_85] : memref<32x2x40x128xi32, #tpu.memory_space<hbm>> -> memref<1x1x40x128xi32, #tpu.memory_space<hbm>>
      %dma_start3A_87 = tpu.memref_squeeze %dma_start3A_86 : memref<1x1x40x128xi32, #tpu.memory_space<hbm>> -> memref<40x128xi32, #tpu.memory_space<hbm>>
      %dma_start3A_88 = arith.constant 0 : i32
      %dma_start3A_89 = arith.constant 0 : i32
      %dma_start3A_90 = tpu.memref_slice %arg4[%add3A, %run_scoped3A_39, %dma_start3A_88, %dma_start3A_89] : memref<32x2x40x128xi32, #tpu.memory_space<hbm>> -> memref<1x1x40x128xi32, #tpu.memory_space<hbm>>
      %dma_start3A_91 = tpu.memref_squeeze %dma_start3A_90 : memref<1x1x40x128xi32, #tpu.memory_space<hbm>> -> memref<40x128xi32, #tpu.memory_space<hbm>>
      tpu.enqueue_dma source(%dma_start3A_91 : memref<40x128xi32, #tpu.memory_space<hbm>>) target(%arg8 : memref<40x128xi32, #tpu.memory_space<vmem>>) target_semaphore(%run_scoped3A_83 : memref<!tpu.dma_semaphore, #tpu.memory_space<semaphore_mem>>)
      %dma_wait3A_92 = arith.constant 0 : i32
      %dma_wait3A_93 = arith.constant 0 : i32
      %dma_wait3A_94 = tpu.memref_slice %arg4[%add3A, %run_scoped3A_39, %dma_wait3A_92, %dma_wait3A_93] : memref<32x2x40x128xi32, #tpu.memory_space<hbm>> -> memref<1x1x40x128xi32, #tpu.memory_space<hbm>>
      %dma_wait3A_95 = tpu.memref_squeeze %dma_wait3A_94 : memref<1x1x40x128xi32, #tpu.memory_space<hbm>> -> memref<40x128xi32, #tpu.memory_space<hbm>>
      %dma_wait3A_96 = arith.constant 0 : i32
      %dma_wait3A_97 = arith.constant 0 : i32
      %dma_wait3A_98 = tpu.memref_slice %arg4[%add3A, %run_scoped3A_39, %dma_wait3A_96, %dma_wait3A_97] : memref<32x2x40x128xi32, #tpu.memory_space<hbm>> -> memref<1x1x40x128xi32, #tpu.memory_space<hbm>>
      %dma_wait3A_99 = tpu.memref_squeeze %dma_wait3A_98 : memref<1x1x40x128xi32, #tpu.memory_space<hbm>> -> memref<40x128xi32, #tpu.memory_space<hbm>>
      tpu.wait_dma2 semaphore(%run_scoped3A_83 : memref<!tpu.dma_semaphore, #tpu.memory_space<semaphore_mem>>) src(%dma_wait3A_99 : memref<40x128xi32, #tpu.memory_space<hbm>>) dst(%arg8 : memref<40x128xi32, #tpu.memory_space<vmem>>)
      tpu.yield
    }) : () -> ()
    %dma_start3A_40 = arith.constant 0 : i32
    %dma_start3A_41 = arith.constant 0 : i32
    %dma_start3A_42 = tpu.memref_slice %arg7[%dma_start3A_40, %dma_start3A_41] : memref<40x128xi32, #tpu.memory_space<vmem>> -> memref<1x128xi32, #tpu.memory_space<vmem>>
    %dma_start3A_43 = tpu.memref_squeeze %dma_start3A_42 : memref<1x128xi32, #tpu.memory_space<vmem>> -> memref<128xi32, #tpu.memory_space<vmem>>
    %dma_start3A_44 = arith.constant 0 : i32
    %dma_start3A_45 = arith.constant 0 : i32
    %dma_start3A_46 = tpu.memref_slice %arg2[%dma_start3A_44, %dma_start3A_45] : memref<10000x128xf32, #tpu.memory_space<hbm>> -> memref<10000x128xf32, #tpu.memory_space<hbm>>
    tpu.enqueue_indirect_dma source(%dma_start3A_46 : memref<10000x128xf32, #tpu.memory_space<hbm>>) target(%arg9 : memref<128x128xf32, #tpu.memory_space<vmem>>) offsets(%dma_start3A_43 : memref<128xi32, #tpu.memory_space<vmem>>) semaphore(%arg12 : memref<!tpu.dma_semaphore, #tpu.memory_space<semaphore_mem>>)
    %dma_start3A_47 = arith.constant 1 : i32
    %dma_start3A_48 = arith.constant 0 : i32
    %dma_start3A_49 = tpu.memref_slice %arg7[%dma_start3A_47, %dma_start3A_48] : memref<40x128xi32, #tpu.memory_space<vmem>> -> memref<1x128xi32, #tpu.memory_space<vmem>>
    %dma_start3A_50 = tpu.memref_squeeze %dma_start3A_49 : memref<1x128xi32, #tpu.memory_space<vmem>> -> memref<128xi32, #tpu.memory_space<vmem>>
    %dma_start3A_51 = arith.constant 0 : i32
    %dma_start3A_52 = arith.constant 0 : i32
    %dma_start3A_53 = tpu.memref_slice %arg2[%dma_start3A_51, %dma_start3A_52] : memref<10000x128xf32, #tpu.memory_space<hbm>> -> memref<10000x128xf32, #tpu.memory_space<hbm>>
    tpu.enqueue_indirect_dma source(%dma_start3A_53 : memref<10000x128xf32, #tpu.memory_space<hbm>>) target(%arg10 : memref<128x128xf32, #tpu.memory_space<vmem>>) offsets(%dma_start3A_50 : memref<128xi32, #tpu.memory_space<vmem>>) semaphore(%arg13 : memref<!tpu.dma_semaphore, #tpu.memory_space<semaphore_mem>>)
    %scan3A_54 = arith.constant 0 : i32
    %scan3A_55 = arith.constant 19 : i32
    %scan3A_56 = arith.addi %scan3A_54, %scan3A_55 : i32
    %scan3A_57 = arith.constant 1 : i32
    scf.for %scan3A_83 = %scan3A_54 to %scan3A_56 step %scan3A_57  : i32 {
      %mul3A_84 = arith.constant 2 : i32
      %mul3A_85 = arith.muli %scan3A_83, %mul3A_84 : i32
      %add3A_86 = arith.constant 0 : i32
      %add3A_87 = arith.addi %add3A_86, %mul3A_85 : i32
      %add3A_88 = arith.constant 0 : i32
      %add3A_89 = arith.addi %add3A_87, %add3A_88 : i32
      %dma_wait3A_90 = arith.constant 0 : i32
      %dma_wait3A_91 = arith.constant 0 : i32
      %dma_wait3A_92 = tpu.memref_slice %arg5[%dma_wait3A_90, %dma_wait3A_91] : memref<10008x128xf32, #tpu.memory_space<hbm>> -> memref<128x128xf32, #tpu.memory_space<hbm>>
      %dma_wait3A_93 = arith.constant 0 : i32
      %dma_wait3A_94 = arith.constant 0 : i32
      %dma_wait3A_95 = tpu.memref_slice %arg5[%dma_wait3A_93, %dma_wait3A_94] : memref<10008x128xf32, #tpu.memory_space<hbm>> -> memref<128x128xf32, #tpu.memory_space<hbm>>
      tpu.wait_dma2 semaphore(%arg12 : memref<!tpu.dma_semaphore, #tpu.memory_space<semaphore_mem>>) src(%dma_wait3A_95 : memref<128x128xf32, #tpu.memory_space<hbm>>) dst(%arg9 : memref<128x128xf32, #tpu.memory_space<vmem>>)
      "tpu.region"() ({
        %run_scoped3A_120 = tpu.sem_alloc : memref<!tpu.dma_semaphore, #tpu.memory_space<semaphore_mem>>
        %dma_start3A_121 = arith.constant 0 : i32
        %dma_start3A_122 = tpu.memref_slice %arg8[%add3A_89, %dma_start3A_121] : memref<40x128xi32, #tpu.memory_space<vmem>> -> memref<1x128xi32, #tpu.memory_space<vmem>>
        %dma_start3A_123 = tpu.memref_squeeze %dma_start3A_122 : memref<1x128xi32, #tpu.memory_space<vmem>> -> memref<128xi32, #tpu.memory_space<vmem>>
        %dma_start3A_124 = arith.constant 0 : i32
        %dma_start3A_125 = arith.constant 0 : i32
        %dma_start3A_126 = tpu.memref_slice %arg11[%dma_start3A_124, %dma_start3A_125] : memref<10008x128xf32, #tpu.memory_space<vmem_shared>> -> memref<10008x128xf32, #tpu.memory_space<vmem_shared>>
        tpu.enqueue_indirect_dma source(%arg9 : memref<128x128xf32, #tpu.memory_space<vmem>>) target(%dma_start3A_126 : memref<10008x128xf32, #tpu.memory_space<vmem_shared>>) offsets(%dma_start3A_123 : memref<128xi32, #tpu.memory_space<vmem>>) semaphore(%run_scoped3A_120 : memref<!tpu.dma_semaphore, #tpu.memory_space<semaphore_mem>>) {add = true}
        %dma_wait3A_127 = arith.constant 0 : i32
        %dma_wait3A_128 = tpu.memref_slice %arg8[%add3A_89, %dma_wait3A_127] : memref<40x128xi32, #tpu.memory_space<vmem>> -> memref<1x128xi32, #tpu.memory_space<vmem>>
        %dma_wait3A_129 = tpu.memref_squeeze %dma_wait3A_128 : memref<1x128xi32, #tpu.memory_space<vmem>> -> memref<128xi32, #tpu.memory_space<vmem>>
        %dma_wait3A_130 = arith.constant 0 : i32
        %dma_wait3A_131 = arith.constant 0 : i32
        %dma_wait3A_132 = tpu.memref_slice %arg11[%dma_wait3A_130, %dma_wait3A_131] : memref<10008x128xf32, #tpu.memory_space<vmem_shared>> -> memref<10008x128xf32, #tpu.memory_space<vmem_shared>>
        tpu.wait_indirect_dma semaphore(%run_scoped3A_120 : memref<!tpu.dma_semaphore, #tpu.memory_space<semaphore_mem>>) src(%arg9 : memref<128x128xf32, #tpu.memory_space<vmem>>) dst(%dma_wait3A_132 : memref<10008x128xf32, #tpu.memory_space<vmem_shared>>)
        tpu.yield
      }) : () -> ()
      %add3A_96 = arith.constant 2 : i32
      %add3A_97 = arith.addi %add3A_89, %add3A_96 : i32
      %dma_start3A_98 = arith.constant 0 : i32
      %dma_start3A_99 = tpu.memref_slice %arg7[%add3A_97, %dma_start3A_98] : memref<40x128xi32, #tpu.memory_space<vmem>> -> memref<1x128xi32, #tpu.memory_space<vmem>>
      %dma_start3A_100 = tpu.memref_squeeze %dma_start3A_99 : memref<1x128xi32, #tpu.memory_space<vmem>> -> memref<128xi32, #tpu.memory_space<vmem>>
      %dma_start3A_101 = arith.constant 0 : i32
      %dma_start3A_102 = arith.constant 0 : i32
      %dma_start3A_103 = tpu.memref_slice %arg2[%dma_start3A_101, %dma_start3A_102] : memref<10000x128xf32, #tpu.memory_space<hbm>> -> memref<10000x128xf32, #tpu.memory_space<hbm>>
      tpu.enqueue_indirect_dma source(%dma_start3A_103 : memref<10000x128xf32, #tpu.memory_space<hbm>>) target(%arg9 : memref<128x128xf32, #tpu.memory_space<vmem>>) offsets(%dma_start3A_100 : memref<128xi32, #tpu.memory_space<vmem>>) semaphore(%arg12 : memref<!tpu.dma_semaphore, #tpu.memory_space<semaphore_mem>>)
      %add3A_104 = arith.constant 1 : i32
      %add3A_105 = arith.addi %add3A_87, %add3A_104 : i32
      %dma_wait3A_106 = arith.constant 0 : i32
      %dma_wait3A_107 = arith.constant 0 : i32
      %dma_wait3A_108 = tpu.memref_slice %arg5[%dma_wait3A_106, %dma_wait3A_107] : memref<10008x128xf32, #tpu.memory_space<hbm>> -> memref<128x128xf32, #tpu.memory_space<hbm>>
      %dma_wait3A_109 = arith.constant 0 : i32
      %dma_wait3A_110 = arith.constant 0 : i32
      %dma_wait3A_111 = tpu.memref_slice %arg5[%dma_wait3A_109, %dma_wait3A_110] : memref<10008x128xf32, #tpu.memory_space<hbm>> -> memref<128x128xf32, #tpu.memory_space<hbm>>
      tpu.wait_dma2 semaphore(%arg13 : memref<!tpu.dma_semaphore, #tpu.memory_space<semaphore_mem>>) src(%dma_wait3A_111 : memref<128x128xf32, #tpu.memory_space<hbm>>) dst(%arg10 : memref<128x128xf32, #tpu.memory_space<vmem>>)
      "tpu.region"() ({
        %run_scoped3A_120 = tpu.sem_alloc : memref<!tpu.dma_semaphore, #tpu.memory_space<semaphore_mem>>
        %dma_start3A_121 = arith.constant 0 : i32
        %dma_start3A_122 = tpu.memref_slice %arg8[%add3A_105, %dma_start3A_121] : memref<40x128xi32, #tpu.memory_space<vmem>> -> memref<1x128xi32, #tpu.memory_space<vmem>>
        %dma_start3A_123 = tpu.memref_squeeze %dma_start3A_122 : memref<1x128xi32, #tpu.memory_space<vmem>> -> memref<128xi32, #tpu.memory_space<vmem>>
        %dma_start3A_124 = arith.constant 0 : i32
        %dma_start3A_125 = arith.constant 0 : i32
        %dma_start3A_126 = tpu.memref_slice %arg11[%dma_start3A_124, %dma_start3A_125] : memref<10008x128xf32, #tpu.memory_space<vmem_shared>> -> memref<10008x128xf32, #tpu.memory_space<vmem_shared>>
        tpu.enqueue_indirect_dma source(%arg10 : memref<128x128xf32, #tpu.memory_space<vmem>>) target(%dma_start3A_126 : memref<10008x128xf32, #tpu.memory_space<vmem_shared>>) offsets(%dma_start3A_123 : memref<128xi32, #tpu.memory_space<vmem>>) semaphore(%run_scoped3A_120 : memref<!tpu.dma_semaphore, #tpu.memory_space<semaphore_mem>>) {add = true}
        %dma_wait3A_127 = arith.constant 0 : i32
        %dma_wait3A_128 = tpu.memref_slice %arg8[%add3A_105, %dma_wait3A_127] : memref<40x128xi32, #tpu.memory_space<vmem>> -> memref<1x128xi32, #tpu.memory_space<vmem>>
        %dma_wait3A_129 = tpu.memref_squeeze %dma_wait3A_128 : memref<1x128xi32, #tpu.memory_space<vmem>> -> memref<128xi32, #tpu.memory_space<vmem>>
        %dma_wait3A_130 = arith.constant 0 : i32
        %dma_wait3A_131 = arith.constant 0 : i32
        %dma_wait3A_132 = tpu.memref_slice %arg11[%dma_wait3A_130, %dma_wait3A_131] : memref<10008x128xf32, #tpu.memory_space<vmem_shared>> -> memref<10008x128xf32, #tpu.memory_space<vmem_shared>>
        tpu.wait_indirect_dma semaphore(%run_scoped3A_120 : memref<!tpu.dma_semaphore, #tpu.memory_space<semaphore_mem>>) src(%arg10 : memref<128x128xf32, #tpu.memory_space<vmem>>) dst(%dma_wait3A_132 : memref<10008x128xf32, #tpu.memory_space<vmem_shared>>)
        tpu.yield
      }) : () -> ()
      %add3A_112 = arith.constant 2 : i32
      %add3A_113 = arith.addi %add3A_105, %add3A_112 : i32
      %dma_start3A_114 = arith.constant 0 : i32
      %dma_start3A_115 = tpu.memref_slice %arg7[%add3A_113, %dma_start3A_114] : memref<40x128xi32, #tpu.memory_space<vmem>> -> memref<1x128xi32, #tpu.memory_space<vmem>>
      %dma_start3A_116 = tpu.memref_squeeze %dma_start3A_115 : memref<1x128xi32, #tpu.memory_space<vmem>> -> memref<128xi32, #tpu.memory_space<vmem>>
      %dma_start3A_117 = arith.constant 0 : i32
      %dma_start3A_118 = arith.constant 0 : i32
      %dma_start3A_119 = tpu.memref_slice %arg2[%dma_start3A_117, %dma_start3A_118] : memref<10000x128xf32, #tpu.memory_space<hbm>> -> memref<10000x128xf32, #tpu.memory_space<hbm>>
      tpu.enqueue_indirect_dma source(%dma_start3A_119 : memref<10000x128xf32, #tpu.memory_space<hbm>>) target(%arg10 : memref<128x128xf32, #tpu.memory_space<vmem>>) offsets(%dma_start3A_116 : memref<128xi32, #tpu.memory_space<vmem>>) semaphore(%arg13 : memref<!tpu.dma_semaphore, #tpu.memory_space<semaphore_mem>>)
    }
    %scan3A_58 = arith.constant 19 : i32
    %dma_wait3A_59 = arith.constant 0 : i32
    %dma_wait3A_60 = arith.constant 0 : i32
    %dma_wait3A_61 = tpu.memref_slice %arg5[%dma_wait3A_59, %dma_wait3A_60] : memref<10008x128xf32, #tpu.memory_space<hbm>> -> memref<128x128xf32, #tpu.memory_space<hbm>>
    %dma_wait3A_62 = arith.constant 0 : i32
    %dma_wait3A_63 = arith.constant 0 : i32
    %dma_wait3A_64 = tpu.memref_slice %arg5[%dma_wait3A_62, %dma_wait3A_63] : memref<10008x128xf32, #tpu.memory_space<hbm>> -> memref<128x128xf32, #tpu.memory_space<hbm>>
    tpu.wait_dma2 semaphore(%arg12 : memref<!tpu.dma_semaphore, #tpu.memory_space<semaphore_mem>>) src(%dma_wait3A_64 : memref<128x128xf32, #tpu.memory_space<hbm>>) dst(%arg9 : memref<128x128xf32, #tpu.memory_space<vmem>>)
    %run_scoped3A_65 = arith.constant 38 : i32
    "tpu.region"() ({
      %run_scoped3A_83 = tpu.sem_alloc : memref<!tpu.dma_semaphore, #tpu.memory_space<semaphore_mem>>
      %dma_start3A_84 = arith.constant 0 : i32
      %dma_start3A_85 = tpu.memref_slice %arg8[%run_scoped3A_65, %dma_start3A_84] : memref<40x128xi32, #tpu.memory_space<vmem>> -> memref<1x128xi32, #tpu.memory_space<vmem>>
      %dma_start3A_86 = tpu.memref_squeeze %dma_start3A_85 : memref<1x128xi32, #tpu.memory_space<vmem>> -> memref<128xi32, #tpu.memory_space<vmem>>
      %dma_start3A_87 = arith.constant 0 : i32
      %dma_start3A_88 = arith.constant 0 : i32
      %dma_start3A_89 = tpu.memref_slice %arg11[%dma_start3A_87, %dma_start3A_88] : memref<10008x128xf32, #tpu.memory_space<vmem_shared>> -> memref<10008x128xf32, #tpu.memory_space<vmem_shared>>
      tpu.enqueue_indirect_dma source(%arg9 : memref<128x128xf32, #tpu.memory_space<vmem>>) target(%dma_start3A_89 : memref<10008x128xf32, #tpu.memory_space<vmem_shared>>) offsets(%dma_start3A_86 : memref<128xi32, #tpu.memory_space<vmem>>) semaphore(%run_scoped3A_83 : memref<!tpu.dma_semaphore, #tpu.memory_space<semaphore_mem>>) {add = true}
      %dma_wait3A_90 = arith.constant 0 : i32
      %dma_wait3A_91 = tpu.memref_slice %arg8[%run_scoped3A_65, %dma_wait3A_90] : memref<40x128xi32, #tpu.memory_space<vmem>> -> memref<1x128xi32, #tpu.memory_space<vmem>>
      %dma_wait3A_92 = tpu.memref_squeeze %dma_wait3A_91 : memref<1x128xi32, #tpu.memory_space<vmem>> -> memref<128xi32, #tpu.memory_space<vmem>>
      %dma_wait3A_93 = arith.constant 0 : i32
      %dma_wait3A_94 = arith.constant 0 : i32
      %dma_wait3A_95 = tpu.memref_slice %arg11[%dma_wait3A_93, %dma_wait3A_94] : memref<10008x128xf32, #tpu.memory_space<vmem_shared>> -> memref<10008x128xf32, #tpu.memory_space<vmem_shared>>
      tpu.wait_indirect_dma semaphore(%run_scoped3A_83 : memref<!tpu.dma_semaphore, #tpu.memory_space<semaphore_mem>>) src(%arg9 : memref<128x128xf32, #tpu.memory_space<vmem>>) dst(%dma_wait3A_95 : memref<10008x128xf32, #tpu.memory_space<vmem_shared>>)
      tpu.yield
    }) : () -> ()
    %dma_wait3A_66 = arith.constant 0 : i32
    %dma_wait3A_67 = arith.constant 0 : i32
    %dma_wait3A_68 = tpu.memref_slice %arg5[%dma_wait3A_66, %dma_wait3A_67] : memref<10008x128xf32, #tpu.memory_space<hbm>> -> memref<128x128xf32, #tpu.memory_space<hbm>>
    %dma_wait3A_69 = arith.constant 0 : i32
    %dma_wait3A_70 = arith.constant 0 : i32
    %dma_wait3A_71 = tpu.memref_slice %arg5[%dma_wait3A_69, %dma_wait3A_70] : memref<10008x128xf32, #tpu.memory_space<hbm>> -> memref<128x128xf32, #tpu.memory_space<hbm>>
    tpu.wait_dma2 semaphore(%arg13 : memref<!tpu.dma_semaphore, #tpu.memory_space<semaphore_mem>>) src(%dma_wait3A_71 : memref<128x128xf32, #tpu.memory_space<hbm>>) dst(%arg10 : memref<128x128xf32, #tpu.memory_space<vmem>>)
    %run_scoped3A_72 = arith.constant 39 : i32
    "tpu.region"() ({
      %run_scoped3A_83 = tpu.sem_alloc : memref<!tpu.dma_semaphore, #tpu.memory_space<semaphore_mem>>
      %dma_start3A_84 = arith.constant 0 : i32
      %dma_start3A_85 = tpu.memref_slice %arg8[%run_scoped3A_72, %dma_start3A_84] : memref<40x128xi32, #tpu.memory_space<vmem>> -> memref<1x128xi32, #tpu.memory_space<vmem>>
      %dma_start3A_86 = tpu.memref_squeeze %dma_start3A_85 : memref<1x128xi32, #tpu.memory_space<vmem>> -> memref<128xi32, #tpu.memory_space<vmem>>
      %dma_start3A_87 = arith.constant 0 : i32
      %dma_start3A_88 = arith.constant 0 : i32
      %dma_start3A_89 = tpu.memref_slice %arg11[%dma_start3A_87, %dma_start3A_88] : memref<10008x128xf32, #tpu.memory_space<vmem_shared>> -> memref<10008x128xf32, #tpu.memory_space<vmem_shared>>
      tpu.enqueue_indirect_dma source(%arg10 : memref<128x128xf32, #tpu.memory_space<vmem>>) target(%dma_start3A_89 : memref<10008x128xf32, #tpu.memory_space<vmem_shared>>) offsets(%dma_start3A_86 : memref<128xi32, #tpu.memory_space<vmem>>) semaphore(%run_scoped3A_83 : memref<!tpu.dma_semaphore, #tpu.memory_space<semaphore_mem>>) {add = true}
      %dma_wait3A_90 = arith.constant 0 : i32
      %dma_wait3A_91 = tpu.memref_slice %arg8[%run_scoped3A_72, %dma_wait3A_90] : memref<40x128xi32, #tpu.memory_space<vmem>> -> memref<1x128xi32, #tpu.memory_space<vmem>>
      %dma_wait3A_92 = tpu.memref_squeeze %dma_wait3A_91 : memref<1x128xi32, #tpu.memory_space<vmem>> -> memref<128xi32, #tpu.memory_space<vmem>>
      %dma_wait3A_93 = arith.constant 0 : i32
      %dma_wait3A_94 = arith.constant 0 : i32
      %dma_wait3A_95 = tpu.memref_slice %arg11[%dma_wait3A_93, %dma_wait3A_94] : memref<10008x128xf32, #tpu.memory_space<vmem_shared>> -> memref<10008x128xf32, #tpu.memory_space<vmem_shared>>
      tpu.wait_indirect_dma semaphore(%run_scoped3A_83 : memref<!tpu.dma_semaphore, #tpu.memory_space<semaphore_mem>>) src(%arg10 : memref<128x128xf32, #tpu.memory_space<vmem>>) dst(%dma_wait3A_95 : memref<10008x128xf32, #tpu.memory_space<vmem_shared>>)
      tpu.yield
    }) : () -> ()
    %barrier3A_73 = arith.constant 0 : index
    tpu.barrier barrier_id(%barrier3A_73)
    %mul3A_74 = arith.constant 624 : i32
    %mul3A_75 = arith.muli %arg1, %mul3A_74 : i32
    %mul3A_76 = arith.constant 624 : i32
    %mul3A_77 = arith.muli %arg1, %mul3A_76 : i32
    "tpu.region"() ({
      %run_scoped3A_83 = tpu.sem_alloc : memref<!tpu.dma_semaphore, #tpu.memory_space<semaphore_mem>>
      %dma_start3A_84 = arith.constant 0 : i32
      %dma_start3A_85 = tpu.memref_slice %arg6[%arg0, %mul3A_77, %dma_start3A_84] : memref<2x10008x128xf32, #tpu.memory_space<hbm>> -> memref<1x624x128xf32, #tpu.memory_space<hbm>>
      %dma_start3A_86 = tpu.memref_squeeze %dma_start3A_85 : memref<1x624x128xf32, #tpu.memory_space<hbm>> -> memref<624x128xf32, #tpu.memory_space<hbm>>
      %dma_start3A_87 = arith.constant 0 : i32
      %dma_start3A_88 = tpu.memref_slice %arg11[%mul3A_75, %dma_start3A_87] : memref<10008x128xf32, #tpu.memory_space<vmem_shared>> -> memref<624x128xf32, #tpu.memory_space<vmem_shared>>
      tpu.enqueue_dma source(%dma_start3A_88 : memref<624x128xf32, #tpu.memory_space<vmem_shared>>) target(%dma_start3A_86 : memref<624x128xf32, #tpu.memory_space<hbm>>) target_semaphore(%run_scoped3A_83 : memref<!tpu.dma_semaphore, #tpu.memory_space<semaphore_mem>>)
      %dma_wait3A_89 = arith.constant 0 : i32
      %dma_wait3A_90 = tpu.memref_slice %arg6[%arg0, %mul3A_77, %dma_wait3A_89] : memref<2x10008x128xf32, #tpu.memory_space<hbm>> -> memref<1x624x128xf32, #tpu.memory_space<hbm>>
      %dma_wait3A_91 = tpu.memref_squeeze %dma_wait3A_90 : memref<1x624x128xf32, #tpu.memory_space<hbm>> -> memref<624x128xf32, #tpu.memory_space<hbm>>
      %dma_wait3A_92 = arith.constant 0 : i32
      %dma_wait3A_93 = tpu.memref_slice %arg11[%mul3A_75, %dma_wait3A_92] : memref<10008x128xf32, #tpu.memory_space<vmem_shared>> -> memref<624x128xf32, #tpu.memory_space<vmem_shared>>
      tpu.wait_dma2 semaphore(%run_scoped3A_83 : memref<!tpu.dma_semaphore, #tpu.memory_space<semaphore_mem>>) src(%dma_wait3A_93 : memref<624x128xf32, #tpu.memory_space<vmem_shared>>) dst(%dma_wait3A_91 : memref<624x128xf32, #tpu.memory_space<hbm>>)
      tpu.yield
    }) : () -> ()
    %eq3A_78 = arith.constant 0 : i32
    %eq3A_79 = arith.cmpi eq, %arg1, %eq3A_78 : i32
    %convert_element_type3A_80 = arith.extui %eq3A_79 : i1 to i32
    %cond3A_81 = arith.constant 0 : i32
    %cond3A_82 = arith.cmpi ne, %convert_element_type3A_80, %cond3A_81 : i32
    scf.if %cond3A_82 {
      "tpu.region"() ({
        %run_scoped3A_83 = tpu.sem_alloc : memref<!tpu.dma_semaphore, #tpu.memory_space<semaphore_mem>>
        %dma_start3A_84 = arith.constant 9984 : i32
        %dma_start3A_85 = arith.constant 0 : i32
        %dma_start3A_86 = tpu.memref_slice %arg6[%arg0, %dma_start3A_84, %dma_start3A_85] : memref<2x10008x128xf32, #tpu.memory_space<hbm>> -> memref<1x24x128xf32, #tpu.memory_space<hbm>>
        %dma_start3A_87 = tpu.memref_squeeze %dma_start3A_86 : memref<1x24x128xf32, #tpu.memory_space<hbm>> -> memref<24x128xf32, #tpu.memory_space<hbm>>
        %dma_start3A_88 = arith.constant 9984 : i32
        %dma_start3A_89 = arith.constant 0 : i32
        %dma_start3A_90 = tpu.memref_slice %arg11[%dma_start3A_88, %dma_start3A_89] : memref<10008x128xf32, #tpu.memory_space<vmem_shared>> -> memref<24x128xf32, #tpu.memory_space<vmem_shared>>
        tpu.enqueue_dma source(%dma_start3A_90 : memref<24x128xf32, #tpu.memory_space<vmem_shared>>) target(%dma_start3A_87 : memref<24x128xf32, #tpu.memory_space<hbm>>) target_semaphore(%run_scoped3A_83 : memref<!tpu.dma_semaphore, #tpu.memory_space<semaphore_mem>>)
        %dma_wait3A_91 = arith.constant 9984 : i32
        %dma_wait3A_92 = arith.constant 0 : i32
        %dma_wait3A_93 = tpu.memref_slice %arg6[%arg0, %dma_wait3A_91, %dma_wait3A_92] : memref<2x10008x128xf32, #tpu.memory_space<hbm>> -> memref<1x24x128xf32, #tpu.memory_space<hbm>>
        %dma_wait3A_94 = tpu.memref_squeeze %dma_wait3A_93 : memref<1x24x128xf32, #tpu.memory_space<hbm>> -> memref<24x128xf32, #tpu.memory_space<hbm>>
        %dma_wait3A_95 = arith.constant 9984 : i32
        %dma_wait3A_96 = arith.constant 0 : i32
        %dma_wait3A_97 = tpu.memref_slice %arg11[%dma_wait3A_95, %dma_wait3A_96] : memref<10008x128xf32, #tpu.memory_space<vmem_shared>> -> memref<24x128xf32, #tpu.memory_space<vmem_shared>>
        tpu.wait_dma2 semaphore(%run_scoped3A_83 : memref<!tpu.dma_semaphore, #tpu.memory_space<semaphore_mem>>) src(%dma_wait3A_97 : memref<24x128xf32, #tpu.memory_space<vmem_shared>>) dst(%dma_wait3A_94 : memref<24x128xf32, #tpu.memory_space<hbm>>)
        tpu.yield
      }) : () -> ()
    } else {
    }
    return
  }
}

#map = affine_map<(d0, d1) -> (0, 0)>
#map1 = affine_map<(d0, d1) -> (0, 0, 0, 0)>
#map2 = affine_map<(d0, d1) -> (0, 0, 0)>
module attributes {stable_mosaic.version = 14 : i64} {
  func.func @_sc_segsum(%arg0: i32, %arg1: i32, %arg2: memref<10000x128xf32, #tpu.memory_space<hbm>>, %arg3: memref<32x2x40x128xi32, #tpu.memory_space<hbm>>, %arg4: memref<32x2x40x128xi32, #tpu.memory_space<hbm>>, %arg5: memref<10008x128xf32, #tpu.memory_space<hbm>>, %arg6: memref<2x10008x128xf32, #tpu.memory_space<hbm>>, %arg7: memref<40x128xi32, #tpu.memory_space<vmem>>, %arg8: memref<40x128xi32, #tpu.memory_space<vmem>>, %arg9: memref<128x128xf32, #tpu.memory_space<vmem>>, %arg10: memref<128x128xf32, #tpu.memory_space<vmem>>, %arg11: memref<10008x128xf32, #tpu.memory_space<vmem_shared>>, %arg12: memref<!tpu.dma_semaphore, #tpu.memory_space<semaphore_mem>>, %arg13: memref<!tpu.dma_semaphore, #tpu.memory_space<semaphore_mem>>) attributes {dimension_semantics = [#tpu.dimension_semantics<core_parallel>, #tpu.dimension_semantics<subcore_parallel>], iteration_bounds = array<i64: 2, 16>, scalar_prefetch = 0 : i64, scratch_operands = 7 : i64, tpu.core_type = #tpu.core_type<sc_vector_subcore>, window_params = [{transform_indices = #map}, {transform_indices = #map1}, {transform_indices = #map1}, {transform_indices = #map}, {transform_indices = #map2}]} {
    %mul3A = arith.constant 2 : i32
    %mul3A_0 = arith.muli %arg1, %mul3A : i32
    %add3A = arith.addi %mul3A_0, %arg0 : i32
    %mul3A_1 = arith.constant 624 : i32
    %mul3A_2 = arith.muli %arg1, %mul3A_1 : i32
    %mul3A_3 = arith.constant 624 : i32
    %mul3A_4 = arith.muli %arg1, %mul3A_3 : i32
    "tpu.region"() ({
      %run_scoped3A_83 = tpu.sem_alloc : memref<!tpu.dma_semaphore, #tpu.memory_space<semaphore_mem>>
      %dma_start3A_84 = arith.constant 0 : i32
      %dma_start3A_85 = tpu.memref_slice %arg11[%mul3A_4, %dma_start3A_84] : memref<10008x128xf32, #tpu.memory_space<vmem_shared>> -> memref<624x128xf32, #tpu.memory_space<vmem_shared>>
      %dma_start3A_86 = arith.constant 0 : i32
      %dma_start3A_87 = tpu.memref_slice %arg5[%mul3A_2, %dma_start3A_86] : memref<10008x128xf32, #tpu.memory_space<hbm>> -> memref<624x128xf32, #tpu.memory_space<hbm>>
      tpu.enqueue_dma source(%dma_start3A_87 : memref<624x128xf32, #tpu.memory_space<hbm>>) target(%dma_start3A_85 : memref<624x128xf32, #tpu.memory_space<vmem_shared>>) target_semaphore(%run_scoped3A_83 : memref<!tpu.dma_semaphore, #tpu.memory_space<semaphore_mem>>)
      %dma_wait3A_88 = arith.constant 0 : i32
      %dma_wait3A_89 = tpu.memref_slice %arg11[%mul3A_4, %dma_wait3A_88] : memref<10008x128xf32, #tpu.memory_space<vmem_shared>> -> memref<624x128xf32, #tpu.memory_space<vmem_shared>>
      %dma_wait3A_90 = arith.constant 0 : i32
      %dma_wait3A_91 = tpu.memref_slice %arg5[%mul3A_2, %dma_wait3A_90] : memref<10008x128xf32, #tpu.memory_space<hbm>> -> memref<624x128xf32, #tpu.memory_space<hbm>>
      tpu.wait_dma2 semaphore(%run_scoped3A_83 : memref<!tpu.dma_semaphore, #tpu.memory_space<semaphore_mem>>) src(%dma_wait3A_91 : memref<624x128xf32, #tpu.memory_space<hbm>>) dst(%dma_wait3A_89 : memref<624x128xf32, #tpu.memory_space<vmem_shared>>)
      tpu.yield
    }) : () -> ()
    %eq3A = arith.constant 0 : i32
    %eq3A_5 = arith.cmpi eq, %arg1, %eq3A : i32
    %convert_element_type3A = arith.extui %eq3A_5 : i1 to i32
    %cond3A = arith.constant 0 : i32
    %cond3A_6 = arith.cmpi ne, %convert_element_type3A, %cond3A : i32
    scf.if %cond3A_6 {
      "tpu.region"() ({
        %run_scoped3A_83 = tpu.sem_alloc : memref<!tpu.dma_semaphore, #tpu.memory_space<semaphore_mem>>
        %dma_start3A_84 = arith.constant 9984 : i32
        %dma_start3A_85 = arith.constant 0 : i32
        %dma_start3A_86 = tpu.memref_slice %arg11[%dma_start3A_84, %dma_start3A_85] : memref<10008x128xf32, #tpu.memory_space<vmem_shared>> -> memref<24x128xf32, #tpu.memory_space<vmem_shared>>
        %dma_start3A_87 = arith.constant 9984 : i32
        %dma_start3A_88 = arith.constant 0 : i32
        %dma_start3A_89 = tpu.memref_slice %arg5[%dma_start3A_87, %dma_start3A_88] : memref<10008x128xf32, #tpu.memory_space<hbm>> -> memref<24x128xf32, #tpu.memory_space<hbm>>
        tpu.enqueue_dma source(%dma_start3A_89 : memref<24x128xf32, #tpu.memory_space<hbm>>) target(%dma_start3A_86 : memref<24x128xf32, #tpu.memory_space<vmem_shared>>) target_semaphore(%run_scoped3A_83 : memref<!tpu.dma_semaphore, #tpu.memory_space<semaphore_mem>>)
        %dma_wait3A_90 = arith.constant 9984 : i32
        %dma_wait3A_91 = arith.constant 0 : i32
        %dma_wait3A_92 = tpu.memref_slice %arg11[%dma_wait3A_90, %dma_wait3A_91] : memref<10008x128xf32, #tpu.memory_space<vmem_shared>> -> memref<24x128xf32, #tpu.memory_space<vmem_shared>>
        %dma_wait3A_93 = arith.constant 9984 : i32
        %dma_wait3A_94 = arith.constant 0 : i32
        %dma_wait3A_95 = tpu.memref_slice %arg5[%dma_wait3A_93, %dma_wait3A_94] : memref<10008x128xf32, #tpu.memory_space<hbm>> -> memref<24x128xf32, #tpu.memory_space<hbm>>
        tpu.wait_dma2 semaphore(%run_scoped3A_83 : memref<!tpu.dma_semaphore, #tpu.memory_space<semaphore_mem>>) src(%dma_wait3A_95 : memref<24x128xf32, #tpu.memory_space<hbm>>) dst(%dma_wait3A_92 : memref<24x128xf32, #tpu.memory_space<vmem_shared>>)
        tpu.yield
      }) : () -> ()
    } else {
    }
    %barrier3A = arith.constant 0 : index
    tpu.barrier barrier_id(%barrier3A)
    %run_scoped3A = arith.constant 0 : i32
    "tpu.region"() ({
      %run_scoped3A_83 = tpu.sem_alloc : memref<!tpu.dma_semaphore, #tpu.memory_space<semaphore_mem>>
      %dma_start3A_84 = arith.constant 0 : i32
      %dma_start3A_85 = arith.constant 0 : i32
      %dma_start3A_86 = tpu.memref_slice %arg3[%add3A, %run_scoped3A, %dma_start3A_84, %dma_start3A_85] : memref<32x2x40x128xi32, #tpu.memory_space<hbm>> -> memref<1x1x40x128xi32, #tpu.memory_space<hbm>>
      %dma_start3A_87 = tpu.memref_squeeze %dma_start3A_86 : memref<1x1x40x128xi32, #tpu.memory_space<hbm>> -> memref<40x128xi32, #tpu.memory_space<hbm>>
      %dma_start3A_88 = arith.constant 0 : i32
      %dma_start3A_89 = arith.constant 0 : i32
      %dma_start3A_90 = tpu.memref_slice %arg3[%add3A, %run_scoped3A, %dma_start3A_88, %dma_start3A_89] : memref<32x2x40x128xi32, #tpu.memory_space<hbm>> -> memref<1x1x40x128xi32, #tpu.memory_space<hbm>>
      %dma_start3A_91 = tpu.memref_squeeze %dma_start3A_90 : memref<1x1x40x128xi32, #tpu.memory_space<hbm>> -> memref<40x128xi32, #tpu.memory_space<hbm>>
      tpu.enqueue_dma source(%dma_start3A_91 : memref<40x128xi32, #tpu.memory_space<hbm>>) target(%arg7 : memref<40x128xi32, #tpu.memory_space<vmem>>) target_semaphore(%run_scoped3A_83 : memref<!tpu.dma_semaphore, #tpu.memory_space<semaphore_mem>>)
      %dma_wait3A_92 = arith.constant 0 : i32
      %dma_wait3A_93 = arith.constant 0 : i32
      %dma_wait3A_94 = tpu.memref_slice %arg3[%add3A, %run_scoped3A, %dma_wait3A_92, %dma_wait3A_93] : memref<32x2x40x128xi32, #tpu.memory_space<hbm>> -> memref<1x1x40x128xi32, #tpu.memory_space<hbm>>
      %dma_wait3A_95 = tpu.memref_squeeze %dma_wait3A_94 : memref<1x1x40x128xi32, #tpu.memory_space<hbm>> -> memref<40x128xi32, #tpu.memory_space<hbm>>
      %dma_wait3A_96 = arith.constant 0 : i32
      %dma_wait3A_97 = arith.constant 0 : i32
      %dma_wait3A_98 = tpu.memref_slice %arg3[%add3A, %run_scoped3A, %dma_wait3A_96, %dma_wait3A_97] : memref<32x2x40x128xi32, #tpu.memory_space<hbm>> -> memref<1x1x40x128xi32, #tpu.memory_space<hbm>>
      %dma_wait3A_99 = tpu.memref_squeeze %dma_wait3A_98 : memref<1x1x40x128xi32, #tpu.memory_space<hbm>> -> memref<40x128xi32, #tpu.memory_space<hbm>>
      tpu.wait_dma2 semaphore(%run_scoped3A_83 : memref<!tpu.dma_semaphore, #tpu.memory_space<semaphore_mem>>) src(%dma_wait3A_99 : memref<40x128xi32, #tpu.memory_space<hbm>>) dst(%arg7 : memref<40x128xi32, #tpu.memory_space<vmem>>)
      tpu.yield
    }) : () -> ()
    %run_scoped3A_7 = arith.constant 0 : i32
    "tpu.region"() ({
      %run_scoped3A_83 = tpu.sem_alloc : memref<!tpu.dma_semaphore, #tpu.memory_space<semaphore_mem>>
      %dma_start3A_84 = arith.constant 0 : i32
      %dma_start3A_85 = arith.constant 0 : i32
      %dma_start3A_86 = tpu.memref_slice %arg4[%add3A, %run_scoped3A_7, %dma_start3A_84, %dma_start3A_85] : memref<32x2x40x128xi32, #tpu.memory_space<hbm>> -> memref<1x1x40x128xi32, #tpu.memory_space<hbm>>
      %dma_start3A_87 = tpu.memref_squeeze %dma_start3A_86 : memref<1x1x40x128xi32, #tpu.memory_space<hbm>> -> memref<40x128xi32, #tpu.memory_space<hbm>>
      %dma_start3A_88 = arith.constant 0 : i32
      %dma_start3A_89 = arith.constant 0 : i32
      %dma_start3A_90 = tpu.memref_slice %arg4[%add3A, %run_scoped3A_7, %dma_start3A_88, %dma_start3A_89] : memref<32x2x40x128xi32, #tpu.memory_space<hbm>> -> memref<1x1x40x128xi32, #tpu.memory_space<hbm>>
      %dma_start3A_91 = tpu.memref_squeeze %dma_start3A_90 : memref<1x1x40x128xi32, #tpu.memory_space<hbm>> -> memref<40x128xi32, #tpu.memory_space<hbm>>
      tpu.enqueue_dma source(%dma_start3A_91 : memref<40x128xi32, #tpu.memory_space<hbm>>) target(%arg8 : memref<40x128xi32, #tpu.memory_space<vmem>>) target_semaphore(%run_scoped3A_83 : memref<!tpu.dma_semaphore, #tpu.memory_space<semaphore_mem>>)
      %dma_wait3A_92 = arith.constant 0 : i32
      %dma_wait3A_93 = arith.constant 0 : i32
      %dma_wait3A_94 = tpu.memref_slice %arg4[%add3A, %run_scoped3A_7, %dma_wait3A_92, %dma_wait3A_93] : memref<32x2x40x128xi32, #tpu.memory_space<hbm>> -> memref<1x1x40x128xi32, #tpu.memory_space<hbm>>
      %dma_wait3A_95 = tpu.memref_squeeze %dma_wait3A_94 : memref<1x1x40x128xi32, #tpu.memory_space<hbm>> -> memref<40x128xi32, #tpu.memory_space<hbm>>
      %dma_wait3A_96 = arith.constant 0 : i32
      %dma_wait3A_97 = arith.constant 0 : i32
      %dma_wait3A_98 = tpu.memref_slice %arg4[%add3A, %run_scoped3A_7, %dma_wait3A_96, %dma_wait3A_97] : memref<32x2x40x128xi32, #tpu.memory_space<hbm>> -> memref<1x1x40x128xi32, #tpu.memory_space<hbm>>
      %dma_wait3A_99 = tpu.memref_squeeze %dma_wait3A_98 : memref<1x1x40x128xi32, #tpu.memory_space<hbm>> -> memref<40x128xi32, #tpu.memory_space<hbm>>
      tpu.wait_dma2 semaphore(%run_scoped3A_83 : memref<!tpu.dma_semaphore, #tpu.memory_space<semaphore_mem>>) src(%dma_wait3A_99 : memref<40x128xi32, #tpu.memory_space<hbm>>) dst(%arg8 : memref<40x128xi32, #tpu.memory_space<vmem>>)
      tpu.yield
    }) : () -> ()
    %dma_start3A = arith.constant 0 : i32
    %dma_start3A_8 = arith.constant 0 : i32
    %dma_start3A_9 = tpu.memref_slice %arg7[%dma_start3A, %dma_start3A_8] : memref<40x128xi32, #tpu.memory_space<vmem>> -> memref<1x128xi32, #tpu.memory_space<vmem>>
    %dma_start3A_10 = tpu.memref_squeeze %dma_start3A_9 : memref<1x128xi32, #tpu.memory_space<vmem>> -> memref<128xi32, #tpu.memory_space<vmem>>
    %dma_start3A_11 = arith.constant 0 : i32
    %dma_start3A_12 = arith.constant 0 : i32
    %dma_start3A_13 = tpu.memref_slice %arg2[%dma_start3A_11, %dma_start3A_12] : memref<10000x128xf32, #tpu.memory_space<hbm>> -> memref<10000x128xf32, #tpu.memory_space<hbm>>
    tpu.enqueue_indirect_dma source(%dma_start3A_13 : memref<10000x128xf32, #tpu.memory_space<hbm>>) target(%arg9 : memref<128x128xf32, #tpu.memory_space<vmem>>) offsets(%dma_start3A_10 : memref<128xi32, #tpu.memory_space<vmem>>) semaphore(%arg12 : memref<!tpu.dma_semaphore, #tpu.memory_space<semaphore_mem>>)
    %dma_start3A_14 = arith.constant 1 : i32
    %dma_start3A_15 = arith.constant 0 : i32
    %dma_start3A_16 = tpu.memref_slice %arg7[%dma_start3A_14, %dma_start3A_15] : memref<40x128xi32, #tpu.memory_space<vmem>> -> memref<1x128xi32, #tpu.memory_space<vmem>>
    %dma_start3A_17 = tpu.memref_squeeze %dma_start3A_16 : memref<1x128xi32, #tpu.memory_space<vmem>> -> memref<128xi32, #tpu.memory_space<vmem>>
    %dma_start3A_18 = arith.constant 0 : i32
    %dma_start3A_19 = arith.constant 0 : i32
    %dma_start3A_20 = tpu.memref_slice %arg2[%dma_start3A_18, %dma_start3A_19] : memref<10000x128xf32, #tpu.memory_space<hbm>> -> memref<10000x128xf32, #tpu.memory_space<hbm>>
    tpu.enqueue_indirect_dma source(%dma_start3A_20 : memref<10000x128xf32, #tpu.memory_space<hbm>>) target(%arg10 : memref<128x128xf32, #tpu.memory_space<vmem>>) offsets(%dma_start3A_17 : memref<128xi32, #tpu.memory_space<vmem>>) semaphore(%arg13 : memref<!tpu.dma_semaphore, #tpu.memory_space<semaphore_mem>>)
    %scan3A = arith.constant 0 : i32
    %scan3A_21 = arith.constant 19 : i32
    %scan3A_22 = arith.addi %scan3A, %scan3A_21 : i32
    %scan3A_23 = arith.constant 1 : i32
    scf.for %scan3A_83 = %scan3A to %scan3A_22 step %scan3A_23  : i32 {
      %mul3A_84 = arith.constant 2 : i32
      %mul3A_85 = arith.muli %scan3A_83, %mul3A_84 : i32
      %add3A_86 = arith.constant 0 : i32
      %add3A_87 = arith.addi %add3A_86, %mul3A_85 : i32
      %add3A_88 = arith.constant 0 : i32
      %add3A_89 = arith.addi %add3A_87, %add3A_88 : i32
      %dma_wait3A_90 = arith.constant 0 : i32
      %dma_wait3A_91 = arith.constant 0 : i32
      %dma_wait3A_92 = tpu.memref_slice %arg5[%dma_wait3A_90, %dma_wait3A_91] : memref<10008x128xf32, #tpu.memory_space<hbm>> -> memref<128x128xf32, #tpu.memory_space<hbm>>
      %dma_wait3A_93 = arith.constant 0 : i32
      %dma_wait3A_94 = arith.constant 0 : i32
      %dma_wait3A_95 = tpu.memref_slice %arg5[%dma_wait3A_93, %dma_wait3A_94] : memref<10008x128xf32, #tpu.memory_space<hbm>> -> memref<128x128xf32, #tpu.memory_space<hbm>>
      tpu.wait_dma2 semaphore(%arg12 : memref<!tpu.dma_semaphore, #tpu.memory_space<semaphore_mem>>) src(%dma_wait3A_95 : memref<128x128xf32, #tpu.memory_space<hbm>>) dst(%arg9 : memref<128x128xf32, #tpu.memory_space<vmem>>)
      "tpu.region"() ({
        %run_scoped3A_120 = tpu.sem_alloc : memref<!tpu.dma_semaphore, #tpu.memory_space<semaphore_mem>>
        %dma_start3A_121 = arith.constant 0 : i32
        %dma_start3A_122 = tpu.memref_slice %arg8[%add3A_89, %dma_start3A_121] : memref<40x128xi32, #tpu.memory_space<vmem>> -> memref<1x128xi32, #tpu.memory_space<vmem>>
        %dma_start3A_123 = tpu.memref_squeeze %dma_start3A_122 : memref<1x128xi32, #tpu.memory_space<vmem>> -> memref<128xi32, #tpu.memory_space<vmem>>
        %dma_start3A_124 = arith.constant 0 : i32
        %dma_start3A_125 = arith.constant 0 : i32
        %dma_start3A_126 = tpu.memref_slice %arg11[%dma_start3A_124, %dma_start3A_125] : memref<10008x128xf32, #tpu.memory_space<vmem_shared>> -> memref<10008x128xf32, #tpu.memory_space<vmem_shared>>
        tpu.enqueue_indirect_dma source(%arg9 : memref<128x128xf32, #tpu.memory_space<vmem>>) target(%dma_start3A_126 : memref<10008x128xf32, #tpu.memory_space<vmem_shared>>) offsets(%dma_start3A_123 : memref<128xi32, #tpu.memory_space<vmem>>) semaphore(%run_scoped3A_120 : memref<!tpu.dma_semaphore, #tpu.memory_space<semaphore_mem>>) {add = true}
        %dma_wait3A_127 = arith.constant 0 : i32
        %dma_wait3A_128 = tpu.memref_slice %arg8[%add3A_89, %dma_wait3A_127] : memref<40x128xi32, #tpu.memory_space<vmem>> -> memref<1x128xi32, #tpu.memory_space<vmem>>
        %dma_wait3A_129 = tpu.memref_squeeze %dma_wait3A_128 : memref<1x128xi32, #tpu.memory_space<vmem>> -> memref<128xi32, #tpu.memory_space<vmem>>
        %dma_wait3A_130 = arith.constant 0 : i32
        %dma_wait3A_131 = arith.constant 0 : i32
        %dma_wait3A_132 = tpu.memref_slice %arg11[%dma_wait3A_130, %dma_wait3A_131] : memref<10008x128xf32, #tpu.memory_space<vmem_shared>> -> memref<10008x128xf32, #tpu.memory_space<vmem_shared>>
        tpu.wait_indirect_dma semaphore(%run_scoped3A_120 : memref<!tpu.dma_semaphore, #tpu.memory_space<semaphore_mem>>) src(%arg9 : memref<128x128xf32, #tpu.memory_space<vmem>>) dst(%dma_wait3A_132 : memref<10008x128xf32, #tpu.memory_space<vmem_shared>>)
        tpu.yield
      }) : () -> ()
      %add3A_96 = arith.constant 2 : i32
      %add3A_97 = arith.addi %add3A_89, %add3A_96 : i32
      %dma_start3A_98 = arith.constant 0 : i32
      %dma_start3A_99 = tpu.memref_slice %arg7[%add3A_97, %dma_start3A_98] : memref<40x128xi32, #tpu.memory_space<vmem>> -> memref<1x128xi32, #tpu.memory_space<vmem>>
      %dma_start3A_100 = tpu.memref_squeeze %dma_start3A_99 : memref<1x128xi32, #tpu.memory_space<vmem>> -> memref<128xi32, #tpu.memory_space<vmem>>
      %dma_start3A_101 = arith.constant 0 : i32
      %dma_start3A_102 = arith.constant 0 : i32
      %dma_start3A_103 = tpu.memref_slice %arg2[%dma_start3A_101, %dma_start3A_102] : memref<10000x128xf32, #tpu.memory_space<hbm>> -> memref<10000x128xf32, #tpu.memory_space<hbm>>
      tpu.enqueue_indirect_dma source(%dma_start3A_103 : memref<10000x128xf32, #tpu.memory_space<hbm>>) target(%arg9 : memref<128x128xf32, #tpu.memory_space<vmem>>) offsets(%dma_start3A_100 : memref<128xi32, #tpu.memory_space<vmem>>) semaphore(%arg12 : memref<!tpu.dma_semaphore, #tpu.memory_space<semaphore_mem>>)
      %add3A_104 = arith.constant 1 : i32
      %add3A_105 = arith.addi %add3A_87, %add3A_104 : i32
      %dma_wait3A_106 = arith.constant 0 : i32
      %dma_wait3A_107 = arith.constant 0 : i32
      %dma_wait3A_108 = tpu.memref_slice %arg5[%dma_wait3A_106, %dma_wait3A_107] : memref<10008x128xf32, #tpu.memory_space<hbm>> -> memref<128x128xf32, #tpu.memory_space<hbm>>
      %dma_wait3A_109 = arith.constant 0 : i32
      %dma_wait3A_110 = arith.constant 0 : i32
      %dma_wait3A_111 = tpu.memref_slice %arg5[%dma_wait3A_109, %dma_wait3A_110] : memref<10008x128xf32, #tpu.memory_space<hbm>> -> memref<128x128xf32, #tpu.memory_space<hbm>>
      tpu.wait_dma2 semaphore(%arg13 : memref<!tpu.dma_semaphore, #tpu.memory_space<semaphore_mem>>) src(%dma_wait3A_111 : memref<128x128xf32, #tpu.memory_space<hbm>>) dst(%arg10 : memref<128x128xf32, #tpu.memory_space<vmem>>)
      "tpu.region"() ({
        %run_scoped3A_120 = tpu.sem_alloc : memref<!tpu.dma_semaphore, #tpu.memory_space<semaphore_mem>>
        %dma_start3A_121 = arith.constant 0 : i32
        %dma_start3A_122 = tpu.memref_slice %arg8[%add3A_105, %dma_start3A_121] : memref<40x128xi32, #tpu.memory_space<vmem>> -> memref<1x128xi32, #tpu.memory_space<vmem>>
        %dma_start3A_123 = tpu.memref_squeeze %dma_start3A_122 : memref<1x128xi32, #tpu.memory_space<vmem>> -> memref<128xi32, #tpu.memory_space<vmem>>
        %dma_start3A_124 = arith.constant 0 : i32
        %dma_start3A_125 = arith.constant 0 : i32
        %dma_start3A_126 = tpu.memref_slice %arg11[%dma_start3A_124, %dma_start3A_125] : memref<10008x128xf32, #tpu.memory_space<vmem_shared>> -> memref<10008x128xf32, #tpu.memory_space<vmem_shared>>
        tpu.enqueue_indirect_dma source(%arg10 : memref<128x128xf32, #tpu.memory_space<vmem>>) target(%dma_start3A_126 : memref<10008x128xf32, #tpu.memory_space<vmem_shared>>) offsets(%dma_start3A_123 : memref<128xi32, #tpu.memory_space<vmem>>) semaphore(%run_scoped3A_120 : memref<!tpu.dma_semaphore, #tpu.memory_space<semaphore_mem>>) {add = true}
        %dma_wait3A_127 = arith.constant 0 : i32
        %dma_wait3A_128 = tpu.memref_slice %arg8[%add3A_105, %dma_wait3A_127] : memref<40x128xi32, #tpu.memory_space<vmem>> -> memref<1x128xi32, #tpu.memory_space<vmem>>
        %dma_wait3A_129 = tpu.memref_squeeze %dma_wait3A_128 : memref<1x128xi32, #tpu.memory_space<vmem>> -> memref<128xi32, #tpu.memory_space<vmem>>
        %dma_wait3A_130 = arith.constant 0 : i32
        %dma_wait3A_131 = arith.constant 0 : i32
        %dma_wait3A_132 = tpu.memref_slice %arg11[%dma_wait3A_130, %dma_wait3A_131] : memref<10008x128xf32, #tpu.memory_space<vmem_shared>> -> memref<10008x128xf32, #tpu.memory_space<vmem_shared>>
        tpu.wait_indirect_dma semaphore(%run_scoped3A_120 : memref<!tpu.dma_semaphore, #tpu.memory_space<semaphore_mem>>) src(%arg10 : memref<128x128xf32, #tpu.memory_space<vmem>>) dst(%dma_wait3A_132 : memref<10008x128xf32, #tpu.memory_space<vmem_shared>>)
        tpu.yield
      }) : () -> ()
      %add3A_112 = arith.constant 2 : i32
      %add3A_113 = arith.addi %add3A_105, %add3A_112 : i32
      %dma_start3A_114 = arith.constant 0 : i32
      %dma_start3A_115 = tpu.memref_slice %arg7[%add3A_113, %dma_start3A_114] : memref<40x128xi32, #tpu.memory_space<vmem>> -> memref<1x128xi32, #tpu.memory_space<vmem>>
      %dma_start3A_116 = tpu.memref_squeeze %dma_start3A_115 : memref<1x128xi32, #tpu.memory_space<vmem>> -> memref<128xi32, #tpu.memory_space<vmem>>
      %dma_start3A_117 = arith.constant 0 : i32
      %dma_start3A_118 = arith.constant 0 : i32
      %dma_start3A_119 = tpu.memref_slice %arg2[%dma_start3A_117, %dma_start3A_118] : memref<10000x128xf32, #tpu.memory_space<hbm>> -> memref<10000x128xf32, #tpu.memory_space<hbm>>
      tpu.enqueue_indirect_dma source(%dma_start3A_119 : memref<10000x128xf32, #tpu.memory_space<hbm>>) target(%arg10 : memref<128x128xf32, #tpu.memory_space<vmem>>) offsets(%dma_start3A_116 : memref<128xi32, #tpu.memory_space<vmem>>) semaphore(%arg13 : memref<!tpu.dma_semaphore, #tpu.memory_space<semaphore_mem>>)
    }
    %scan3A_24 = arith.constant 19 : i32
    %dma_wait3A = arith.constant 0 : i32
    %dma_wait3A_25 = arith.constant 0 : i32
    %dma_wait3A_26 = tpu.memref_slice %arg5[%dma_wait3A, %dma_wait3A_25] : memref<10008x128xf32, #tpu.memory_space<hbm>> -> memref<128x128xf32, #tpu.memory_space<hbm>>
    %dma_wait3A_27 = arith.constant 0 : i32
    %dma_wait3A_28 = arith.constant 0 : i32
    %dma_wait3A_29 = tpu.memref_slice %arg5[%dma_wait3A_27, %dma_wait3A_28] : memref<10008x128xf32, #tpu.memory_space<hbm>> -> memref<128x128xf32, #tpu.memory_space<hbm>>
    tpu.wait_dma2 semaphore(%arg12 : memref<!tpu.dma_semaphore, #tpu.memory_space<semaphore_mem>>) src(%dma_wait3A_29 : memref<128x128xf32, #tpu.memory_space<hbm>>) dst(%arg9 : memref<128x128xf32, #tpu.memory_space<vmem>>)
    %run_scoped3A_30 = arith.constant 38 : i32
    "tpu.region"() ({
      %run_scoped3A_83 = tpu.sem_alloc : memref<!tpu.dma_semaphore, #tpu.memory_space<semaphore_mem>>
      %dma_start3A_84 = arith.constant 0 : i32
      %dma_start3A_85 = tpu.memref_slice %arg8[%run_scoped3A_30, %dma_start3A_84] : memref<40x128xi32, #tpu.memory_space<vmem>> -> memref<1x128xi32, #tpu.memory_space<vmem>>
      %dma_start3A_86 = tpu.memref_squeeze %dma_start3A_85 : memref<1x128xi32, #tpu.memory_space<vmem>> -> memref<128xi32, #tpu.memory_space<vmem>>
      %dma_start3A_87 = arith.constant 0 : i32
      %dma_start3A_88 = arith.constant 0 : i32
      %dma_start3A_89 = tpu.memref_slice %arg11[%dma_start3A_87, %dma_start3A_88] : memref<10008x128xf32, #tpu.memory_space<vmem_shared>> -> memref<10008x128xf32, #tpu.memory_space<vmem_shared>>
      tpu.enqueue_indirect_dma source(%arg9 : memref<128x128xf32, #tpu.memory_space<vmem>>) target(%dma_start3A_89 : memref<10008x128xf32, #tpu.memory_space<vmem_shared>>) offsets(%dma_start3A_86 : memref<128xi32, #tpu.memory_space<vmem>>) semaphore(%run_scoped3A_83 : memref<!tpu.dma_semaphore, #tpu.memory_space<semaphore_mem>>) {add = true}
      %dma_wait3A_90 = arith.constant 0 : i32
      %dma_wait3A_91 = tpu.memref_slice %arg8[%run_scoped3A_30, %dma_wait3A_90] : memref<40x128xi32, #tpu.memory_space<vmem>> -> memref<1x128xi32, #tpu.memory_space<vmem>>
      %dma_wait3A_92 = tpu.memref_squeeze %dma_wait3A_91 : memref<1x128xi32, #tpu.memory_space<vmem>> -> memref<128xi32, #tpu.memory_space<vmem>>
      %dma_wait3A_93 = arith.constant 0 : i32
      %dma_wait3A_94 = arith.constant 0 : i32
      %dma_wait3A_95 = tpu.memref_slice %arg11[%dma_wait3A_93, %dma_wait3A_94] : memref<10008x128xf32, #tpu.memory_space<vmem_shared>> -> memref<10008x128xf32, #tpu.memory_space<vmem_shared>>
      tpu.wait_indirect_dma semaphore(%run_scoped3A_83 : memref<!tpu.dma_semaphore, #tpu.memory_space<semaphore_mem>>) src(%arg9 : memref<128x128xf32, #tpu.memory_space<vmem>>) dst(%dma_wait3A_95 : memref<10008x128xf32, #tpu.memory_space<vmem_shared>>)
      tpu.yield
    }) : () -> ()
    %dma_wait3A_31 = arith.constant 0 : i32
    %dma_wait3A_32 = arith.constant 0 : i32
    %dma_wait3A_33 = tpu.memref_slice %arg5[%dma_wait3A_31, %dma_wait3A_32] : memref<10008x128xf32, #tpu.memory_space<hbm>> -> memref<128x128xf32, #tpu.memory_space<hbm>>
    %dma_wait3A_34 = arith.constant 0 : i32
    %dma_wait3A_35 = arith.constant 0 : i32
    %dma_wait3A_36 = tpu.memref_slice %arg5[%dma_wait3A_34, %dma_wait3A_35] : memref<10008x128xf32, #tpu.memory_space<hbm>> -> memref<128x128xf32, #tpu.memory_space<hbm>>
    tpu.wait_dma2 semaphore(%arg13 : memref<!tpu.dma_semaphore, #tpu.memory_space<semaphore_mem>>) src(%dma_wait3A_36 : memref<128x128xf32, #tpu.memory_space<hbm>>) dst(%arg10 : memref<128x128xf32, #tpu.memory_space<vmem>>)
    %run_scoped3A_37 = arith.constant 39 : i32
    "tpu.region"() ({
      %run_scoped3A_83 = tpu.sem_alloc : memref<!tpu.dma_semaphore, #tpu.memory_space<semaphore_mem>>
      %dma_start3A_84 = arith.constant 0 : i32
      %dma_start3A_85 = tpu.memref_slice %arg8[%run_scoped3A_37, %dma_start3A_84] : memref<40x128xi32, #tpu.memory_space<vmem>> -> memref<1x128xi32, #tpu.memory_space<vmem>>
      %dma_start3A_86 = tpu.memref_squeeze %dma_start3A_85 : memref<1x128xi32, #tpu.memory_space<vmem>> -> memref<128xi32, #tpu.memory_space<vmem>>
      %dma_start3A_87 = arith.constant 0 : i32
      %dma_start3A_88 = arith.constant 0 : i32
      %dma_start3A_89 = tpu.memref_slice %arg11[%dma_start3A_87, %dma_start3A_88] : memref<10008x128xf32, #tpu.memory_space<vmem_shared>> -> memref<10008x128xf32, #tpu.memory_space<vmem_shared>>
      tpu.enqueue_indirect_dma source(%arg10 : memref<128x128xf32, #tpu.memory_space<vmem>>) target(%dma_start3A_89 : memref<10008x128xf32, #tpu.memory_space<vmem_shared>>) offsets(%dma_start3A_86 : memref<128xi32, #tpu.memory_space<vmem>>) semaphore(%run_scoped3A_83 : memref<!tpu.dma_semaphore, #tpu.memory_space<semaphore_mem>>) {add = true}
      %dma_wait3A_90 = arith.constant 0 : i32
      %dma_wait3A_91 = tpu.memref_slice %arg8[%run_scoped3A_37, %dma_wait3A_90] : memref<40x128xi32, #tpu.memory_space<vmem>> -> memref<1x128xi32, #tpu.memory_space<vmem>>
      %dma_wait3A_92 = tpu.memref_squeeze %dma_wait3A_91 : memref<1x128xi32, #tpu.memory_space<vmem>> -> memref<128xi32, #tpu.memory_space<vmem>>
      %dma_wait3A_93 = arith.constant 0 : i32
      %dma_wait3A_94 = arith.constant 0 : i32
      %dma_wait3A_95 = tpu.memref_slice %arg11[%dma_wait3A_93, %dma_wait3A_94] : memref<10008x128xf32, #tpu.memory_space<vmem_shared>> -> memref<10008x128xf32, #tpu.memory_space<vmem_shared>>
      tpu.wait_indirect_dma semaphore(%run_scoped3A_83 : memref<!tpu.dma_semaphore, #tpu.memory_space<semaphore_mem>>) src(%arg10 : memref<128x128xf32, #tpu.memory_space<vmem>>) dst(%dma_wait3A_95 : memref<10008x128xf32, #tpu.memory_space<vmem_shared>>)
      tpu.yield
    }) : () -> ()
    %run_scoped3A_38 = arith.constant 1 : i32
    "tpu.region"() ({
      %run_scoped3A_83 = tpu.sem_alloc : memref<!tpu.dma_semaphore, #tpu.memory_space<semaphore_mem>>
      %dma_start3A_84 = arith.constant 0 : i32
      %dma_start3A_85 = arith.constant 0 : i32
      %dma_start3A_86 = tpu.memref_slice %arg3[%add3A, %run_scoped3A_38, %dma_start3A_84, %dma_start3A_85] : memref<32x2x40x128xi32, #tpu.memory_space<hbm>> -> memref<1x1x40x128xi32, #tpu.memory_space<hbm>>
      %dma_start3A_87 = tpu.memref_squeeze %dma_start3A_86 : memref<1x1x40x128xi32, #tpu.memory_space<hbm>> -> memref<40x128xi32, #tpu.memory_space<hbm>>
      %dma_start3A_88 = arith.constant 0 : i32
      %dma_start3A_89 = arith.constant 0 : i32
      %dma_start3A_90 = tpu.memref_slice %arg3[%add3A, %run_scoped3A_38, %dma_start3A_88, %dma_start3A_89] : memref<32x2x40x128xi32, #tpu.memory_space<hbm>> -> memref<1x1x40x128xi32, #tpu.memory_space<hbm>>
      %dma_start3A_91 = tpu.memref_squeeze %dma_start3A_90 : memref<1x1x40x128xi32, #tpu.memory_space<hbm>> -> memref<40x128xi32, #tpu.memory_space<hbm>>
      tpu.enqueue_dma source(%dma_start3A_91 : memref<40x128xi32, #tpu.memory_space<hbm>>) target(%arg7 : memref<40x128xi32, #tpu.memory_space<vmem>>) target_semaphore(%run_scoped3A_83 : memref<!tpu.dma_semaphore, #tpu.memory_space<semaphore_mem>>)
      %dma_wait3A_92 = arith.constant 0 : i32
      %dma_wait3A_93 = arith.constant 0 : i32
      %dma_wait3A_94 = tpu.memref_slice %arg3[%add3A, %run_scoped3A_38, %dma_wait3A_92, %dma_wait3A_93] : memref<32x2x40x128xi32, #tpu.memory_space<hbm>> -> memref<1x1x40x128xi32, #tpu.memory_space<hbm>>
      %dma_wait3A_95 = tpu.memref_squeeze %dma_wait3A_94 : memref<1x1x40x128xi32, #tpu.memory_space<hbm>> -> memref<40x128xi32, #tpu.memory_space<hbm>>
      %dma_wait3A_96 = arith.constant 0 : i32
      %dma_wait3A_97 = arith.constant 0 : i32
      %dma_wait3A_98 = tpu.memref_slice %arg3[%add3A, %run_scoped3A_38, %dma_wait3A_96, %dma_wait3A_97] : memref<32x2x40x128xi32, #tpu.memory_space<hbm>> -> memref<1x1x40x128xi32, #tpu.memory_space<hbm>>
      %dma_wait3A_99 = tpu.memref_squeeze %dma_wait3A_98 : memref<1x1x40x128xi32, #tpu.memory_space<hbm>> -> memref<40x128xi32, #tpu.memory_space<hbm>>
      tpu.wait_dma2 semaphore(%run_scoped3A_83 : memref<!tpu.dma_semaphore, #tpu.memory_space<semaphore_mem>>) src(%dma_wait3A_99 : memref<40x128xi32, #tpu.memory_space<hbm>>) dst(%arg7 : memref<40x128xi32, #tpu.memory_space<vmem>>)
      tpu.yield
    }) : () -> ()
    %run_scoped3A_39 = arith.constant 1 : i32
    "tpu.region"() ({
      %run_scoped3A_83 = tpu.sem_alloc : memref<!tpu.dma_semaphore, #tpu.memory_space<semaphore_mem>>
      %dma_start3A_84 = arith.constant 0 : i32
      %dma_start3A_85 = arith.constant 0 : i32
      %dma_start3A_86 = tpu.memref_slice %arg4[%add3A, %run_scoped3A_39, %dma_start3A_84, %dma_start3A_85] : memref<32x2x40x128xi32, #tpu.memory_space<hbm>> -> memref<1x1x40x128xi32, #tpu.memory_space<hbm>>
      %dma_start3A_87 = tpu.memref_squeeze %dma_start3A_86 : memref<1x1x40x128xi32, #tpu.memory_space<hbm>> -> memref<40x128xi32, #tpu.memory_space<hbm>>
      %dma_start3A_88 = arith.constant 0 : i32
      %dma_start3A_89 = arith.constant 0 : i32
      %dma_start3A_90 = tpu.memref_slice %arg4[%add3A, %run_scoped3A_39, %dma_start3A_88, %dma_start3A_89] : memref<32x2x40x128xi32, #tpu.memory_space<hbm>> -> memref<1x1x40x128xi32, #tpu.memory_space<hbm>>
      %dma_start3A_91 = tpu.memref_squeeze %dma_start3A_90 : memref<1x1x40x128xi32, #tpu.memory_space<hbm>> -> memref<40x128xi32, #tpu.memory_space<hbm>>
      tpu.enqueue_dma source(%dma_start3A_91 : memref<40x128xi32, #tpu.memory_space<hbm>>) target(%arg8 : memref<40x128xi32, #tpu.memory_space<vmem>>) target_semaphore(%run_scoped3A_83 : memref<!tpu.dma_semaphore, #tpu.memory_space<semaphore_mem>>)
      %dma_wait3A_92 = arith.constant 0 : i32
      %dma_wait3A_93 = arith.constant 0 : i32
      %dma_wait3A_94 = tpu.memref_slice %arg4[%add3A, %run_scoped3A_39, %dma_wait3A_92, %dma_wait3A_93] : memref<32x2x40x128xi32, #tpu.memory_space<hbm>> -> memref<1x1x40x128xi32, #tpu.memory_space<hbm>>
      %dma_wait3A_95 = tpu.memref_squeeze %dma_wait3A_94 : memref<1x1x40x128xi32, #tpu.memory_space<hbm>> -> memref<40x128xi32, #tpu.memory_space<hbm>>
      %dma_wait3A_96 = arith.constant 0 : i32
      %dma_wait3A_97 = arith.constant 0 : i32
      %dma_wait3A_98 = tpu.memref_slice %arg4[%add3A, %run_scoped3A_39, %dma_wait3A_96, %dma_wait3A_97] : memref<32x2x40x128xi32, #tpu.memory_space<hbm>> -> memref<1x1x40x128xi32, #tpu.memory_space<hbm>>
      %dma_wait3A_99 = tpu.memref_squeeze %dma_wait3A_98 : memref<1x1x40x128xi32, #tpu.memory_space<hbm>> -> memref<40x128xi32, #tpu.memory_space<hbm>>
      tpu.wait_dma2 semaphore(%run_scoped3A_83 : memref<!tpu.dma_semaphore, #tpu.memory_space<semaphore_mem>>) src(%dma_wait3A_99 : memref<40x128xi32, #tpu.memory_space<hbm>>) dst(%arg8 : memref<40x128xi32, #tpu.memory_space<vmem>>)
      tpu.yield
    }) : () -> ()
    %dma_start3A_40 = arith.constant 0 : i32
    %dma_start3A_41 = arith.constant 0 : i32
    %dma_start3A_42 = tpu.memref_slice %arg7[%dma_start3A_40, %dma_start3A_41] : memref<40x128xi32, #tpu.memory_space<vmem>> -> memref<1x128xi32, #tpu.memory_space<vmem>>
    %dma_start3A_43 = tpu.memref_squeeze %dma_start3A_42 : memref<1x128xi32, #tpu.memory_space<vmem>> -> memref<128xi32, #tpu.memory_space<vmem>>
    %dma_start3A_44 = arith.constant 0 : i32
    %dma_start3A_45 = arith.constant 0 : i32
    %dma_start3A_46 = tpu.memref_slice %arg2[%dma_start3A_44, %dma_start3A_45] : memref<10000x128xf32, #tpu.memory_space<hbm>> -> memref<10000x128xf32, #tpu.memory_space<hbm>>
    tpu.enqueue_indirect_dma source(%dma_start3A_46 : memref<10000x128xf32, #tpu.memory_space<hbm>>) target(%arg9 : memref<128x128xf32, #tpu.memory_space<vmem>>) offsets(%dma_start3A_43 : memref<128xi32, #tpu.memory_space<vmem>>) semaphore(%arg12 : memref<!tpu.dma_semaphore, #tpu.memory_space<semaphore_mem>>)
    %dma_start3A_47 = arith.constant 1 : i32
    %dma_start3A_48 = arith.constant 0 : i32
    %dma_start3A_49 = tpu.memref_slice %arg7[%dma_start3A_47, %dma_start3A_48] : memref<40x128xi32, #tpu.memory_space<vmem>> -> memref<1x128xi32, #tpu.memory_space<vmem>>
    %dma_start3A_50 = tpu.memref_squeeze %dma_start3A_49 : memref<1x128xi32, #tpu.memory_space<vmem>> -> memref<128xi32, #tpu.memory_space<vmem>>
    %dma_start3A_51 = arith.constant 0 : i32
    %dma_start3A_52 = arith.constant 0 : i32
    %dma_start3A_53 = tpu.memref_slice %arg2[%dma_start3A_51, %dma_start3A_52] : memref<10000x128xf32, #tpu.memory_space<hbm>> -> memref<10000x128xf32, #tpu.memory_space<hbm>>
    tpu.enqueue_indirect_dma source(%dma_start3A_53 : memref<10000x128xf32, #tpu.memory_space<hbm>>) target(%arg10 : memref<128x128xf32, #tpu.memory_space<vmem>>) offsets(%dma_start3A_50 : memref<128xi32, #tpu.memory_space<vmem>>) semaphore(%arg13 : memref<!tpu.dma_semaphore, #tpu.memory_space<semaphore_mem>>)
    %scan3A_54 = arith.constant 0 : i32
    %scan3A_55 = arith.constant 19 : i32
    %scan3A_56 = arith.addi %scan3A_54, %scan3A_55 : i32
    %scan3A_57 = arith.constant 1 : i32
    scf.for %scan3A_83 = %scan3A_54 to %scan3A_56 step %scan3A_57  : i32 {
      %mul3A_84 = arith.constant 2 : i32
      %mul3A_85 = arith.muli %scan3A_83, %mul3A_84 : i32
      %add3A_86 = arith.constant 0 : i32
      %add3A_87 = arith.addi %add3A_86, %mul3A_85 : i32
      %add3A_88 = arith.constant 0 : i32
      %add3A_89 = arith.addi %add3A_87, %add3A_88 : i32
      %dma_wait3A_90 = arith.constant 0 : i32
      %dma_wait3A_91 = arith.constant 0 : i32
      %dma_wait3A_92 = tpu.memref_slice %arg5[%dma_wait3A_90, %dma_wait3A_91] : memref<10008x128xf32, #tpu.memory_space<hbm>> -> memref<128x128xf32, #tpu.memory_space<hbm>>
      %dma_wait3A_93 = arith.constant 0 : i32
      %dma_wait3A_94 = arith.constant 0 : i32
      %dma_wait3A_95 = tpu.memref_slice %arg5[%dma_wait3A_93, %dma_wait3A_94] : memref<10008x128xf32, #tpu.memory_space<hbm>> -> memref<128x128xf32, #tpu.memory_space<hbm>>
      tpu.wait_dma2 semaphore(%arg12 : memref<!tpu.dma_semaphore, #tpu.memory_space<semaphore_mem>>) src(%dma_wait3A_95 : memref<128x128xf32, #tpu.memory_space<hbm>>) dst(%arg9 : memref<128x128xf32, #tpu.memory_space<vmem>>)
      "tpu.region"() ({
        %run_scoped3A_120 = tpu.sem_alloc : memref<!tpu.dma_semaphore, #tpu.memory_space<semaphore_mem>>
        %dma_start3A_121 = arith.constant 0 : i32
        %dma_start3A_122 = tpu.memref_slice %arg8[%add3A_89, %dma_start3A_121] : memref<40x128xi32, #tpu.memory_space<vmem>> -> memref<1x128xi32, #tpu.memory_space<vmem>>
        %dma_start3A_123 = tpu.memref_squeeze %dma_start3A_122 : memref<1x128xi32, #tpu.memory_space<vmem>> -> memref<128xi32, #tpu.memory_space<vmem>>
        %dma_start3A_124 = arith.constant 0 : i32
        %dma_start3A_125 = arith.constant 0 : i32
        %dma_start3A_126 = tpu.memref_slice %arg11[%dma_start3A_124, %dma_start3A_125] : memref<10008x128xf32, #tpu.memory_space<vmem_shared>> -> memref<10008x128xf32, #tpu.memory_space<vmem_shared>>
        tpu.enqueue_indirect_dma source(%arg9 : memref<128x128xf32, #tpu.memory_space<vmem>>) target(%dma_start3A_126 : memref<10008x128xf32, #tpu.memory_space<vmem_shared>>) offsets(%dma_start3A_123 : memref<128xi32, #tpu.memory_space<vmem>>) semaphore(%run_scoped3A_120 : memref<!tpu.dma_semaphore, #tpu.memory_space<semaphore_mem>>) {add = true}
        %dma_wait3A_127 = arith.constant 0 : i32
        %dma_wait3A_128 = tpu.memref_slice %arg8[%add3A_89, %dma_wait3A_127] : memref<40x128xi32, #tpu.memory_space<vmem>> -> memref<1x128xi32, #tpu.memory_space<vmem>>
        %dma_wait3A_129 = tpu.memref_squeeze %dma_wait3A_128 : memref<1x128xi32, #tpu.memory_space<vmem>> -> memref<128xi32, #tpu.memory_space<vmem>>
        %dma_wait3A_130 = arith.constant 0 : i32
        %dma_wait3A_131 = arith.constant 0 : i32
        %dma_wait3A_132 = tpu.memref_slice %arg11[%dma_wait3A_130, %dma_wait3A_131] : memref<10008x128xf32, #tpu.memory_space<vmem_shared>> -> memref<10008x128xf32, #tpu.memory_space<vmem_shared>>
        tpu.wait_indirect_dma semaphore(%run_scoped3A_120 : memref<!tpu.dma_semaphore, #tpu.memory_space<semaphore_mem>>) src(%arg9 : memref<128x128xf32, #tpu.memory_space<vmem>>) dst(%dma_wait3A_132 : memref<10008x128xf32, #tpu.memory_space<vmem_shared>>)
        tpu.yield
      }) : () -> ()
      %add3A_96 = arith.constant 2 : i32
      %add3A_97 = arith.addi %add3A_89, %add3A_96 : i32
      %dma_start3A_98 = arith.constant 0 : i32
      %dma_start3A_99 = tpu.memref_slice %arg7[%add3A_97, %dma_start3A_98] : memref<40x128xi32, #tpu.memory_space<vmem>> -> memref<1x128xi32, #tpu.memory_space<vmem>>
      %dma_start3A_100 = tpu.memref_squeeze %dma_start3A_99 : memref<1x128xi32, #tpu.memory_space<vmem>> -> memref<128xi32, #tpu.memory_space<vmem>>
      %dma_start3A_101 = arith.constant 0 : i32
      %dma_start3A_102 = arith.constant 0 : i32
      %dma_start3A_103 = tpu.memref_slice %arg2[%dma_start3A_101, %dma_start3A_102] : memref<10000x128xf32, #tpu.memory_space<hbm>> -> memref<10000x128xf32, #tpu.memory_space<hbm>>
      tpu.enqueue_indirect_dma source(%dma_start3A_103 : memref<10000x128xf32, #tpu.memory_space<hbm>>) target(%arg9 : memref<128x128xf32, #tpu.memory_space<vmem>>) offsets(%dma_start3A_100 : memref<128xi32, #tpu.memory_space<vmem>>) semaphore(%arg12 : memref<!tpu.dma_semaphore, #tpu.memory_space<semaphore_mem>>)
      %add3A_104 = arith.constant 1 : i32
      %add3A_105 = arith.addi %add3A_87, %add3A_104 : i32
      %dma_wait3A_106 = arith.constant 0 : i32
      %dma_wait3A_107 = arith.constant 0 : i32
      %dma_wait3A_108 = tpu.memref_slice %arg5[%dma_wait3A_106, %dma_wait3A_107] : memref<10008x128xf32, #tpu.memory_space<hbm>> -> memref<128x128xf32, #tpu.memory_space<hbm>>
      %dma_wait3A_109 = arith.constant 0 : i32
      %dma_wait3A_110 = arith.constant 0 : i32
      %dma_wait3A_111 = tpu.memref_slice %arg5[%dma_wait3A_109, %dma_wait3A_110] : memref<10008x128xf32, #tpu.memory_space<hbm>> -> memref<128x128xf32, #tpu.memory_space<hbm>>
      tpu.wait_dma2 semaphore(%arg13 : memref<!tpu.dma_semaphore, #tpu.memory_space<semaphore_mem>>) src(%dma_wait3A_111 : memref<128x128xf32, #tpu.memory_space<hbm>>) dst(%arg10 : memref<128x128xf32, #tpu.memory_space<vmem>>)
      "tpu.region"() ({
        %run_scoped3A_120 = tpu.sem_alloc : memref<!tpu.dma_semaphore, #tpu.memory_space<semaphore_mem>>
        %dma_start3A_121 = arith.constant 0 : i32
        %dma_start3A_122 = tpu.memref_slice %arg8[%add3A_105, %dma_start3A_121] : memref<40x128xi32, #tpu.memory_space<vmem>> -> memref<1x128xi32, #tpu.memory_space<vmem>>
        %dma_start3A_123 = tpu.memref_squeeze %dma_start3A_122 : memref<1x128xi32, #tpu.memory_space<vmem>> -> memref<128xi32, #tpu.memory_space<vmem>>
        %dma_start3A_124 = arith.constant 0 : i32
        %dma_start3A_125 = arith.constant 0 : i32
        %dma_start3A_126 = tpu.memref_slice %arg11[%dma_start3A_124, %dma_start3A_125] : memref<10008x128xf32, #tpu.memory_space<vmem_shared>> -> memref<10008x128xf32, #tpu.memory_space<vmem_shared>>
        tpu.enqueue_indirect_dma source(%arg10 : memref<128x128xf32, #tpu.memory_space<vmem>>) target(%dma_start3A_126 : memref<10008x128xf32, #tpu.memory_space<vmem_shared>>) offsets(%dma_start3A_123 : memref<128xi32, #tpu.memory_space<vmem>>) semaphore(%run_scoped3A_120 : memref<!tpu.dma_semaphore, #tpu.memory_space<semaphore_mem>>) {add = true}
        %dma_wait3A_127 = arith.constant 0 : i32
        %dma_wait3A_128 = tpu.memref_slice %arg8[%add3A_105, %dma_wait3A_127] : memref<40x128xi32, #tpu.memory_space<vmem>> -> memref<1x128xi32, #tpu.memory_space<vmem>>
        %dma_wait3A_129 = tpu.memref_squeeze %dma_wait3A_128 : memref<1x128xi32, #tpu.memory_space<vmem>> -> memref<128xi32, #tpu.memory_space<vmem>>
        %dma_wait3A_130 = arith.constant 0 : i32
        %dma_wait3A_131 = arith.constant 0 : i32
        %dma_wait3A_132 = tpu.memref_slice %arg11[%dma_wait3A_130, %dma_wait3A_131] : memref<10008x128xf32, #tpu.memory_space<vmem_shared>> -> memref<10008x128xf32, #tpu.memory_space<vmem_shared>>
        tpu.wait_indirect_dma semaphore(%run_scoped3A_120 : memref<!tpu.dma_semaphore, #tpu.memory_space<semaphore_mem>>) src(%arg10 : memref<128x128xf32, #tpu.memory_space<vmem>>) dst(%dma_wait3A_132 : memref<10008x128xf32, #tpu.memory_space<vmem_shared>>)
        tpu.yield
      }) : () -> ()
      %add3A_112 = arith.constant 2 : i32
      %add3A_113 = arith.addi %add3A_105, %add3A_112 : i32
      %dma_start3A_114 = arith.constant 0 : i32
      %dma_start3A_115 = tpu.memref_slice %arg7[%add3A_113, %dma_start3A_114] : memref<40x128xi32, #tpu.memory_space<vmem>> -> memref<1x128xi32, #tpu.memory_space<vmem>>
      %dma_start3A_116 = tpu.memref_squeeze %dma_start3A_115 : memref<1x128xi32, #tpu.memory_space<vmem>> -> memref<128xi32, #tpu.memory_space<vmem>>
      %dma_start3A_117 = arith.constant 0 : i32
      %dma_start3A_118 = arith.constant 0 : i32
      %dma_start3A_119 = tpu.memref_slice %arg2[%dma_start3A_117, %dma_start3A_118] : memref<10000x128xf32, #tpu.memory_space<hbm>> -> memref<10000x128xf32, #tpu.memory_space<hbm>>
      tpu.enqueue_indirect_dma source(%dma_start3A_119 : memref<10000x128xf32, #tpu.memory_space<hbm>>) target(%arg10 : memref<128x128xf32, #tpu.memory_space<vmem>>) offsets(%dma_start3A_116 : memref<128xi32, #tpu.memory_space<vmem>>) semaphore(%arg13 : memref<!tpu.dma_semaphore, #tpu.memory_space<semaphore_mem>>)
    }
    %scan3A_58 = arith.constant 19 : i32
    %dma_wait3A_59 = arith.constant 0 : i32
    %dma_wait3A_60 = arith.constant 0 : i32
    %dma_wait3A_61 = tpu.memref_slice %arg5[%dma_wait3A_59, %dma_wait3A_60] : memref<10008x128xf32, #tpu.memory_space<hbm>> -> memref<128x128xf32, #tpu.memory_space<hbm>>
    %dma_wait3A_62 = arith.constant 0 : i32
    %dma_wait3A_63 = arith.constant 0 : i32
    %dma_wait3A_64 = tpu.memref_slice %arg5[%dma_wait3A_62, %dma_wait3A_63] : memref<10008x128xf32, #tpu.memory_space<hbm>> -> memref<128x128xf32, #tpu.memory_space<hbm>>
    tpu.wait_dma2 semaphore(%arg12 : memref<!tpu.dma_semaphore, #tpu.memory_space<semaphore_mem>>) src(%dma_wait3A_64 : memref<128x128xf32, #tpu.memory_space<hbm>>) dst(%arg9 : memref<128x128xf32, #tpu.memory_space<vmem>>)
    %run_scoped3A_65 = arith.constant 38 : i32
    "tpu.region"() ({
      %run_scoped3A_83 = tpu.sem_alloc : memref<!tpu.dma_semaphore, #tpu.memory_space<semaphore_mem>>
      %dma_start3A_84 = arith.constant 0 : i32
      %dma_start3A_85 = tpu.memref_slice %arg8[%run_scoped3A_65, %dma_start3A_84] : memref<40x128xi32, #tpu.memory_space<vmem>> -> memref<1x128xi32, #tpu.memory_space<vmem>>
      %dma_start3A_86 = tpu.memref_squeeze %dma_start3A_85 : memref<1x128xi32, #tpu.memory_space<vmem>> -> memref<128xi32, #tpu.memory_space<vmem>>
      %dma_start3A_87 = arith.constant 0 : i32
      %dma_start3A_88 = arith.constant 0 : i32
      %dma_start3A_89 = tpu.memref_slice %arg11[%dma_start3A_87, %dma_start3A_88] : memref<10008x128xf32, #tpu.memory_space<vmem_shared>> -> memref<10008x128xf32, #tpu.memory_space<vmem_shared>>
      tpu.enqueue_indirect_dma source(%arg9 : memref<128x128xf32, #tpu.memory_space<vmem>>) target(%dma_start3A_89 : memref<10008x128xf32, #tpu.memory_space<vmem_shared>>) offsets(%dma_start3A_86 : memref<128xi32, #tpu.memory_space<vmem>>) semaphore(%run_scoped3A_83 : memref<!tpu.dma_semaphore, #tpu.memory_space<semaphore_mem>>) {add = true}
      %dma_wait3A_90 = arith.constant 0 : i32
      %dma_wait3A_91 = tpu.memref_slice %arg8[%run_scoped3A_65, %dma_wait3A_90] : memref<40x128xi32, #tpu.memory_space<vmem>> -> memref<1x128xi32, #tpu.memory_space<vmem>>
      %dma_wait3A_92 = tpu.memref_squeeze %dma_wait3A_91 : memref<1x128xi32, #tpu.memory_space<vmem>> -> memref<128xi32, #tpu.memory_space<vmem>>
      %dma_wait3A_93 = arith.constant 0 : i32
      %dma_wait3A_94 = arith.constant 0 : i32
      %dma_wait3A_95 = tpu.memref_slice %arg11[%dma_wait3A_93, %dma_wait3A_94] : memref<10008x128xf32, #tpu.memory_space<vmem_shared>> -> memref<10008x128xf32, #tpu.memory_space<vmem_shared>>
      tpu.wait_indirect_dma semaphore(%run_scoped3A_83 : memref<!tpu.dma_semaphore, #tpu.memory_space<semaphore_mem>>) src(%arg9 : memref<128x128xf32, #tpu.memory_space<vmem>>) dst(%dma_wait3A_95 : memref<10008x128xf32, #tpu.memory_space<vmem_shared>>)
      tpu.yield
    }) : () -> ()
    %dma_wait3A_66 = arith.constant 0 : i32
    %dma_wait3A_67 = arith.constant 0 : i32
    %dma_wait3A_68 = tpu.memref_slice %arg5[%dma_wait3A_66, %dma_wait3A_67] : memref<10008x128xf32, #tpu.memory_space<hbm>> -> memref<128x128xf32, #tpu.memory_space<hbm>>
    %dma_wait3A_69 = arith.constant 0 : i32
    %dma_wait3A_70 = arith.constant 0 : i32
    %dma_wait3A_71 = tpu.memref_slice %arg5[%dma_wait3A_69, %dma_wait3A_70] : memref<10008x128xf32, #tpu.memory_space<hbm>> -> memref<128x128xf32, #tpu.memory_space<hbm>>
    tpu.wait_dma2 semaphore(%arg13 : memref<!tpu.dma_semaphore, #tpu.memory_space<semaphore_mem>>) src(%dma_wait3A_71 : memref<128x128xf32, #tpu.memory_space<hbm>>) dst(%arg10 : memref<128x128xf32, #tpu.memory_space<vmem>>)
    %run_scoped3A_72 = arith.constant 39 : i32
    "tpu.region"() ({
      %run_scoped3A_83 = tpu.sem_alloc : memref<!tpu.dma_semaphore, #tpu.memory_space<semaphore_mem>>
      %dma_start3A_84 = arith.constant 0 : i32
      %dma_start3A_85 = tpu.memref_slice %arg8[%run_scoped3A_72, %dma_start3A_84] : memref<40x128xi32, #tpu.memory_space<vmem>> -> memref<1x128xi32, #tpu.memory_space<vmem>>
      %dma_start3A_86 = tpu.memref_squeeze %dma_start3A_85 : memref<1x128xi32, #tpu.memory_space<vmem>> -> memref<128xi32, #tpu.memory_space<vmem>>
      %dma_start3A_87 = arith.constant 0 : i32
      %dma_start3A_88 = arith.constant 0 : i32
      %dma_start3A_89 = tpu.memref_slice %arg11[%dma_start3A_87, %dma_start3A_88] : memref<10008x128xf32, #tpu.memory_space<vmem_shared>> -> memref<10008x128xf32, #tpu.memory_space<vmem_shared>>
      tpu.enqueue_indirect_dma source(%arg10 : memref<128x128xf32, #tpu.memory_space<vmem>>) target(%dma_start3A_89 : memref<10008x128xf32, #tpu.memory_space<vmem_shared>>) offsets(%dma_start3A_86 : memref<128xi32, #tpu.memory_space<vmem>>) semaphore(%run_scoped3A_83 : memref<!tpu.dma_semaphore, #tpu.memory_space<semaphore_mem>>) {add = true}
      %dma_wait3A_90 = arith.constant 0 : i32
      %dma_wait3A_91 = tpu.memref_slice %arg8[%run_scoped3A_72, %dma_wait3A_90] : memref<40x128xi32, #tpu.memory_space<vmem>> -> memref<1x128xi32, #tpu.memory_space<vmem>>
      %dma_wait3A_92 = tpu.memref_squeeze %dma_wait3A_91 : memref<1x128xi32, #tpu.memory_space<vmem>> -> memref<128xi32, #tpu.memory_space<vmem>>
      %dma_wait3A_93 = arith.constant 0 : i32
      %dma_wait3A_94 = arith.constant 0 : i32
      %dma_wait3A_95 = tpu.memref_slice %arg11[%dma_wait3A_93, %dma_wait3A_94] : memref<10008x128xf32, #tpu.memory_space<vmem_shared>> -> memref<10008x128xf32, #tpu.memory_space<vmem_shared>>
      tpu.wait_indirect_dma semaphore(%run_scoped3A_83 : memref<!tpu.dma_semaphore, #tpu.memory_space<semaphore_mem>>) src(%arg10 : memref<128x128xf32, #tpu.memory_space<vmem>>) dst(%dma_wait3A_95 : memref<10008x128xf32, #tpu.memory_space<vmem_shared>>)
      tpu.yield
    }) : () -> ()
    %barrier3A_73 = arith.constant 0 : index
    tpu.barrier barrier_id(%barrier3A_73)
    %mul3A_74 = arith.constant 624 : i32
    %mul3A_75 = arith.muli %arg1, %mul3A_74 : i32
    %mul3A_76 = arith.constant 624 : i32
    %mul3A_77 = arith.muli %arg1, %mul3A_76 : i32
    "tpu.region"() ({
      %run_scoped3A_83 = tpu.sem_alloc : memref<!tpu.dma_semaphore, #tpu.memory_space<semaphore_mem>>
      %dma_start3A_84 = arith.constant 0 : i32
      %dma_start3A_85 = tpu.memref_slice %arg6[%arg0, %mul3A_77, %dma_start3A_84] : memref<2x10008x128xf32, #tpu.memory_space<hbm>> -> memref<1x624x128xf32, #tpu.memory_space<hbm>>
      %dma_start3A_86 = tpu.memref_squeeze %dma_start3A_85 : memref<1x624x128xf32, #tpu.memory_space<hbm>> -> memref<624x128xf32, #tpu.memory_space<hbm>>
      %dma_start3A_87 = arith.constant 0 : i32
      %dma_start3A_88 = tpu.memref_slice %arg11[%mul3A_75, %dma_start3A_87] : memref<10008x128xf32, #tpu.memory_space<vmem_shared>> -> memref<624x128xf32, #tpu.memory_space<vmem_shared>>
      tpu.enqueue_dma source(%dma_start3A_88 : memref<624x128xf32, #tpu.memory_space<vmem_shared>>) target(%dma_start3A_86 : memref<624x128xf32, #tpu.memory_space<hbm>>) target_semaphore(%run_scoped3A_83 : memref<!tpu.dma_semaphore, #tpu.memory_space<semaphore_mem>>)
      %dma_wait3A_89 = arith.constant 0 : i32
      %dma_wait3A_90 = tpu.memref_slice %arg6[%arg0, %mul3A_77, %dma_wait3A_89] : memref<2x10008x128xf32, #tpu.memory_space<hbm>> -> memref<1x624x128xf32, #tpu.memory_space<hbm>>
      %dma_wait3A_91 = tpu.memref_squeeze %dma_wait3A_90 : memref<1x624x128xf32, #tpu.memory_space<hbm>> -> memref<624x128xf32, #tpu.memory_space<hbm>>
      %dma_wait3A_92 = arith.constant 0 : i32
      %dma_wait3A_93 = tpu.memref_slice %arg11[%mul3A_75, %dma_wait3A_92] : memref<10008x128xf32, #tpu.memory_space<vmem_shared>> -> memref<624x128xf32, #tpu.memory_space<vmem_shared>>
      tpu.wait_dma2 semaphore(%run_scoped3A_83 : memref<!tpu.dma_semaphore, #tpu.memory_space<semaphore_mem>>) src(%dma_wait3A_93 : memref<624x128xf32, #tpu.memory_space<vmem_shared>>) dst(%dma_wait3A_91 : memref<624x128xf32, #tpu.memory_space<hbm>>)
      tpu.yield
    }) : () -> ()
    %eq3A_78 = arith.constant 0 : i32
    %eq3A_79 = arith.cmpi eq, %arg1, %eq3A_78 : i32
    %convert_element_type3A_80 = arith.extui %eq3A_79 : i1 to i32
    %cond3A_81 = arith.constant 0 : i32
    %cond3A_82 = arith.cmpi ne, %convert_element_type3A_80, %cond3A_81 : i32
    scf.if %cond3A_82 {
      "tpu.region"() ({
        %run_scoped3A_83 = tpu.sem_alloc : memref<!tpu.dma_semaphore, #tpu.memory_space<semaphore_mem>>
        %dma_start3A_84 = arith.constant 9984 : i32
        %dma_start3A_85 = arith.constant 0 : i32
        %dma_start3A_86 = tpu.memref_slice %arg6[%arg0, %dma_start3A_84, %dma_start3A_85] : memref<2x10008x128xf32, #tpu.memory_space<hbm>> -> memref<1x24x128xf32, #tpu.memory_space<hbm>>
        %dma_start3A_87 = tpu.memref_squeeze %dma_start3A_86 : memref<1x24x128xf32, #tpu.memory_space<hbm>> -> memref<24x128xf32, #tpu.memory_space<hbm>>
        %dma_start3A_88 = arith.constant 9984 : i32
        %dma_start3A_89 = arith.constant 0 : i32
        %dma_start3A_90 = tpu.memref_slice %arg11[%dma_start3A_88, %dma_start3A_89] : memref<10008x128xf32, #tpu.memory_space<vmem_shared>> -> memref<24x128xf32, #tpu.memory_space<vmem_shared>>
        tpu.enqueue_dma source(%dma_start3A_90 : memref<24x128xf32, #tpu.memory_space<vmem_shared>>) target(%dma_start3A_87 : memref<24x128xf32, #tpu.memory_space<hbm>>) target_semaphore(%run_scoped3A_83 : memref<!tpu.dma_semaphore, #tpu.memory_space<semaphore_mem>>)
        %dma_wait3A_91 = arith.constant 9984 : i32
        %dma_wait3A_92 = arith.constant 0 : i32
        %dma_wait3A_93 = tpu.memref_slice %arg6[%arg0, %dma_wait3A_91, %dma_wait3A_92] : memref<2x10008x128xf32, #tpu.memory_space<hbm>> -> memref<1x24x128xf32, #tpu.memory_space<hbm>>
        %dma_wait3A_94 = tpu.memref_squeeze %dma_wait3A_93 : memref<1x24x128xf32, #tpu.memory_space<hbm>> -> memref<24x128xf32, #tpu.memory_space<hbm>>
        %dma_wait3A_95 = arith.constant 9984 : i32
        %dma_wait3A_96 = arith.constant 0 : i32
        %dma_wait3A_97 = tpu.memref_slice %arg11[%dma_wait3A_95, %dma_wait3A_96] : memref<10008x128xf32, #tpu.memory_space<vmem_shared>> -> memref<24x128xf32, #tpu.memory_space<vmem_shared>>
        tpu.wait_dma2 semaphore(%run_scoped3A_83 : memref<!tpu.dma_semaphore, #tpu.memory_space<semaphore_mem>>) src(%dma_wait3A_97 : memref<24x128xf32, #tpu.memory_space<vmem_shared>>) dst(%dma_wait3A_94 : memref<24x128xf32, #tpu.memory_space<hbm>>)
        tpu.yield
      }) : () -> ()
    } else {
    }
    return
  }
}

module attributes {stable_mosaic.version = 14 : i64} {
  func.func @_dense_body(%arg0: memref<2x10008x128xf32, #tpu.memory_space<vmem>>, %arg1: memref<2x10008x128xf32, #tpu.memory_space<vmem>>, %arg2: memref<10000x128xf32, #tpu.memory_space<vmem>>, %arg3: memref<128x128xf32, #tpu.memory_space<vmem>>, %arg4: memref<1x128xf32, #tpu.memory_space<vmem>>, %arg5: memref<128x128xf32, #tpu.memory_space<vmem>>, %arg6: memref<1x128xf32, #tpu.memory_space<vmem>>, %arg7: memref<1x128xf32, #tpu.memory_space<vmem>>, %arg8: memref<10000x128xf32, #tpu.memory_space<vmem>>) attributes {dimension_semantics = [], scalar_prefetch = 0 : i64, scratch_operands = 0 : i64, tpu.core_type = #tpu.core_type<tc>} {
    %get3A = arith.constant 0 : index
    %get3A_0 = arith.constant 0 : index
    %get3A_1 = arith.constant 0 : index
    %get3A_2 = vector.load %arg0[%get3A, %get3A_0, %get3A_1] : memref<2x10008x128xf32, #tpu.memory_space<vmem>>, vector<1x10000x128xf32>
    %get3A_3 = vector.shape_cast %get3A_2 : vector<1x10000x128xf32> to vector<10000x128xf32>
    %get3A_4 = arith.constant 1 : index
    %get3A_5 = arith.constant 0 : index
    %get3A_6 = arith.constant 0 : index
    %get3A_7 = vector.load %arg0[%get3A_4, %get3A_5, %get3A_6] : memref<2x10008x128xf32, #tpu.memory_space<vmem>>, vector<1x10000x128xf32>
    %get3A_8 = vector.shape_cast %get3A_7 : vector<1x10000x128xf32> to vector<10000x128xf32>
    %add3A = arith.addf %get3A_3, %get3A_8 : vector<10000x128xf32>
    %get3A_9 = arith.constant 0 : index
    %get3A_10 = arith.constant 0 : index
    %get3A_11 = arith.constant 0 : index
    %get3A_12 = vector.load %arg1[%get3A_9, %get3A_10, %get3A_11] : memref<2x10008x128xf32, #tpu.memory_space<vmem>>, vector<1x10000x128xf32>
    %get3A_13 = vector.shape_cast %get3A_12 : vector<1x10000x128xf32> to vector<10000x128xf32>
    %get3A_14 = arith.constant 1 : index
    %get3A_15 = arith.constant 0 : index
    %get3A_16 = arith.constant 0 : index
    %get3A_17 = vector.load %arg1[%get3A_14, %get3A_15, %get3A_16] : memref<2x10008x128xf32, #tpu.memory_space<vmem>>, vector<1x10000x128xf32>
    %get3A_18 = vector.shape_cast %get3A_17 : vector<1x10000x128xf32> to vector<10000x128xf32>
    %add3A_19 = arith.addf %get3A_13, %get3A_18 : vector<10000x128xf32>
    %slice3A = vector.extract_strided_slice %add3A_19 {offsets = [0, 0], sizes = [10000, 1], strides = [1, 1]} : vector<10000x128xf32> to vector<10000x1xf32>
    %max3A = arith.constant 1.000000e+00 : f32
    %max3A_20 = vector.broadcast %max3A : f32 to vector<10000x1xf32>
    %max3A_21 = arith.maximumf %slice3A, %max3A_20 : vector<10000x1xf32>
    %div3A = vector.broadcast %max3A_21 : vector<10000x1xf32> to vector<10000x128xf32>
    %div3A_22 = arith.divf %add3A, %div3A : vector<10000x128xf32>
    %get3A_23 = arith.constant 0 : index
    %get3A_24 = arith.constant 0 : index
    %get3A_25 = vector.load %arg2[%get3A_23, %get3A_24] : memref<10000x128xf32, #tpu.memory_space<vmem>>, vector<10000x128xf32>
    %get3A_26 = arith.constant 0 : index
    %get3A_27 = arith.constant 0 : index
    %get3A_28 = vector.load %arg3[%get3A_26, %get3A_27] : memref<128x128xf32, #tpu.memory_space<vmem>>, vector<128x128xf32>
    %dot_general3A = arith.constant dense<0.000000e+00> : vector<10000x128xf32>
    %dot_general3A_29 = tpu.matmul %div3A_22, %get3A_28, %dot_general3A {dimension_numbers = #tpu.dot_dimension_numbers<[1], [0], [0], [1], [0, 0, 1, 1], [], []>, transpose_lhs_hint = false} : vector<10000x128xf32>, vector<128x128xf32>, vector<10000x128xf32> -> vector<10000x128xf32>
    %get3A_30 = arith.constant 0 : index
    %get3A_31 = arith.constant 0 : index
    %get3A_32 = vector.load %arg4[%get3A_30, %get3A_31] : memref<1x128xf32, #tpu.memory_space<vmem>>, vector<1x128xf32>
    %add3A_33 = vector.broadcast %get3A_32 : vector<1x128xf32> to vector<10000x128xf32>
    %add3A_34 = arith.addf %dot_general3A_29, %add3A_33 : vector<10000x128xf32>
    %get3A_35 = arith.constant 0 : index
    %get3A_36 = arith.constant 0 : index
    %get3A_37 = vector.load %arg5[%get3A_35, %get3A_36] : memref<128x128xf32, #tpu.memory_space<vmem>>, vector<128x128xf32>
    %dot_general3A_38 = arith.constant dense<0.000000e+00> : vector<10000x128xf32>
    %dot_general3A_39 = tpu.matmul %get3A_25, %get3A_37, %dot_general3A_38 {dimension_numbers = #tpu.dot_dimension_numbers<[1], [0], [0], [1], [0, 0, 1, 1], [], []>, transpose_lhs_hint = false} : vector<10000x128xf32>, vector<128x128xf32>, vector<10000x128xf32> -> vector<10000x128xf32>
    %add3A_40 = arith.addf %add3A_34, %dot_general3A_39 : vector<10000x128xf32>
    %reduce_sum3A = arith.constant dense<0.000000e+00> : vector<128xf32>
    %reduce_sum3A_41 = vector.multi_reduction <add>, %add3A_40, %reduce_sum3A [0] : vector<10000x128xf32> to vector<128xf32>
    %broadcast_in_dim3A = vector.shape_cast %reduce_sum3A_41 : vector<128xf32> to vector<1x128xf32>
    %div3A_42 = arith.constant 1.000000e+04 : f32
    %div3A_43 = vector.broadcast %div3A_42 : f32 to vector<1x128xf32>
    %div3A_44 = arith.divf %broadcast_in_dim3A, %div3A_43 : vector<1x128xf32>
    %sub3A = vector.broadcast %div3A_44 : vector<1x128xf32> to vector<10000x128xf32>
    %sub3A_45 = arith.subf %add3A_40, %sub3A : vector<10000x128xf32>
    %sub3A_46 = vector.broadcast %div3A_44 : vector<1x128xf32> to vector<10000x128xf32>
    %sub3A_47 = arith.subf %add3A_40, %sub3A_46 : vector<10000x128xf32>
    %mul3A = arith.mulf %sub3A_45, %sub3A_47 : vector<10000x128xf32>
    %reduce_sum3A_48 = arith.constant dense<0.000000e+00> : vector<128xf32>
    %reduce_sum3A_49 = vector.multi_reduction <add>, %mul3A, %reduce_sum3A_48 [0] : vector<10000x128xf32> to vector<128xf32>
    %broadcast_in_dim3A_50 = vector.shape_cast %reduce_sum3A_49 : vector<128xf32> to vector<1x128xf32>
    %div3A_51 = arith.constant 1.000000e+04 : f32
    %div3A_52 = vector.broadcast %div3A_51 : f32 to vector<1x128xf32>
    %div3A_53 = arith.divf %broadcast_in_dim3A_50, %div3A_52 : vector<1x128xf32>
    %sub3A_54 = vector.broadcast %div3A_44 : vector<1x128xf32> to vector<10000x128xf32>
    %sub3A_55 = arith.subf %add3A_40, %sub3A_54 : vector<10000x128xf32>
    %add3A_56 = arith.constant 9.99999974E-6 : f32
    %add3A_57 = vector.broadcast %add3A_56 : f32 to vector<1x128xf32>
    %add3A_58 = arith.addf %div3A_53, %add3A_57 : vector<1x128xf32>
    %rsqrt3A = math.rsqrt %add3A_58 : vector<1x128xf32>
    %mul3A_59 = vector.broadcast %rsqrt3A : vector<1x128xf32> to vector<10000x128xf32>
    %mul3A_60 = arith.mulf %sub3A_55, %mul3A_59 : vector<10000x128xf32>
    %get3A_61 = arith.constant 0 : index
    %get3A_62 = arith.constant 0 : index
    %get3A_63 = vector.load %arg6[%get3A_61, %get3A_62] : memref<1x128xf32, #tpu.memory_space<vmem>>, vector<1x128xf32>
    %mul3A_64 = vector.broadcast %get3A_63 : vector<1x128xf32> to vector<10000x128xf32>
    %mul3A_65 = arith.mulf %mul3A_60, %mul3A_64 : vector<10000x128xf32>
    %get3A_66 = arith.constant 0 : index
    %get3A_67 = arith.constant 0 : index
    %get3A_68 = vector.load %arg7[%get3A_66, %get3A_67] : memref<1x128xf32, #tpu.memory_space<vmem>>, vector<1x128xf32>
    %add3A_69 = vector.broadcast %get3A_68 : vector<1x128xf32> to vector<10000x128xf32>
    %add3A_70 = arith.addf %mul3A_65, %add3A_69 : vector<10000x128xf32>
    %max3A_71 = arith.constant 0.000000e+00 : f32
    %max3A_72 = vector.broadcast %max3A_71 : f32 to vector<10000x128xf32>
    %max3A_73 = arith.maximumf %add3A_70, %max3A_72 : vector<10000x128xf32>
    %swap3A = arith.constant 0 : index
    %swap3A_74 = arith.constant 0 : index
    %swap3A_75 = vector.load %arg8[%swap3A, %swap3A_74] : memref<10000x128xf32, #tpu.memory_space<vmem>>, vector<10000x128xf32>
    tpu.vector_store %arg8[%swap3A, %swap3A_74], %max3A_73 {strides = array<i32>} : memref<10000x128xf32, #tpu.memory_space<vmem>>, vector<10000x128xf32>,
    return
  }
}

module attributes {stable_mosaic.version = 14 : i64} {
  func.func @_final_body(%arg0: memref<10000x128xf32, #tpu.memory_space<vmem>>, %arg1: memref<10000x1xi32, #tpu.memory_space<vmem>>, %arg2: memref<128x128xf32, #tpu.memory_space<vmem>>, %arg3: memref<1x128xf32, #tpu.memory_space<vmem>>, %arg4: memref<1x128xf32, #tpu.memory_space<vmem>>, %arg5: memref<64x128xf32, #tpu.memory_space<vmem>>, %arg6: memref<64x128xf32, #tpu.memory_space<vmem>>) attributes {dimension_semantics = [], scalar_prefetch = 0 : i64, scratch_operands = 0 : i64, tpu.core_type = #tpu.core_type<tc>} {
    %get3A = arith.constant 0 : index
    %get3A_0 = arith.constant 0 : index
    %get3A_1 = vector.load %arg0[%get3A, %get3A_0] : memref<10000x128xf32, #tpu.memory_space<vmem>>, vector<10000x128xf32>
    %iota3A = tpu.iota {dimensions = array<i32: 1>} : vector<10000x64xi32>
    %get3A_2 = arith.constant 0 : index
    %get3A_3 = arith.constant 0 : index
    %get3A_4 = vector.load %arg1[%get3A_2, %get3A_3] : memref<10000x1xi32, #tpu.memory_space<vmem>>, vector<10000x1xi32>
    %eq3A = vector.broadcast %get3A_4 : vector<10000x1xi32> to vector<10000x64xi32>
    %eq3A_5 = arith.cmpi eq, %eq3A, %iota3A : vector<10000x64xi32>
    %convert_element_type3A = arith.extui %eq3A_5 : vector<10000x64xi1> to vector<10000x64xi32>
    %convert_element_type3A_6 = arith.sitofp %convert_element_type3A : vector<10000x64xi32> to vector<10000x64xf32>
    %dot_general3A = arith.constant dense<0.000000e+00> : vector<64x128xf32>
    %dot_general3A_7 = tpu.matmul %convert_element_type3A_6, %get3A_1, %dot_general3A {dimension_numbers = #tpu.dot_dimension_numbers<[0], [0], [1], [1], [0, 1, 1, 1], [], []>, transpose_lhs_hint = false} : vector<10000x64xf32>, vector<10000x128xf32>, vector<64x128xf32> -> vector<64x128xf32>
    %reduce_sum3A = arith.constant dense<0.000000e+00> : vector<64xf32>
    %reduce_sum3A_8 = vector.multi_reduction <add>, %convert_element_type3A_6, %reduce_sum3A [0] : vector<10000x64xf32> to vector<64xf32>
    %broadcast_in_dim3A = vector.shape_cast %reduce_sum3A_8 : vector<64xf32> to vector<64x1xf32>
    %max3A = arith.constant 1.000000e+00 : f32
    %max3A_9 = vector.broadcast %max3A : f32 to vector<64x1xf32>
    %max3A_10 = arith.maximumf %broadcast_in_dim3A, %max3A_9 : vector<64x1xf32>
    %div3A = vector.broadcast %max3A_10 : vector<64x1xf32> to vector<64x128xf32>
    %div3A_11 = arith.divf %dot_general3A_7, %div3A : vector<64x128xf32>
    %get3A_12 = arith.constant 0 : index
    %get3A_13 = arith.constant 0 : index
    %get3A_14 = vector.load %arg2[%get3A_12, %get3A_13] : memref<128x128xf32, #tpu.memory_space<vmem>>, vector<128x128xf32>
    %dot_general3A_15 = arith.constant dense<0.000000e+00> : vector<64x128xf32>
    %dot_general3A_16 = tpu.matmul %div3A_11, %get3A_14, %dot_general3A_15 {dimension_numbers = #tpu.dot_dimension_numbers<[1], [0], [0], [1], [0, 0, 1, 1], [], []>, transpose_lhs_hint = false} : vector<64x128xf32>, vector<128x128xf32>, vector<64x128xf32> -> vector<64x128xf32>
    %get3A_17 = arith.constant 0 : index
    %get3A_18 = arith.constant 0 : index
    %get3A_19 = vector.load %arg3[%get3A_17, %get3A_18] : memref<1x128xf32, #tpu.memory_space<vmem>>, vector<1x128xf32>
    %add3A = vector.broadcast %get3A_19 : vector<1x128xf32> to vector<64x128xf32>
    %add3A_20 = arith.addf %dot_general3A_16, %add3A : vector<64x128xf32>
    %logistic3A = arith.negf %add3A_20 : vector<64x128xf32>
    %logistic3A_21 = math.exp %logistic3A : vector<64x128xf32>
    %logistic3A_22 = arith.constant 1.000000e+00 : f32
    %logistic3A_23 = vector.broadcast %logistic3A_22 : f32 to vector<64x128xf32>
    %logistic3A_24 = arith.addf %logistic3A_23, %logistic3A_21 : vector<64x128xf32>
    %logistic3A_25 = arith.divf %logistic3A_23, %logistic3A_24 : vector<64x128xf32>
    %swap3A = arith.constant 0 : index
    %swap3A_26 = arith.constant 0 : index
    %swap3A_27 = vector.load %arg5[%swap3A, %swap3A_26] : memref<64x128xf32, #tpu.memory_space<vmem>>, vector<64x128xf32>
    tpu.vector_store %arg5[%swap3A, %swap3A_26], %logistic3A_25 {strides = array<i32>} : memref<64x128xf32, #tpu.memory_space<vmem>>, vector<64x128xf32>,
    %get3A_28 = arith.constant 0 : index
    %get3A_29 = arith.constant 0 : index
    %get3A_30 = vector.load %arg4[%get3A_28, %get3A_29] : memref<1x128xf32, #tpu.memory_space<vmem>>, vector<1x128xf32>
    %mul3A = vector.broadcast %get3A_30 : vector<1x128xf32> to vector<64x128xf32>
    %mul3A_31 = arith.mulf %logistic3A_25, %mul3A : vector<64x128xf32>
    %reduce_sum3A_32 = arith.constant dense<0.000000e+00> : vector<64xf32>
    %reduce_sum3A_33 = vector.multi_reduction <add>, %mul3A_31, %reduce_sum3A_32 [1] : vector<64x128xf32> to vector<64xf32>
    %broadcast_in_dim3A_34 = vector.shape_cast %reduce_sum3A_33 : vector<64xf32> to vector<64x1xf32>
    %broadcast_in_dim3A_35 = vector.shape_cast %broadcast_in_dim3A_34 : vector<64x1xf32> to vector<64x1xf32>
    %broadcast_in_dim3A_36 = vector.broadcast %broadcast_in_dim3A_35 : vector<64x1xf32> to vector<64x128xf32>
    %swap3A_37 = arith.constant 0 : index
    %swap3A_38 = arith.constant 0 : index
    %swap3A_39 = vector.load %arg6[%swap3A_37, %swap3A_38] : memref<64x128xf32, #tpu.memory_space<vmem>>, vector<64x128xf32>
    tpu.vector_store %arg6[%swap3A_37, %swap3A_38], %broadcast_in_dim3A_36 {strides = array<i32>} : memref<64x128xf32, #tpu.memory_space<vmem>>, vector<64x128xf32>,
    return
  }
}

</mosaic_0001>

<sc_bundles>
// kernel: kernel.10.cloned.1.call-start
scs
__scs_entry_jumppad:
0x0: {  	(pc) =	sbr.rel $0x88, $3  }
0x1: {  	(tag) =	ssettag $0x0;
	lr =	simm.s32 $0x1  }
0x2: {  	[smem:$0x3F8D] =	sst lr;
	_ =	strace $0xD0000000  }
0x3: {  	_ = 	snop  }
0x4: {  	_ = 	snop  }
0x5: {  	_ = 	snop  }
0x6: {  	_ = 	snop  }
0x7: {  	_ = 	snop  }
__scs_overlays_trampoline_lowered:
0x8: {  	[smem:$0x3F9C] =	sst s0  }
0x9: {  	[smem:$0x3F9D] =	sst s1  }
0xa: {  	[smem:$0x3F9E] =	sst s2  }
0xb: {  	[smem:$0x3F9F] =	sst s3  }
0xc: {  	[smem:$0x3FA0] =	sst s4  }
0xd: {  	[smem:$0x3FA1] =	sst s5  }
0xe: {  	[smem:$0x3FA2] =	sst s6  }
0xf: {  	[smem:$0x3FA3] =	sst s7  }
0x10: {  	[smem:$0x3FA4] =	sst s8  }
0x11: {  	[smem:$0x3FA5] =	sst s9;
	s0 =	simm.s32 @!p0 $0x0  }
0x12: {  	s1 =	sld [smem:$0x3F8B];
	s0 =	simm.s32 @p0 $0x1  }
0x13: {  	[smem:$0x3FA6] =	sst s0;
	s0 =	simm.s32 @!p1 $0x0  }
0x14: {  	s2 =	sld [smem:$0x3F8A];
	s0 =	simm.s32 @p1 $0x1  }
0x15: {  	[smem:$0x3FA7] =	sst s0;
	s0 =	simm.s32 @!p2 $0x0  }
0x16: {  	s3 =	sld [smem:$0x3FDB];
	s0 =	simm.s32 @p2 $0x1  }
0x17: {  	s4 =	simm.s32 $0x1BF5;
	[smem:$0x3FA9] =	sst s0  }
0x18: {  	s0 =	sld [smem:$0x3F8C];
	_ =	swait.ge [sflag:s4], $0x0  }
0x19: {  	s7 =	sld [smem:$0x3F8D]  }
0x1a: {  	s8 =	sadd.s32 $0xFFFFE003, lr  }
0x1b: {  	s9 =	sadd.s32 $0xFFFFFEF7, lr;
	s5 =	simm.s32 $0xFFFFFFFF;
	p2 =	slt.u32 s8, $0xFFFFF086  }
0x1c: {  	p1 =	slt.u32 s9, $0xF7A;
	s5 =	simm.s32 @!p2 $0x0  }
0x1d: {  	s5 =	simm.s32 @p1 $0x1;
	p0 =	seq.s32 s7, s2  }
0x1e: {  	s7 =	smul.u32 @!p0 $0xF7A, s2;
	p2 =	seq.s32 @!p0 s5, $0x0  }
0x1f: {  	s9 =	smul.u32 $0xF7A, s1;
	s8 =	simm.s32 @!p0 $0x1BF5;
	p2 =	por !p2, p0  }
0x20: {  	[sflag:s8] =	ssyncset.s32 @!p0 $0xFFFFF086;
	s6 =	sadd.s32 @!p0 s3, s7;
	s7 =	simm.s32 @!p0 $0x108  }
0x21: {  	s3 =	sadd.s32 s3, s9;
	s6 =	sadd.s32 @!p0 $0x88, s6;
	s7 =	simm.s32 @p2 $0x1082  }
0x22: {  	[simem:s7], [sflag:s8] =	dma.local @!p0 [hbm:s6], $0xF7A  }
0x23: {  	s9 =	sor.u32 $0xD0000000, s2;
	s6 =	simm.s32 $0x108;
	_ =	swait.ge @!p0 [sflag:s8], $0x0  }
0x24: {  	s3 =	sadd.s32 $0x88, s3;
	s6 =	simm.s32 @!p1 $0x1082;
	[sflag:s4] =	ssyncset.s32 $0xFFFFF086  }
0x25: {  	[simem:s6], [sflag:s4] =	dma.local [hbm:s3], $0xF7A  }
0x26: {  	[smem:$0x3F8D] =	sst s1;
	(tag) =	ssettag s2;
	_ =	strace s9  }
0x27: {  	s1 =	sld [smem:$0x3F9D]  }
0x28: {  	s2 =	sld [smem:$0x3F9E]  }
0x29: {  	s4 =	sld [smem:$0x3FA0]  }
0x2a: {  	p0 =	seq.s32 s5, $0x0;
	s5 =	sld [smem:$0x3FA1]  }
0x2b: {  	s6 =	sld [smem:$0x3FA2]  }
0x2c: {  	s7 =	sld [smem:$0x3FA3]  }
0x2d: {  	s3 =	simm.s32 $0x108;
	s8 =	sld [smem:$0x3FA4]  }
0x2e: {  	s3 =	simm.s32 @!p0 $0x1082;
	s9 =	sld [smem:$0x3FA5]  }
0x2f: {  	lr =	sadd.s32 s0, s3;
	s0 =	sld [smem:$0x3F9C]  }
0x30: {  	s3 =	sld [smem:$0x3F9F]  }
0x31: {  	[smem:$0x3FA8] =	sst s10  }
0x32: {  	s10 =	sld [smem:$0x3FA6];
	_ =	sdelay $0x3  }
0x33: {  	p0 =	seq.s32 s10, $0x1;
	s10 =	sld [smem:$0x3FA8];
	_ =	sdelay $0x3  }
0x34: {  	[smem:$0x3FA8] =	sst s10  }
0x35: {  	s10 =	sld [smem:$0x3FA7];
	_ =	sdelay $0x3  }
0x36: {  	p1 =	seq.s32 s10, $0x1;
	s10 =	sld [smem:$0x3FA8];
	_ =	sdelay $0x3  }
0x37: {  	[smem:$0x3FA8] =	sst s10  }
0x38: {  	s10 =	sld [smem:$0x3FA9]  }
0x39: {  	_ = 	snop;
	(pc) =	sbr.ind lr, $3  }
0x3a: {  	_ = 	snop  }
0x3b: {  	_ = 	snop  }
0x3c: {  	p2 =	seq.s32 s10, $0x1;
	s10 =	sld [smem:$0x3FA8]  }
0x3d: {  	_ =	shalt  }
0x3e: {  	_ =	shalt  }
0x3f: {  	_ =	shalt  }
0x40: {  	_ =	shalt  }
0x41: {  	_ =	shalt  }
0x42: {  	_ =	shalt  }
0x43: {  	_ =	shalt  }
0x44: {  	_ =	shalt  }
0x45: {  	_ =	shalt  }
0x46: {  	_ =	shalt  }
0x47: {  	_ =	shalt  }
0x48: {  	_ =	shalt  }
0x49: {  	_ =	shalt  }
0x4a: {  	_ =	shalt  }
0x4b: {  	_ =	shalt  }
0x4c: {  	_ =	shalt  }
0x4d: {  	_ =	shalt  }
0x4e: {  	_ =	shalt  }
0x4f: {  	_ =	shalt  }
0x50: {  	_ =	shalt  }
0x51: {  	_ =	shalt  }
0x52: {  	_ =	shalt  }
0x53: {  	_ =	shalt  }
0x54: {  	_ =	shalt  }
0x55: {  	_ =	shalt  }
0x56: {  	_ =	shalt  }
0x57: {  	_ =	shalt  }
0x58: {  	_ =	shalt  }
0x59: {  	_ =	shalt  }
0x5a: {  	_ =	shalt  }
0x5b: {  	_ =	shalt  }
0x5c: {  	_ =	shalt  }
0x5d: {  	_ =	shalt  }
0x5e: {  	_ =	shalt  }
0x5f: {  	_ =	shalt  }
0x60: {  	_ =	shalt  }
0x61: {  	_ =	shalt  }
0x62: {  	_ =	shalt  }
0x63: {  	_ =	shalt  }
0x64: {  	_ =	shalt  }
0x65: {  	_ =	shalt  }
0x66: {  	_ =	shalt  }
0x67: {  	_ =	shalt  }
0x68: {  	_ =	shalt  }
0x69: {  	_ =	shalt  }
0x6a: {  	_ =	shalt  }
0x6b: {  	_ =	shalt  }
0x6c: {  	_ =	shalt  }
0x6d: {  	_ =	shalt  }
0x6e: {  	_ =	shalt  }
0x6f: {  	_ =	shalt  }
0x70: {  	_ =	shalt  }
0x71: {  	_ =	shalt  }
0x72: {  	_ =	shalt  }
0x73: {  	_ =	shalt  }
0x74: {  	_ =	shalt  }
0x75: {  	_ =	shalt  }
0x76: {  	_ =	shalt  }
0x77: {  	_ =	shalt  }
0x78: {  	_ =	shalt  }
0x79: {  	_ =	shalt  }
0x7a: {  	_ =	shalt  }
0x7b: {  	_ =	shalt  }
0x7c: {  	_ =	shalt  }
0x7d: {  	_ =	shalt  }
0x7e: {  	_ =	shalt  }
0x7f: {  	_ =	shalt  }
0x80: {  	_ =	shalt  }
0x81: {  	_ =	shalt  }
0x82: {  	_ =	shalt  }
0x83: {  	_ =	shalt  }
0x84: {  	_ =	shalt  }
0x85: {  	_ =	shalt  }
0x86: {  	_ =	shalt  }
0x87: {  	_ =	shalt  }
.Lfunc_end0:
.L_simem_size_0:
called_computation_lowered:
.L_overlay_start_0:
0x88: {  	s2 =	sld [smem:$0x3FD9]  }
0x89: {  	s3 =	sld [smem:$0x3FFE];
	_ =	sdelay $0x1  }
0x8a: {  	s1 =	srdreg.scid  }
0x8b: {  	s0 =	sand.u32 $0x1, s1  }
0x8c: {  	s17 =	sshll.u32 s0, $0xA;
	s2 =	sadd.s32 s3, s2  }
0x8d: {  	s2 =	sadd.s32 s2, s17  }
0x8e: {  	[smem:$0x3FB4] =	sst s2  }
0x8f: {  	_ = 	snop  }
0x90: {  	(tm) =	ssettm $0x1  }
0x91: {  	s18 =	sld [smem:$0x3FFB];
	_ =	sdelay $0x3  }
0x92: {  	_ =	strace s18  }
0x93: {  	s2 =	sld [smem:$0x3FFC];
	_ =	sdelay $0x3  }
0x94: {  	_ =	strace s2  }
0x95: {  	s2 =	sld [smem:$0x3FFD];
	_ =	sdelay $0x3  }
0x96: {  	_ =	strace s2  }
0x97: {  	_ =	strace $0x8FFFFFFF  }
0x98: {  	s19 =	sld [smem:$0x3FDB];
	_ =	sdelay $0x1  }
0x99: {  	s20 =	simm.s32 $_scs_section_size  }
0x9a: {  	s4 =	simm.s32 $_size__tile_overlayer_lowered;
	s5 =	simm.s32 $_tile_overlayer_lowered  }
0x9b: {  	s6 =	simm.s32 $0x1BFF;
	s21 =	sshll.u32 s5, $0x1;
	s3 =	sadd.s32 s20, s19  }
0x9c: {  	s22 =	simm.s32 $0x0;
	s4 =	sshll.u32 s4, $0x1;
	s5 =	sadd.s32 s21, s3  }
0x9d: {  	[timem:s22], [sflag:s6] =	dma.local [hbm:s5], s4  }
0x9e: {  	_ =	swait.ge [sflag:s6], s4  }
0x9f: {  	s4 =	ssub.s32 $0x0, s4;
	[sflag:s6] =	ssyncset.done $0x0  }
0xa0: {  	[sflag:s6] =	ssyncadd.s32 s4;
	_ =	sdelay $0x1  }
0xa1: {  	s23 =	simm.s32 $0x1B8B  }
0xa2: {  	_ =	swait.ge [sflag:s23], $0x1  }
0xa3: {  	[sflag:s23] =	ssyncset.done $0x0  }
0xa4: {  	[sflag:s23] =	ssyncadd.s32 $0xFFFFFFFF  }
0xa5: {  	s4 =	sld [smem:$0x0]  }
0xa6: {  	s5 =	sand.u32 $0xFFFFFFFE, s1  }
0xa7: {  	p0 =	sne.s32 s1, s5  }
0xa8: {  	s5 =	sshll.u32 @p0 s5, $0xE  }
0xa9: {  	s5 =	sadd.s32 @p0 $0x11B8D, s5;
	s6 =	sshll.u32 @p0 s4, $0x11  }
0xaa: {  	s5 =	sor.u32 @p0 s6, s5  }
0xab: {  	[sflag:s5] =	ssyncadd.remote.s32 @p0 $0x1;
	_ =	sdelay $0x1  }
0xac: {  	s5 =	simm.s32 @p0 $0x1B8D  }
0xad: {  	_ =	swait.eq @p0 [sflag:s5], $0x1  }
0xae: {  	[sflag:s5] =	ssyncadd.s32 @p0 $0xFFFFFFFF  }
0xaf: {  	s6 =	sshll.u32 @!p0 s1, $0xE  }
0xb0: {  	s6 =	sor.u32 @!p0 $0x4000, s6;
	s5 =	simm.s32 @!p0 $0x1B8D  }
0xb1: {  	s4 =	sshll.u32 @!p0 s4, $0x11;
	s6 =	sadd.s32 @!p0 $0x11B8D, s6;
	_ =	swait.eq @!p0 [sflag:s5], $0x1  }
0xb2: {  	s4 =	sor.u32 @!p0 s4, s6;
	[sflag:s5] =	ssyncadd.s32 @!p0 $0xFFFFFFFF  }
0xb3: {  	s25 =	simm.s32 $0x1B8E;
	s24 =	sld [smem:$0x3FFE];
	[sflag:s4] =	ssyncadd.remote.s32 @!p0 $0x1  }
0xb4: {  	s26 =	simm.s32 $execute0_lowered;
	[smem:$0x3FD2] =	sst s25  }
0xb5: {  	s5 =	sshll.u32 s26, $0x1;
	_ =	strace $0x80000049;
	[dreg:$0x1] =	wrdreg $0xFFFFFFFF  }
0xb6: {  	s28 =	simm.s32 $_size_execute0_lowered;
	s3 =	sadd.s32 s3, s5;
	[dreg:$0x0] =	wrdreg $0x0  }
0xb7: {  	s5 =	sshll.u32 s28, $0x1;
	[dreg:$0x2] =	wrdreg s3  }
0xb8: {  	[dreg:$0x3] =	wrdreg s5  }
0xb9: {  	[dreg:$0x4] =	wrdreg $0xC0  }
0xba: {  	_ =	task [dreg:s22], $0x5FFFF  }
0xbb: {  	[dreg:$0x1] =	wrdreg $0xFFFFFFFF  }
0xbc: {  	[dreg:$0x0] =	wrdreg $0x60  }
0xbd: {  	[dreg:$0x2] =	wrdreg s24  }
0xbe: {  	[dreg:$0x3] =	wrdreg $0x68000  }
0xbf: {  	[dreg:$0x4] =	wrdreg $0x9  }
0xc0: {  	_ =	task.clear_ibuf [dreg:s22], $0x5FFFF;
	_ =	strace $0x90000049  }
0xc1: {  	s29 =	simm.s32 $0x9;
	_ =	strace $0x8000004B  }
0xc2: {  	_ =	swait.ge [sflag:s29], $0x1  }
0xc3: {  	[sflag:s29] =	ssyncadd.s32 $0xFFFFFFFF  }
0xc4: {  	_ =	strace $0x9000004B  }
0xc5: {  	_ =	sfence  }
0xc6: {  	s30 =	sld [smem:$0x0];
	_ =	sdelay $0x2  }
0xc7: {  	s31 =	sshll.u32 s1, $0xD;
	s1 =	sshrl.u32 s1, $0x2  }
0xc8: {  	s4 =	sand.u32 $0x4000, s31;
	s1 =	sadd.s32 s1, s30  }
0xc9: {  	s0 =	sor.u32 s4, s0;
	s1 =	sshll.u32 s1, $0x11  }
0xca: {  	s0 =	sor.u32 s1, s0  }
0xcb: {  	s0 =	sadd.s32 $0x8F2B, s0  }
0xcc: {  	[sflag:s0] =	ssyncadd.remote.s32 $0x1  }
0xcd: {  	_ =	sfence.sel $0xFFFF  }
0xce: {  	[dreg:$0x0] =	wrdreg $0xFFFFFFFF;
	(pc) =	sbr.abs _section_cstart, $3  }
0xcf: {  	[dreg:$0x1] =	wrdreg $0xFFFFFFFF  }
0xd0: {  	_ =	task.clear_ibuf [dreg:s22], $0x2FFFF;
	_ =	strace $0x9FFFFFFF  }
0xd1: {  	(tm) =	ssettm $0x7FFFFFFF  }
tec
execute0_lowered:
.L_overlay_start_1:
0x0: {  	(tag) =	ssettag $0x1  }
0x1: {  	s0 =	srdreg.scid  }
0x2: {  	s11 =	stileid.u32;
	s6 =	rddreg [dreg:$0x0]  }
0x3: {  	s1 =	rddreg [dreg:$0x1];
	s2 =	simm.s32 $0x0;
	s16 =	simm.s32 $0x0  }
0x4: {  	s4 =	sand.u32 $0x1, s0;
	s24 =	sshll.u32 s11, $0x1;
	s7 =	smul.u32 $0x13800, s11  }
0x5: {  	[smem:$0x7FF] =	sst s2;
	s10 =	smul.u32 $0x4E000, s11;
	s12 =	sadd.s32 $0x8D800, s6  }
0x6: {  	s29 =	sshll.u32 s11, $0x6;
	s15 =	sadd.s32 $0x138000, s1;
	p0 =	sne.s32 s11, $0x0  }
0x7: {  	s0 =	sor.u32 s4, s24;
	s9 =	ssub.s32 $0x2, s4;
	s28 =	smul.u32 $0x138C00, s4  }
0x8: {  	s3 =	smul.u32 $0x500, s0;
	s0 =	rddreg [dreg:$0x2];
	_ =	strace $0x8000004A  }
0x9: {  	s25 =	sshrl.u32 s7, $0x3;
	s13 =	sshrl.u32 s9, $0x1;
	s26 =	sshrl.u32 s10, $0x2  }
0xa: {  	s5 =	sadd.s32 s25, s6;
	s13 =	ssub.s32 s9, s13;
	s14 =	sadd.s32 s26, s1  }
0xb: {  	s7 =	sadd.s32 s7, s28;
	s10 =	sshrl.u32 s28, $0x3;
	s8 =	sadd.s32 s3, s6  }
0xc: {  	s3 =	sadd.s32 $0x8D000, s6;
	s4 =	sadd.s32 $0x17A00, s5;
	s5 =	sor.u32 $0x1C01, s29  }
0xd: {  	s6 =	sadd.s32 $0x3EA00, s6;
	s30 =	sshrl.u32 s7, $0x3;
	s31 =	sadd.s32 s12, s10  }
0xe: {  	s10 =	smax.u32 s13, $0x1;
	s11 =	sshrl.u32 s14, $0x3;
	s13 =	sshrl.u32 @!p0 s15, $0x3  }
0xf: {  	s14 =	simm.s32 $0x2800;
	s15 =	simm.s32 $0x80;
	s7 =	sadd.s32 $0x3A00, s8  }
0x10: {  	s8 =	sadd.s32 s12, s30;
	s9 =	sadd.s32 $0x27000, s31;
	s12 =	simm.s32 $0x1  }
.LBB2_1:
0x11: {  	[spmem:s11], [sflag:s5] =	dma.local [hbm:s4], $0x2700  }
0x12: {  	_ =	swait.ge [sflag:s12], $0x2700  }
0x13: {  	[sflag:s12] =	ssyncset.done $0x0  }
0x14: {  	s17 =	simm.s32 @!p0 $0x1;
	[sflag:s12] =	ssyncadd.s32 $0xFFFFD900  }
0x15: {  	[spmem:s13], [sflag:s5] =	dma.local @!p0 [hbm:s6], $0x180  }
0x16: {  	_ =	swait.ge @!p0 [sflag:s17], $0x180  }
0x17: {  	[sflag:s17] =	ssyncset.done @!p0 $0x0  }
0x18: {  	[sflag:s17] =	ssyncadd.s32 @!p0 $0xFFFFFE80  }
0x19: {  	[tilespmem:s2], [sflag:$0x1] =	stream.linear.gather [hbm4b:s7+s2], $0x2800, $0x38;
	[tilespmem:$0x1A0C0] =	vst v63  }
0x1a: {  	_ =	swait.ge [sflag:s12], $0x2800  }
0x1b: {  	[sflag:s12] =	ssyncset.done $0x0  }
0x1c: {  	[sflag:s12] =	ssyncadd.s32 $0xFFFFD800  }
0x1d: {  	[tilespmem:s14], [sflag:$0x1] =	stream.linear.gather [hbm4b:s3+s2], $0x4000, $0x38;
	[tilespmem:$0x1A0C0] =	vst v63  }
0x1e: {  	_ =	swait.ge [sflag:s12], $0x4000  }
0x1f: {  	[sflag:s12] =	ssyncset.done $0x0  }
0x20: {  	[sflag:s12] =	ssyncadd.s32 $0xFFFFC000  }
0x21: {  	s31 =	simm.s32 $0x0;
	[bflag:$0x0] =	sbarrier.arrive $0xFFFF  }
0x22: {  	[spmem:s1] =	stream.indirect.scatter.add.f32 [tilespmem:s14], [sflag:$0x1], $0x80, s31, s15, $0xb8;
	[tilespmem:$0x1A0C0] =	vst v63  }
0x23: {  	_ =	swait.ge [sflag:s12], $0x4000  }
0x24: {  	s17 =	simm.s32 $0x200;
	[sflag:s12] =	ssyncset.done $0x0  }
.LBB2_2:
0x25: {  	s18 =	sshra.s32 s17, $0x2;
	[sflag:s12] =	ssyncadd.s32 $0xFFFFC000;
	p1 =	sne.s32 s17, $0x9E00  }
0x26: {  	[spmem:s1] =	stream.indirect.scatter.add.f32 [tilespmem:s14], [sflag:$0x1], $0x80, s18, s15, $0xb8;
	[tilespmem:$0x1A0C0] =	vst v63  }
.Ltmp0:
0x27: {  	_ = 	snop;
	(pc) =	sbr.rel @p1 .LBB2_2-.Ltmp0, $4  }
0x28: {  	_ = 	snop  }
0x29: {  	s17 =	sadd.s32 $0x200, s17  }
0x2a: {  	_ =	swait.ge [sflag:s12], $0x4000  }
0x2b: {  	[sflag:s12] =	ssyncset.done $0x0  }
0x2c: {  	[sflag:s12] =	ssyncadd.s32 $0xFFFFC000  }
0x2d: {  	[bflag:$0x0] =	sbarrier.arrive $0xFFFF  }
0x2e: {  	[hbm:s8], [sflag:s5] =	dma.local [spmem:s11], $0x2700  }
0x2f: {  	s16 =	sadd.s32 $0x1, s16;
	_ =	swait.ge [sflag:s12], $0x2700  }
0x30: {  	p1 =	sne.s32 s16, s10;
	[sflag:s12] =	ssyncset.done $0x0  }
.Ltmp1:
0x31: {  	s17 =	simm.s32 @!p0 $0x1;
	[sflag:s12] =	ssyncadd.s32 $0xFFFFD900;
	(pc) =	sbr.rel @p1 .LBB2_1-.Ltmp1, $4  }
0x32: {  	[hbm:s9], [sflag:s5] =	dma.local @!p0 [spmem:s13], $0x180  }
0x33: {  	_ =	swait.ge @!p0 [sflag:s17], $0x180  }
0x34: {  	[sflag:s17] =	ssyncset.done @!p0 $0x0  }
0x35: {  	[sflag:s17] =	ssyncadd.s32 @!p0 $0xFFFFFE80  }
0x36: {  	_ =	sfence.sel $0x180000  }
0x37: {  	[bflag:$0x0] =	sbarrier.arrive $0xFFFF  }
0x38: {  	_ =	strace $0x9000004A  }
0x39: {  	s0 =	sadd.s32 @!p0 $0x100000, s0;
	[bflag:$0x2] =	sbarrier.arrive $0xFFFF  }
0x3a: {  	[sflag:s0] =	ssyncadd.tile.s32 @!p0 $0x1;
	_ =	shalt  }
.Lfunc_end2:
_tile_overlayer_lowered:
.L_overlay_start_2:
0x3b: {  	(tag) =	ssettag $0x2  }
0x3c: {  	s0 =	rddreg [dreg:$0x0];
	s2 =	stileid.u32  }
0x3d: {  	s1 =	rddreg [dreg:$0x1];
	p0 =	sne.s32 s2, $0x0  }
0x3e: {  	s3 =	rddreg [dreg:$0x2];
	[bflag:$0x3] =	sbarrier.arrive $0xFFFF;
	s2 =	simm.s32 @!p0 $0x1C01  }
0x3f: {  	[timem:s3], [sflag:s2] =	dma.local @!p0 [hbm:s0], s1  }
0x40: {  	s0 =	simm.s32 @!p0 $0x1  }
0x41: {  	_ =	swait.ge @!p0 [sflag:s0], s1  }
0x42: {  	s1 =	ssub.s32 @!p0 $0x0, s1;
	[sflag:s0] =	ssyncset.done @!p0 $0x0  }
0x43: {  	[sflag:s0] =	ssyncadd.s32 @!p0 s1  }
0x44: {  	[bflag:$0x3] =	sbarrier.arrive $0xFFFF  }
0x45: {  	_ =	shalt  }

// kernel: kernel.13.cloned.1.call-start
scs
__scs_entry_jumppad:
0x0: {  	(pc) =	sbr.rel $0x88, $3  }
0x1: {  	(tag) =	ssettag $0x0;
	lr =	simm.s32 $0x1  }
0x2: {  	[smem:$0x3F8D] =	sst lr;
	_ =	strace $0xD0000000  }
0x3: {  	_ = 	snop  }
0x4: {  	_ = 	snop  }
0x5: {  	_ = 	snop  }
0x6: {  	_ = 	snop  }
0x7: {  	_ = 	snop  }
__scs_overlays_trampoline_lowered:
0x8: {  	[smem:$0x3F9C] =	sst s0  }
0x9: {  	[smem:$0x3F9D] =	sst s1  }
0xa: {  	[smem:$0x3F9E] =	sst s2  }
0xb: {  	[smem:$0x3F9F] =	sst s3  }
0xc: {  	[smem:$0x3FA0] =	sst s4  }
0xd: {  	[smem:$0x3FA1] =	sst s5  }
0xe: {  	[smem:$0x3FA2] =	sst s6  }
0xf: {  	[smem:$0x3FA3] =	sst s7  }
0x10: {  	[smem:$0x3FA4] =	sst s8  }
0x11: {  	[smem:$0x3FA5] =	sst s9;
	s0 =	simm.s32 @!p0 $0x0  }
0x12: {  	s1 =	sld [smem:$0x3F8B];
	s0 =	simm.s32 @p0 $0x1  }
0x13: {  	[smem:$0x3FA6] =	sst s0;
	s0 =	simm.s32 @!p1 $0x0  }
0x14: {  	s2 =	sld [smem:$0x3F8A];
	s0 =	simm.s32 @p1 $0x1  }
0x15: {  	[smem:$0x3FA7] =	sst s0;
	s0 =	simm.s32 @!p2 $0x0  }
0x16: {  	s3 =	sld [smem:$0x3FDB];
	s0 =	simm.s32 @p2 $0x1  }
0x17: {  	s4 =	simm.s32 $0x1BF5;
	[smem:$0x3FA9] =	sst s0  }
0x18: {  	s0 =	sld [smem:$0x3F8C];
	_ =	swait.ge [sflag:s4], $0x0  }
0x19: {  	s7 =	sld [smem:$0x3F8D]  }
0x1a: {  	s8 =	sadd.s32 $0xFFFFE003, lr  }
0x1b: {  	s9 =	sadd.s32 $0xFFFFFEF7, lr;
	s5 =	simm.s32 $0xFFFFFFFF;
	p2 =	slt.u32 s8, $0xFFFFF086  }
0x1c: {  	p1 =	slt.u32 s9, $0xF7A;
	s5 =	simm.s32 @!p2 $0x0  }
0x1d: {  	s5 =	simm.s32 @p1 $0x1;
	p0 =	seq.s32 s7, s2  }
0x1e: {  	s7 =	smul.u32 @!p0 $0xF7A, s2;
	p2 =	seq.s32 @!p0 s5, $0x0  }
0x1f: {  	s9 =	smul.u32 $0xF7A, s1;
	s8 =	simm.s32 @!p0 $0x1BF5;
	p2 =	por !p2, p0  }
0x20: {  	[sflag:s8] =	ssyncset.s32 @!p0 $0xFFFFF086;
	s6 =	sadd.s32 @!p0 s3, s7;
	s7 =	simm.s32 @!p0 $0x108  }
0x21: {  	s3 =	sadd.s32 s3, s9;
	s6 =	sadd.s32 @!p0 $0x88, s6;
	s7 =	simm.s32 @p2 $0x1082  }
0x22: {  	[simem:s7], [sflag:s8] =	dma.local @!p0 [hbm:s6], $0xF7A  }
0x23: {  	s9 =	sor.u32 $0xD0000000, s2;
	s6 =	simm.s32 $0x108;
	_ =	swait.ge @!p0 [sflag:s8], $0x0  }
0x24: {  	s3 =	sadd.s32 $0x88, s3;
	s6 =	simm.s32 @!p1 $0x1082;
	[sflag:s4] =	ssyncset.s32 $0xFFFFF086  }
0x25: {  	[simem:s6], [sflag:s4] =	dma.local [hbm:s3], $0xF7A  }
0x26: {  	[smem:$0x3F8D] =	sst s1;
	(tag) =	ssettag s2;
	_ =	strace s9  }
0x27: {  	s1 =	sld [smem:$0x3F9D]  }
0x28: {  	s2 =	sld [smem:$0x3F9E]  }
0x29: {  	s4 =	sld [smem:$0x3FA0]  }
0x2a: {  	p0 =	seq.s32 s5, $0x0;
	s5 =	sld [smem:$0x3FA1]  }
0x2b: {  	s6 =	sld [smem:$0x3FA2]  }
0x2c: {  	s7 =	sld [smem:$0x3FA3]  }
0x2d: {  	s3 =	simm.s32 $0x108;
	s8 =	sld [smem:$0x3FA4]  }
0x2e: {  	s3 =	simm.s32 @!p0 $0x1082;
	s9 =	sld [smem:$0x3FA5]  }
0x2f: {  	lr =	sadd.s32 s0, s3;
	s0 =	sld [smem:$0x3F9C]  }
0x30: {  	s3 =	sld [smem:$0x3F9F]  }
0x31: {  	[smem:$0x3FA8] =	sst s10  }
0x32: {  	s10 =	sld [smem:$0x3FA6];
	_ =	sdelay $0x3  }
0x33: {  	p0 =	seq.s32 s10, $0x1;
	s10 =	sld [smem:$0x3FA8];
	_ =	sdelay $0x3  }
0x34: {  	[smem:$0x3FA8] =	sst s10  }
0x35: {  	s10 =	sld [smem:$0x3FA7];
	_ =	sdelay $0x3  }
0x36: {  	p1 =	seq.s32 s10, $0x1;
	s10 =	sld [smem:$0x3FA8];
	_ =	sdelay $0x3  }
0x37: {  	[smem:$0x3FA8] =	sst s10  }
0x38: {  	s10 =	sld [smem:$0x3FA9]  }
0x39: {  	_ = 	snop;
	(pc) =	sbr.ind lr, $3  }
0x3a: {  	_ = 	snop  }
0x3b: {  	_ = 	snop  }
0x3c: {  	p2 =	seq.s32 s10, $0x1;
	s10 =	sld [smem:$0x3FA8]  }
0x3d: {  	_ =	shalt  }
0x3e: {  	_ =	shalt  }
0x3f: {  	_ =	shalt  }
0x40: {  	_ =	shalt  }
0x41: {  	_ =	shalt  }
0x42: {  	_ =	shalt  }
0x43: {  	_ =	shalt  }
0x44: {  	_ =	shalt  }
0x45: {  	_ =	shalt  }
0x46: {  	_ =	shalt  }
0x47: {  	_ =	shalt  }
0x48: {  	_ =	shalt  }
0x49: {  	_ =	shalt  }
0x4a: {  	_ =	shalt  }
0x4b: {  	_ =	shalt  }
0x4c: {  	_ =	shalt  }
0x4d: {  	_ =	shalt  }
0x4e: {  	_ =	shalt  }
0x4f: {  	_ =	shalt  }
0x50: {  	_ =	shalt  }
0x51: {  	_ =	shalt  }
0x52: {  	_ =	shalt  }
0x53: {  	_ =	shalt  }
0x54: {  	_ =	shalt  }
0x55: {  	_ =	shalt  }
0x56: {  	_ =	shalt  }
0x57: {  	_ =	shalt  }
0x58: {  	_ =	shalt  }
0x59: {  	_ =	shalt  }
0x5a: {  	_ =	shalt  }
0x5b: {  	_ =	shalt  }
0x5c: {  	_ =	shalt  }
0x5d: {  	_ =	shalt  }
0x5e: {  	_ =	shalt  }
0x5f: {  	_ =	shalt  }
0x60: {  	_ =	shalt  }
0x61: {  	_ =	shalt  }
0x62: {  	_ =	shalt  }
0x63: {  	_ =	shalt  }
0x64: {  	_ =	shalt  }
0x65: {  	_ =	shalt  }
0x66: {  	_ =	shalt  }
0x67: {  	_ =	shalt  }
0x68: {  	_ =	shalt  }
0x69: {  	_ =	shalt  }
0x6a: {  	_ =	shalt  }
0x6b: {  	_ =	shalt  }
0x6c: {  	_ =	shalt  }
0x6d: {  	_ =	shalt  }
0x6e: {  	_ =	shalt  }
0x6f: {  	_ =	shalt  }
0x70: {  	_ =	shalt  }
0x71: {  	_ =	shalt  }
0x72: {  	_ =	shalt  }
0x73: {  	_ =	shalt  }
0x74: {  	_ =	shalt  }
0x75: {  	_ =	shalt  }
0x76: {  	_ =	shalt  }
0x77: {  	_ =	shalt  }
0x78: {  	_ =	shalt  }
0x79: {  	_ =	shalt  }
0x7a: {  	_ =	shalt  }
0x7b: {  	_ =	shalt  }
0x7c: {  	_ =	shalt  }
0x7d: {  	_ =	shalt  }
0x7e: {  	_ =	shalt  }
0x7f: {  	_ =	shalt  }
0x80: {  	_ =	shalt  }
0x81: {  	_ =	shalt  }
0x82: {  	_ =	shalt  }
0x83: {  	_ =	shalt  }
0x84: {  	_ =	shalt  }
0x85: {  	_ =	shalt  }
0x86: {  	_ =	shalt  }
0x87: {  	_ =	shalt  }
.Lfunc_end0:
.L_simem_size_0:
called_computation.1_lowered:
.L_overlay_start_0:
0x88: {  	s2 =	sld [smem:$0x3FD9]  }
0x89: {  	s3 =	sld [smem:$0x3FFE];
	_ =	sdelay $0x1  }
0x8a: {  	s1 =	srdreg.scid  }
0x8b: {  	s0 =	sand.u32 $0x1, s1  }
0x8c: {  	s17 =	sshll.u32 s0, $0xA;
	s2 =	sadd.s32 s3, s2  }
0x8d: {  	s2 =	sadd.s32 s2, s17  }
0x8e: {  	[smem:$0x3FB4] =	sst s2  }
0x8f: {  	_ = 	snop  }
0x90: {  	s2 =	sld [smem:$0x3FC9];
	(tm) =	ssettm $0x1  }
0x91: {  	s18 =	sld [smem:$0x3FFB];
	_ =	sdelay $0x3  }
0x92: {  	_ =	strace s18  }
0x93: {  	s3 =	sld [smem:$0x3FFC];
	_ =	sdelay $0x3  }
0x94: {  	_ =	strace s3  }
0x95: {  	s3 =	sld [smem:$0x3FFD];
	_ =	sdelay $0x3  }
0x96: {  	_ =	strace s3  }
0x97: {  	_ =	strace $0x8FFFFFFF  }
0x98: {  	s19 =	sld [smem:$0x3FDB];
	_ =	sdelay $0x1  }
0x99: {  	s4 =	simm.s32 $_scs_section_size  }
0x9a: {  	s5 =	simm.s32 $_size__tile_overlayer_lowered;
	s6 =	simm.s32 $_tile_overlayer_lowered  }
0x9b: {  	s22 =	simm.s32 $0x1BFF;
	s21 =	sshll.u32 s6, $0x1;
	s3 =	sadd.s32 s4, s19  }
0x9c: {  	s7 =	simm.s32 $0x0;
	s20 =	sshll.u32 s5, $0x1;
	s5 =	sadd.s32 s21, s3  }
0x9d: {  	[timem:s7], [sflag:s22] =	dma.local [hbm:s5], s20  }
0x9e: {  	_ =	swait.ge [sflag:s22], s20  }
0x9f: {  	s4 =	ssub.s32 $0x0, s20;
	[sflag:s22] =	ssyncset.done $0x0  }
0xa0: {  	[sflag:s22] =	ssyncadd.s32 s4;
	_ =	sdelay $0x1  }
0xa1: {  	s23 =	simm.s32 $0x1B8B  }
0xa2: {  	_ =	swait.ge [sflag:s23], $0x1  }
0xa3: {  	[sflag:s23] =	ssyncset.done $0x0  }
0xa4: {  	s25 =	simm.s32 $0x1B8E;
	s24 =	sld [smem:$0x3FFE];
	[sflag:s23] =	ssyncadd.s32 $0xFFFFFFFF  }
0xa5: {  	s26 =	simm.s32 $execute0_lowered;
	[smem:$0x3FD2] =	sst s25  }
0xa6: {  	s5 =	sshll.u32 s26, $0x1;
	_ =	strace $0x80000046;
	[dreg:$0x1] =	wrdreg $0xFFFFFFFF  }
0xa7: {  	s28 =	simm.s32 $_size_execute0_lowered;
	s3 =	sadd.s32 s3, s5;
	[dreg:$0x0] =	wrdreg $0x0  }
0xa8: {  	s5 =	sshll.u32 s28, $0x1;
	[dreg:$0x2] =	wrdreg s3  }
0xa9: {  	[dreg:$0x3] =	wrdreg s5  }
0xaa: {  	[dreg:$0x4] =	wrdreg $0xC0  }
0xab: {  	_ =	task [dreg:s7], $0x5FFFF  }
0xac: {  	[dreg:$0x1] =	wrdreg $0xFFFFFFFF  }
0xad: {  	[dreg:$0x0] =	wrdreg $0x60  }
0xae: {  	[dreg:$0x2] =	wrdreg s2  }
0xaf: {  	[dreg:$0x3] =	wrdreg s24  }
0xb0: {  	[dreg:$0x4] =	wrdreg $0xA8000  }
0xb1: {  	[dreg:$0x5] =	wrdreg $0xA  }
0xb2: {  	_ =	task.clear_ibuf [dreg:s7], $0x6FFFF;
	_ =	strace $0x90000046  }
0xb3: {  	s29 =	simm.s32 $0xA;
	_ =	strace $0x80000048  }
0xb4: {  	_ =	swait.ge [sflag:s29], $0x1  }
0xb5: {  	[sflag:s29] =	ssyncadd.s32 $0xFFFFFFFF  }
0xb6: {  	_ =	strace $0x90000048  }
0xb7: {  	_ =	sfence  }
0xb8: {  	s30 =	sld [smem:$0x0];
	_ =	sdelay $0x2  }
0xb9: {  	s31 =	sshll.u32 s1, $0xD;
	s1 =	sshrl.u32 s1, $0x2  }
0xba: {  	s3 =	sand.u32 $0x4000, s31;
	s1 =	sadd.s32 s1, s30  }
0xbb: {  	s0 =	sor.u32 s3, s0;
	s1 =	sshll.u32 s1, $0x11  }
0xbc: {  	s0 =	sor.u32 s1, s0  }
0xbd: {  	s0 =	sadd.s32 $0x8F2B, s0  }
0xbe: {  	[sflag:s0] =	ssyncadd.remote.s32 $0x1  }
0xbf: {  	_ =	sfence.sel $0xFFFF  }
0xc0: {  	[dreg:$0x0] =	wrdreg $0xFFFFFFFF;
	(pc) =	sbr.abs _section_cstart, $3  }
0xc1: {  	[dreg:$0x1] =	wrdreg $0xFFFFFFFF  }
0xc2: {  	_ =	task.clear_ibuf [dreg:s7], $0x2FFFF;
	_ =	strace $0x9FFFFFFF  }
0xc3: {  	(tm) =	ssettm $0x7FFFFFFF  }
tec
execute0_lowered:
.L_overlay_start_1:
0x0: {  	(tag) =	ssettag $0x1  }
0x1: {  	s1 =	rddreg [dreg:$0x0]  }
0x2: {  	s6 =	rddreg [dreg:$0x1]  }
0x3: {  	s2 =	rddreg [dreg:$0x2]  }
0x4: {  	s0 =	rddreg [dreg:$0x3];
	s3 =	simm.s32 $0x0;
	s14 =	stileid.u32  }
0x5: {  	s5 =	srdreg.scid;
	s20 =	simm.s32 $0x6800;
	s21 =	simm.s32 $0x1  }
0x6: {  	s22 =	simm.s32 $0x2;
	s23 =	simm.s32 $0x2700;
	s24 =	simm.s32 $0x2780  }
0x7: {  	s25 =	simm.s32 $0x0;
	[smem:$0x7FF] =	sst s3;
	s9 =	smul.u32 $0x13800, s14  }
0x8: {  	s10 =	sadd.s32 $0xDA00, s6;
	s11 =	sadd.s32 $0x3A00, s6;
	s7 =	sand.u32 $0x1, s5  }
0x9: {  	s8 =	sshll.u32 s14, $0x1;
	s12 =	smul.u32 $0x4E000, s14;
	s13 =	sadd.s32 $0x3EC00, s6  }
0xa: {  	s29 =	sshll.u32 s14, $0x6;
	s18 =	sadd.s32 $0x138000, s2;
	p0 =	sne.s32 s14, $0x0  }
0xb: {  	_ =	strace $0x80000047;
	s5 =	ssub.s32 $0x2, s7;
	s8 =	sor.u32 s7, s8  }
0xc: {  	s17 =	smul.u32 $0x138C00, s7;
	s4 =	sshrl.u32 s9, $0x3;
	s15 =	sshrl.u32 s5, $0x1  }
0xd: {  	s28 =	sshrl.u32 s12, $0x2;
	s8 =	smul.u32 $0x2800, s8;
	s4 =	sadd.s32 s4, s6  }
0xe: {  	s15 =	ssub.s32 s5, s15;
	s16 =	sadd.s32 s28, s2;
	s5 =	sor.u32 $0x1C03, s29  }
0xf: {  	s6 =	sadd.s32 $0x3EA00, s6;
	s19 =	sadd.s32 s9, s17;
	s17 =	sshrl.u32 s17, $0x3  }
0x10: {  	s4 =	sadd.s32 $0x17A00, s4;
	s30 =	sshrl.u32 s8, $0x3;
	s19 =	sshrl.u32 s19, $0x3  }
0x11: {  	s31 =	sadd.s32 s13, s17;
	s14 =	sshrl.u32 s16, $0x3;
	s16 =	sshrl.u32 @!p0 s18, $0x3  }
0x12: {  	s17 =	simm.s32 $0x1400;
	s18 =	simm.s32 $0x80;
	s12 =	sadd.s32 $0x280, s30  }
0x13: {  	s7 =	sadd.s32 s10, s30;
	s8 =	sadd.s32 s11, s30;
	s9 =	sadd.s32 s10, s12  }
0x14: {  	s10 =	sadd.s32 s11, s12;
	s11 =	sadd.s32 s13, s19;
	s12 =	sadd.s32 $0x27000, s31  }
0x15: {  	s13 =	smax.u32 s15, $0x1;
	s15 =	simm.s32 $0x3;
	s19 =	simm.s32 $0x2800  }
.LBB2_1:
0x16: {  	[spmem:s14], [sflag:s5] =	dma.local [hbm:s4], $0x2700  }
0x17: {  	_ =	swait.ge [sflag:s15], $0x2700  }
0x18: {  	[sflag:s15] =	ssyncset.done $0x0  }
0x19: {  	s26 =	simm.s32 @!p0 $0x3;
	[sflag:s15] =	ssyncadd.s32 $0xFFFFD900  }
0x1a: {  	[spmem:s16], [sflag:s5] =	dma.local @!p0 [hbm:s6], $0x180  }
0x1b: {  	_ =	swait.ge @!p0 [sflag:s26], $0x180  }
0x1c: {  	[sflag:s26] =	ssyncset.done @!p0 $0x0  }
0x1d: {  	[sflag:s26] =	ssyncadd.s32 @!p0 $0xFFFFFE80  }
0x1e: {  	[bflag:$0x0] =	sbarrier.arrive $0xFFFF  }
0x1f: {  	[tilespmem:s3], [sflag:$0x3] =	stream.linear.gather [hbm4b:s7+s3], $0x1400, $0x38;
	[tilespmem:$0x1E0C0] =	vst v63  }
0x20: {  	_ =	swait.ge [sflag:s15], $0x1400  }
0x21: {  	[sflag:s15] =	ssyncset.done $0x0  }
0x22: {  	[sflag:s15] =	ssyncadd.s32 $0xFFFFEC00  }
0x23: {  	[tilespmem:s17], [sflag:$0x3] =	stream.linear.gather [hbm4b:s8+s3], $0x1400, $0x38;
	[tilespmem:$0x1E0C0] =	vst v63  }
0x24: {  	_ =	swait.ge [sflag:s15], $0x1400  }
0x25: {  	[sflag:s15] =	ssyncset.done $0x0  }
0x26: {  	[sflag:s15] =	ssyncadd.s32 $0xFFFFEC00  }
0x27: {  	[tilespmem:s19], [sflag:$0x1] =	stream.indirect.gather [hbm4b:s1+s18], $0x80, s3, s18, $0xb8;
	[tilespmem:$0x1E0C0] =	vst v63  }
0x28: {  	_ = 	snop  }
0x29: {  	[tilespmem:s20], [sflag:$0x2] =	stream.indirect.gather [hbm4b:s1+s18], $0x80, s18, s18, $0xb8;
	[tilespmem:$0x1E0C0] =	vst v63  }
0x2a: {  	_ =	swait.ge [sflag:s21], $0x4000  }
0x2b: {  	[sflag:s21] =	ssyncset.done $0x0  }
0x2c: {  	s29 =	simm.s32 $0x1400;
	[sflag:s21] =	ssyncadd.s32 $0xFFFFC000  }
0x2d: {  	[spmem:s2] =	stream.indirect.scatter.add.f32 [tilespmem:s19], [sflag:$0x3], $0x80, s29, s18, $0xb8;
	[tilespmem:$0x1E0C0] =	vst v63  }
0x2e: {  	_ =	swait.ge [sflag:s15], $0x4000  }
0x2f: {  	[sflag:s15] =	ssyncset.done $0x0  }
0x30: {  	s30 =	simm.s32 $0x100;
	[sflag:s15] =	ssyncadd.s32 $0xFFFFC000  }
0x31: {  	[tilespmem:s19], [sflag:$0x1] =	stream.indirect.gather [hbm4b:s1+s18], $0x80, s30, s18, $0xb8;
	[tilespmem:$0x1E0C0] =	vst v63  }
0x32: {  	_ =	swait.ge [sflag:s22], $0x4000  }
0x33: {  	[sflag:s22] =	ssyncset.done $0x0  }
0x34: {  	s31 =	simm.s32 $0x1480;
	[sflag:s22] =	ssyncadd.s32 $0xFFFFC000  }
0x35: {  	[spmem:s2] =	stream.indirect.scatter.add.f32 [tilespmem:s20], [sflag:$0x3], $0x80, s31, s18, $0xb8;
	[tilespmem:$0x1E0C0] =	vst v63  }
0x36: {  	_ =	swait.ge [sflag:s15], $0x4000  }
0x37: {  	[sflag:s15] =	ssyncset.done $0x0  }
0x38: {  	s28 =	simm.s32 $0x180;
	s26 =	simm.s32 $0x400;
	[sflag:s15] =	ssyncadd.s32 $0xFFFFC000  }
.LBB2_2:
0x39: {  	[tilespmem:s20], [sflag:$0x2] =	stream.indirect.gather [hbm4b:s1+s18], $0x80, s28, s18, $0xb8;
	[tilespmem:$0x1E0C0] =	vst v63  }
0x3a: {  	s28 =	smov.u32 s26  }
0x3b: {  	p1 =	sne.s32 s26, $0x4800;
	s26 =	sadd.s32 $0x400, s26;
	_ =	swait.ge [sflag:s21], $0x4000  }
0x3c: {  	s28 =	sshra.s32 s28, $0x2;
	[sflag:s21] =	ssyncset.done $0x0  }
0x3d: {  	s29 =	sadd.s32 $0x1400, s28;
	[sflag:s21] =	ssyncadd.s32 $0xFFFFC000  }
0x3e: {  	[spmem:s2] =	stream.indirect.scatter.add.f32 [tilespmem:s19], [sflag:$0x3], $0x80, s29, s18, $0xb8;
	[tilespmem:$0x1E0C0] =	vst v63  }
0x3f: {  	_ =	swait.ge [sflag:s15], $0x4000  }
0x40: {  	[sflag:s15] =	ssyncset.done $0x0  }
0x41: {  	s29 =	sadd.s32 $0x100, s28;
	[sflag:s15] =	ssyncadd.s32 $0xFFFFC000  }
0x42: {  	[tilespmem:s19], [sflag:$0x1] =	stream.indirect.gather [hbm4b:s1+s18], $0x80, s29, s18, $0xb8;
	[tilespmem:$0x1E0C0] =	vst v63  }
0x43: {  	_ =	swait.ge [sflag:s22], $0x4000  }
0x44: {  	[sflag:s22] =	ssyncset.done $0x0  }
.Ltmp0:
0x45: {  	s29 =	sadd.s32 $0x1480, s28;
	[sflag:s22] =	ssyncadd.s32 $0xFFFFC000;
	(pc) =	sbr.rel @p1 .LBB2_2-.Ltmp0, $4  }
0x46: {  	[spmem:s2] =	stream.indirect.scatter.add.f32 [tilespmem:s20], [sflag:$0x3], $0x80, s29, s18, $0xb8;
	[tilespmem:$0x1E0C0] =	vst v63  }
0x47: {  	_ =	swait.ge [sflag:s15], $0x4000  }
0x48: {  	[sflag:s15] =	ssyncset.done $0x0  }
0x49: {  	s28 =	sadd.s32 $0x180, s28;
	[sflag:s15] =	ssyncadd.s32 $0xFFFFC000  }
0x4a: {  	[tilespmem:s20], [sflag:$0x2] =	stream.indirect.gather [hbm4b:s1+s18], $0x80, s28, s18, $0xb8;
	[tilespmem:$0x1E0C0] =	vst v63  }
0x4b: {  	_ =	swait.ge [sflag:s21], $0x4000  }
0x4c: {  	[sflag:s21] =	ssyncset.done $0x0  }
0x4d: {  	[sflag:s21] =	ssyncadd.s32 $0xFFFFC000  }
0x4e: {  	[spmem:s2] =	stream.indirect.scatter.add.f32 [tilespmem:s19], [sflag:$0x3], $0x80, s23, s18, $0xb8;
	[tilespmem:$0x1E0C0] =	vst v63  }
0x4f: {  	_ =	swait.ge [sflag:s15], $0x4000  }
0x50: {  	[sflag:s15] =	ssyncset.done $0x0  }
0x51: {  	[sflag:s15] =	ssyncadd.s32 $0xFFFFC000  }
0x52: {  	_ =	swait.ge [sflag:s22], $0x4000  }
0x53: {  	[sflag:s22] =	ssyncset.done $0x0  }
0x54: {  	[sflag:s22] =	ssyncadd.s32 $0xFFFFC000  }
0x55: {  	[spmem:s2] =	stream.indirect.scatter.add.f32 [tilespmem:s20], [sflag:$0x3], $0x80, s24, s18, $0xb8;
	[tilespmem:$0x1E0C0] =	vst v63  }
0x56: {  	_ =	swait.ge [sflag:s15], $0x4000  }
0x57: {  	[sflag:s15] =	ssyncset.done $0x0  }
0x58: {  	s26 =	simm.s32 $0x0;
	[sflag:s15] =	ssyncadd.s32 $0xFFFFC000  }
0x59: {  	[tilespmem:s26], [sflag:$0x3] =	stream.linear.gather [hbm4b:s9+s26], $0x1400, $0x38;
	[tilespmem:$0x1E0C0] =	vst v63  }
0x5a: {  	_ =	swait.ge [sflag:s15], $0x1400  }
0x5b: {  	[sflag:s15] =	ssyncset.done $0x0  }
0x5c: {  	[sflag:s15] =	ssyncadd.s32 $0xFFFFEC00  }
0x5d: {  	[tilespmem:s17], [sflag:$0x3] =	stream.linear.gather [hbm4b:s10+s26], $0x1400, $0x38;
	[tilespmem:$0x1E0C0] =	vst v63  }
0x5e: {  	_ =	swait.ge [sflag:s15], $0x1400  }
0x5f: {  	[sflag:s15] =	ssyncset.done $0x0  }
0x60: {  	[sflag:s15] =	ssyncadd.s32 $0xFFFFEC00  }
0x61: {  	[tilespmem:s19], [sflag:$0x1] =	stream.indirect.gather [hbm4b:s1+s18], $0x80, s26, s18, $0xb8;
	[tilespmem:$0x1E0C0] =	vst v63  }
0x62: {  	_ = 	snop  }
0x63: {  	[tilespmem:s20], [sflag:$0x2] =	stream.indirect.gather [hbm4b:s1+s18], $0x80, s18, s18, $0xb8;
	[tilespmem:$0x1E0C0] =	vst v63  }
0x64: {  	_ =	swait.ge [sflag:s21], $0x4000  }
0x65: {  	[sflag:s21] =	ssyncset.done $0x0  }
0x66: {  	s29 =	simm.s32 $0x1400;
	[sflag:s21] =	ssyncadd.s32 $0xFFFFC000  }
0x67: {  	[spmem:s2] =	stream.indirect.scatter.add.f32 [tilespmem:s19], [sflag:$0x3], $0x80, s29, s18, $0xb8;
	[tilespmem:$0x1E0C0] =	vst v63  }
0x68: {  	_ =	swait.ge [sflag:s15], $0x4000  }
0x69: {  	[sflag:s15] =	ssyncset.done $0x0  }
0x6a: {  	s30 =	simm.s32 $0x100;
	[sflag:s15] =	ssyncadd.s32 $0xFFFFC000  }
0x6b: {  	[tilespmem:s19], [sflag:$0x1] =	stream.indirect.gather [hbm4b:s1+s18], $0x80, s30, s18, $0xb8;
	[tilespmem:$0x1E0C0] =	vst v63  }
0x6c: {  	_ =	swait.ge [sflag:s22], $0x4000  }
0x6d: {  	[sflag:s22] =	ssyncset.done $0x0  }
0x6e: {  	s31 =	simm.s32 $0x1480;
	[sflag:s22] =	ssyncadd.s32 $0xFFFFC000  }
0x6f: {  	[spmem:s2] =	stream.indirect.scatter.add.f32 [tilespmem:s20], [sflag:$0x3], $0x80, s31, s18, $0xb8;
	[tilespmem:$0x1E0C0] =	vst v63  }
0x70: {  	_ =	swait.ge [sflag:s15], $0x4000  }
0x71: {  	[sflag:s15] =	ssyncset.done $0x0  }
0x72: {  	s28 =	simm.s32 $0x180;
	s26 =	simm.s32 $0x400;
	[sflag:s15] =	ssyncadd.s32 $0xFFFFC000  }
.LBB2_4:
0x73: {  	[tilespmem:s20], [sflag:$0x2] =	stream.indirect.gather [hbm4b:s1+s18], $0x80, s28, s18, $0xb8;
	[tilespmem:$0x1E0C0] =	vst v63  }
0x74: {  	s28 =	smov.u32 s26  }
0x75: {  	p1 =	sne.s32 s26, $0x4800;
	s26 =	sadd.s32 $0x400, s26;
	_ =	swait.ge [sflag:s21], $0x4000  }
0x76: {  	s28 =	sshra.s32 s28, $0x2;
	[sflag:s21] =	ssyncset.done $0x0  }
0x77: {  	s29 =	sadd.s32 $0x1400, s28;
	[sflag:s21] =	ssyncadd.s32 $0xFFFFC000  }
0x78: {  	[spmem:s2] =	stream.indirect.scatter.add.f32 [tilespmem:s19], [sflag:$0x3], $0x80, s29, s18, $0xb8;
	[tilespmem:$0x1E0C0] =	vst v63  }
0x79: {  	_ =	swait.ge [sflag:s15], $0x4000  }
0x7a: {  	[sflag:s15] =	ssyncset.done $0x0  }
0x7b: {  	s29 =	sadd.s32 $0x100, s28;
	[sflag:s15] =	ssyncadd.s32 $0xFFFFC000  }
0x7c: {  	[tilespmem:s19], [sflag:$0x1] =	stream.indirect.gather [hbm4b:s1+s18], $0x80, s29, s18, $0xb8;
	[tilespmem:$0x1E0C0] =	vst v63  }
0x7d: {  	_ =	swait.ge [sflag:s22], $0x4000  }
0x7e: {  	[sflag:s22] =	ssyncset.done $0x0  }
.Ltmp1:
0x7f: {  	s29 =	sadd.s32 $0x1480, s28;
	[sflag:s22] =	ssyncadd.s32 $0xFFFFC000;
	(pc) =	sbr.rel @p1 .LBB2_4-.Ltmp1, $4  }
0x80: {  	[spmem:s2] =	stream.indirect.scatter.add.f32 [tilespmem:s20], [sflag:$0x3], $0x80, s29, s18, $0xb8;
	[tilespmem:$0x1E0C0] =	vst v63  }
0x81: {  	_ =	swait.ge [sflag:s15], $0x4000  }
0x82: {  	[sflag:s15] =	ssyncset.done $0x0  }
0x83: {  	s28 =	sadd.s32 $0x180, s28;
	[sflag:s15] =	ssyncadd.s32 $0xFFFFC000  }
0x84: {  	[tilespmem:s20], [sflag:$0x2] =	stream.indirect.gather [hbm4b:s1+s18], $0x80, s28, s18, $0xb8;
	[tilespmem:$0x1E0C0] =	vst v63  }
0x85: {  	_ =	swait.ge [sflag:s21], $0x4000  }
0x86: {  	[sflag:s21] =	ssyncset.done $0x0  }
0x87: {  	[sflag:s21] =	ssyncadd.s32 $0xFFFFC000  }
0x88: {  	[spmem:s2] =	stream.indirect.scatter.add.f32 [tilespmem:s19], [sflag:$0x3], $0x80, s23, s18, $0xb8;
	[tilespmem:$0x1E0C0] =	vst v63  }
0x89: {  	_ =	swait.ge [sflag:s15], $0x4000  }
0x8a: {  	[sflag:s15] =	ssyncset.done $0x0  }
0x8b: {  	[sflag:s15] =	ssyncadd.s32 $0xFFFFC000  }
0x8c: {  	_ =	swait.ge [sflag:s22], $0x4000  }
0x8d: {  	[sflag:s22] =	ssyncset.done $0x0  }
0x8e: {  	[sflag:s22] =	ssyncadd.s32 $0xFFFFC000  }
0x8f: {  	[spmem:s2] =	stream.indirect.scatter.add.f32 [tilespmem:s20], [sflag:$0x3], $0x80, s24, s18, $0xb8;
	[tilespmem:$0x1E0C0] =	vst v63  }
0x90: {  	_ =	swait.ge [sflag:s15], $0x4000  }
0x91: {  	[sflag:s15] =	ssyncset.done $0x0  }
0x92: {  	[sflag:s15] =	ssyncadd.s32 $0xFFFFC000  }
0x93: {  	[bflag:$0x0] =	sbarrier.arrive $0xFFFF  }
0x94: {  	[hbm:s11], [sflag:s5] =	dma.local [spmem:s14], $0x2700  }
0x95: {  	s25 =	sadd.s32 $0x1, s25;
	_ =	swait.ge [sflag:s15], $0x2700  }
0x96: {  	p1 =	sne.s32 s25, s13;
	[sflag:s15] =	ssyncset.done $0x0  }
.Ltmp2:
0x97: {  	s26 =	simm.s32 @!p0 $0x3;
	[sflag:s15] =	ssyncadd.s32 $0xFFFFD900;
	(pc) =	sbr.rel @p1 .LBB2_1-.Ltmp2, $4  }
0x98: {  	[hbm:s12], [sflag:s5] =	dma.local @!p0 [spmem:s16], $0x180  }
0x99: {  	_ =	swait.ge @!p0 [sflag:s26], $0x180  }
0x9a: {  	[sflag:s26] =	ssyncset.done @!p0 $0x0  }
0x9b: {  	[sflag:s26] =	ssyncadd.s32 @!p0 $0xFFFFFE80  }
0x9c: {  	_ =	sfence.sel $0x180000  }
0x9d: {  	[bflag:$0x0] =	sbarrier.arrive $0xFFFF  }
0x9e: {  	_ =	strace $0x90000047  }
0x9f: {  	s0 =	sadd.s32 @!p0 $0x100000, s0;
	[bflag:$0x2] =	sbarrier.arrive $0xFFFF  }
0xa0: {  	[sflag:s0] =	ssyncadd.tile.s32 @!p0 $0x1;
	_ =	shalt  }
.Lfunc_end2:
_tile_overlayer_lowered:
.L_overlay_start_2:
0xa1: {  	(tag) =	ssettag $0x2  }
0xa2: {  	s0 =	rddreg [dreg:$0x0];
	s2 =	stileid.u32  }
0xa3: {  	s1 =	rddreg [dreg:$0x1];
	p0 =	sne.s32 s2, $0x0  }
0xa4: {  	s3 =	rddreg [dreg:$0x2];
	[bflag:$0x3] =	sbarrier.arrive $0xFFFF;
	s2 =	simm.s32 @!p0 $0x1C03  }
0xa5: {  	[timem:s3], [sflag:s2] =	dma.local @!p0 [hbm:s0], s1  }
0xa6: {  	s0 =	simm.s32 @!p0 $0x3  }
0xa7: {  	_ =	swait.ge @!p0 [sflag:s0], s1  }
0xa8: {  	s1 =	ssub.s32 @!p0 $0x0, s1;
	[sflag:s0] =	ssyncset.done @!p0 $0x0  }
0xa9: {  	[sflag:s0] =	ssyncadd.s32 @!p0 s1  }
0xaa: {  	[bflag:$0x3] =	sbarrier.arrive $0xFFFF  }
0xab: {  	_ =	shalt  }

// kernel: kernel.16.cloned.1.call-start
scs
__scs_entry_jumppad:
0x0: {  	(pc) =	sbr.rel $0x88, $3  }
0x1: {  	(tag) =	ssettag $0x0;
	lr =	simm.s32 $0x1  }
0x2: {  	[smem:$0x3F8D] =	sst lr;
	_ =	strace $0xD0000000  }
0x3: {  	_ = 	snop  }
0x4: {  	_ = 	snop  }
0x5: {  	_ = 	snop  }
0x6: {  	_ = 	snop  }
0x7: {  	_ = 	snop  }
__scs_overlays_trampoline_lowered:
0x8: {  	[smem:$0x3F9C] =	sst s0  }
0x9: {  	[smem:$0x3F9D] =	sst s1  }
0xa: {  	[smem:$0x3F9E] =	sst s2  }
0xb: {  	[smem:$0x3F9F] =	sst s3  }
0xc: {  	[smem:$0x3FA0] =	sst s4  }
0xd: {  	[smem:$0x3FA1] =	sst s5  }
0xe: {  	[smem:$0x3FA2] =	sst s6  }
0xf: {  	[smem:$0x3FA3] =	sst s7  }
0x10: {  	[smem:$0x3FA4] =	sst s8  }
0x11: {  	[smem:$0x3FA5] =	sst s9;
	s0 =	simm.s32 @!p0 $0x0  }
0x12: {  	s1 =	sld [smem:$0x3F8B];
	s0 =	simm.s32 @p0 $0x1  }
0x13: {  	[smem:$0x3FA6] =	sst s0;
	s0 =	simm.s32 @!p1 $0x0  }
0x14: {  	s2 =	sld [smem:$0x3F8A];
	s0 =	simm.s32 @p1 $0x1  }
0x15: {  	[smem:$0x3FA7] =	sst s0;
	s0 =	simm.s32 @!p2 $0x0  }
0x16: {  	s3 =	sld [smem:$0x3FDB];
	s0 =	simm.s32 @p2 $0x1  }
0x17: {  	s4 =	simm.s32 $0x1BF5;
	[smem:$0x3FA9] =	sst s0  }
0x18: {  	s0 =	sld [smem:$0x3F8C];
	_ =	swait.ge [sflag:s4], $0x0  }
0x19: {  	s7 =	sld [smem:$0x3F8D]  }
0x1a: {  	s8 =	sadd.s32 $0xFFFFE003, lr  }
0x1b: {  	s9 =	sadd.s32 $0xFFFFFEF7, lr;
	s5 =	simm.s32 $0xFFFFFFFF;
	p2 =	slt.u32 s8, $0xFFFFF086  }
0x1c: {  	p1 =	slt.u32 s9, $0xF7A;
	s5 =	simm.s32 @!p2 $0x0  }
0x1d: {  	s5 =	simm.s32 @p1 $0x1;
	p0 =	seq.s32 s7, s2  }
0x1e: {  	s7 =	smul.u32 @!p0 $0xF7A, s2;
	p2 =	seq.s32 @!p0 s5, $0x0  }
0x1f: {  	s9 =	smul.u32 $0xF7A, s1;
	s8 =	simm.s32 @!p0 $0x1BF5;
	p2 =	por !p2, p0  }
0x20: {  	[sflag:s8] =	ssyncset.s32 @!p0 $0xFFFFF086;
	s6 =	sadd.s32 @!p0 s3, s7;
	s7 =	simm.s32 @!p0 $0x108  }
0x21: {  	s3 =	sadd.s32 s3, s9;
	s6 =	sadd.s32 @!p0 $0x88, s6;
	s7 =	simm.s32 @p2 $0x1082  }
0x22: {  	[simem:s7], [sflag:s8] =	dma.local @!p0 [hbm:s6], $0xF7A  }
0x23: {  	s9 =	sor.u32 $0xD0000000, s2;
	s6 =	simm.s32 $0x108;
	_ =	swait.ge @!p0 [sflag:s8], $0x0  }
0x24: {  	s3 =	sadd.s32 $0x88, s3;
	s6 =	simm.s32 @!p1 $0x1082;
	[sflag:s4] =	ssyncset.s32 $0xFFFFF086  }
0x25: {  	[simem:s6], [sflag:s4] =	dma.local [hbm:s3], $0xF7A  }
0x26: {  	[smem:$0x3F8D] =	sst s1;
	(tag) =	ssettag s2;
	_ =	strace s9  }
0x27: {  	s1 =	sld [smem:$0x3F9D]  }
0x28: {  	s2 =	sld [smem:$0x3F9E]  }
0x29: {  	s4 =	sld [smem:$0x3FA0]  }
0x2a: {  	p0 =	seq.s32 s5, $0x0;
	s5 =	sld [smem:$0x3FA1]  }
0x2b: {  	s6 =	sld [smem:$0x3FA2]  }
0x2c: {  	s7 =	sld [smem:$0x3FA3]  }
0x2d: {  	s3 =	simm.s32 $0x108;
	s8 =	sld [smem:$0x3FA4]  }
0x2e: {  	s3 =	simm.s32 @!p0 $0x1082;
	s9 =	sld [smem:$0x3FA5]  }
0x2f: {  	lr =	sadd.s32 s0, s3;
	s0 =	sld [smem:$0x3F9C]  }
0x30: {  	s3 =	sld [smem:$0x3F9F]  }
0x31: {  	[smem:$0x3FA8] =	sst s10  }
0x32: {  	s10 =	sld [smem:$0x3FA6];
	_ =	sdelay $0x3  }
0x33: {  	p0 =	seq.s32 s10, $0x1;
	s10 =	sld [smem:$0x3FA8];
	_ =	sdelay $0x3  }
0x34: {  	[smem:$0x3FA8] =	sst s10  }
0x35: {  	s10 =	sld [smem:$0x3FA7];
	_ =	sdelay $0x3  }
0x36: {  	p1 =	seq.s32 s10, $0x1;
	s10 =	sld [smem:$0x3FA8];
	_ =	sdelay $0x3  }
0x37: {  	[smem:$0x3FA8] =	sst s10  }
0x38: {  	s10 =	sld [smem:$0x3FA9]  }
0x39: {  	_ = 	snop;
	(pc) =	sbr.ind lr, $3  }
0x3a: {  	_ = 	snop  }
0x3b: {  	_ = 	snop  }
0x3c: {  	p2 =	seq.s32 s10, $0x1;
	s10 =	sld [smem:$0x3FA8]  }
0x3d: {  	_ =	shalt  }
0x3e: {  	_ =	shalt  }
0x3f: {  	_ =	shalt  }
0x40: {  	_ =	shalt  }
0x41: {  	_ =	shalt  }
0x42: {  	_ =	shalt  }
0x43: {  	_ =	shalt  }
0x44: {  	_ =	shalt  }
0x45: {  	_ =	shalt  }
0x46: {  	_ =	shalt  }
0x47: {  	_ =	shalt  }
0x48: {  	_ =	shalt  }
0x49: {  	_ =	shalt  }
0x4a: {  	_ =	shalt  }
0x4b: {  	_ =	shalt  }
0x4c: {  	_ =	shalt  }
0x4d: {  	_ =	shalt  }
0x4e: {  	_ =	shalt  }
0x4f: {  	_ =	shalt  }
0x50: {  	_ =	shalt  }
0x51: {  	_ =	shalt  }
0x52: {  	_ =	shalt  }
0x53: {  	_ =	shalt  }
0x54: {  	_ =	shalt  }
0x55: {  	_ =	shalt  }
0x56: {  	_ =	shalt  }
0x57: {  	_ =	shalt  }
0x58: {  	_ =	shalt  }
0x59: {  	_ =	shalt  }
0x5a: {  	_ =	shalt  }
0x5b: {  	_ =	shalt  }
0x5c: {  	_ =	shalt  }
0x5d: {  	_ =	shalt  }
0x5e: {  	_ =	shalt  }
0x5f: {  	_ =	shalt  }
0x60: {  	_ =	shalt  }
0x61: {  	_ =	shalt  }
0x62: {  	_ =	shalt  }
0x63: {  	_ =	shalt  }
0x64: {  	_ =	shalt  }
0x65: {  	_ =	shalt  }
0x66: {  	_ =	shalt  }
0x67: {  	_ =	shalt  }
0x68: {  	_ =	shalt  }
0x69: {  	_ =	shalt  }
0x6a: {  	_ =	shalt  }
0x6b: {  	_ =	shalt  }
0x6c: {  	_ =	shalt  }
0x6d: {  	_ =	shalt  }
0x6e: {  	_ =	shalt  }
0x6f: {  	_ =	shalt  }
0x70: {  	_ =	shalt  }
0x71: {  	_ =	shalt  }
0x72: {  	_ =	shalt  }
0x73: {  	_ =	shalt  }
0x74: {  	_ =	shalt  }
0x75: {  	_ =	shalt  }
0x76: {  	_ =	shalt  }
0x77: {  	_ =	shalt  }
0x78: {  	_ =	shalt  }
0x79: {  	_ =	shalt  }
0x7a: {  	_ =	shalt  }
0x7b: {  	_ =	shalt  }
0x7c: {  	_ =	shalt  }
0x7d: {  	_ =	shalt  }
0x7e: {  	_ =	shalt  }
0x7f: {  	_ =	shalt  }
0x80: {  	_ =	shalt  }
0x81: {  	_ =	shalt  }
0x82: {  	_ =	shalt  }
0x83: {  	_ =	shalt  }
0x84: {  	_ =	shalt  }
0x85: {  	_ =	shalt  }
0x86: {  	_ =	shalt  }
0x87: {  	_ =	shalt  }
.Lfunc_end0:
.L_simem_size_0:
called_computation.2_lowered:
.L_overlay_start_0:
0x88: {  	s2 =	sld [smem:$0x3FD9]  }
0x89: {  	s3 =	sld [smem:$0x3FFE];
	_ =	sdelay $0x1  }
0x8a: {  	s1 =	srdreg.scid  }
0x8b: {  	s0 =	sand.u32 $0x1, s1  }
0x8c: {  	s16 =	sshll.u32 s0, $0xA;
	s2 =	sadd.s32 s3, s2  }
0x8d: {  	s2 =	sadd.s32 s2, s16  }
0x8e: {  	[smem:$0x3FB4] =	sst s2  }
0x8f: {  	_ = 	snop  }
0x90: {  	(tm) =	ssettm $0x1  }
0x91: {  	s17 =	sld [smem:$0x3FFB];
	_ =	sdelay $0x3  }
0x92: {  	_ =	strace s17  }
0x93: {  	s2 =	sld [smem:$0x3FFC];
	_ =	sdelay $0x3  }
0x94: {  	_ =	strace s2  }
0x95: {  	s2 =	sld [smem:$0x3FFD];
	_ =	sdelay $0x3  }
0x96: {  	_ =	strace s2  }
0x97: {  	_ =	strace $0x8FFFFFFF  }
0x98: {  	s18 =	sld [smem:$0x3FDB];
	_ =	sdelay $0x1  }
0x99: {  	s19 =	simm.s32 $_scs_section_size  }
0x9a: {  	s4 =	simm.s32 $_size__tile_overlayer_lowered;
	s5 =	simm.s32 $_tile_overlayer_lowered  }
0x9b: {  	s22 =	simm.s32 $0x1BFF;
	s21 =	sshll.u32 s5, $0x1;
	s2 =	sadd.s32 s19, s18  }
0x9c: {  	s6 =	simm.s32 $0x0;
	s20 =	sshll.u32 s4, $0x1;
	s4 =	sadd.s32 s21, s2  }
0x9d: {  	[timem:s6], [sflag:s22] =	dma.local [hbm:s4], s20  }
0x9e: {  	_ =	swait.ge [sflag:s22], s20  }
0x9f: {  	s3 =	ssub.s32 $0x0, s20;
	[sflag:s22] =	ssyncset.done $0x0  }
0xa0: {  	[sflag:s22] =	ssyncadd.s32 s3;
	_ =	sdelay $0x1  }
0xa1: {  	s23 =	simm.s32 $0x1B8B  }
0xa2: {  	_ =	swait.ge [sflag:s23], $0x1  }
0xa3: {  	[sflag:s23] =	ssyncset.done $0x0  }
0xa4: {  	s25 =	simm.s32 $0x1B8E;
	s24 =	sld [smem:$0x3FFE];
	[sflag:s23] =	ssyncadd.s32 $0xFFFFFFFF  }
0xa5: {  	s26 =	simm.s32 $execute0_lowered;
	[smem:$0x3FD2] =	sst s25  }
0xa6: {  	s4 =	sshll.u32 s26, $0x1;
	_ =	strace $0x8000004C;
	[dreg:$0x1] =	wrdreg $0xFFFFFFFF  }
0xa7: {  	s28 =	simm.s32 $_size_execute0_lowered;
	s2 =	sadd.s32 s2, s4;
	[dreg:$0x0] =	wrdreg $0x0  }
0xa8: {  	s4 =	sshll.u32 s28, $0x1;
	[dreg:$0x2] =	wrdreg s2  }
0xa9: {  	[dreg:$0x3] =	wrdreg s4  }
0xaa: {  	[dreg:$0x4] =	wrdreg $0xC0  }
0xab: {  	_ =	task [dreg:s6], $0x5FFFF  }
0xac: {  	[dreg:$0x1] =	wrdreg $0xFFFFFFFF  }
0xad: {  	[dreg:$0x0] =	wrdreg $0x60  }
0xae: {  	[dreg:$0x2] =	wrdreg s24  }
0xaf: {  	[dreg:$0x3] =	wrdreg $0xA8000  }
0xb0: {  	[dreg:$0x4] =	wrdreg $0x9  }
0xb1: {  	_ =	task.clear_ibuf [dreg:s6], $0x5FFFF;
	_ =	strace $0x9000004C  }
0xb2: {  	s29 =	simm.s32 $0x9;
	_ =	strace $0x8000004E  }
0xb3: {  	_ =	swait.ge [sflag:s29], $0x1  }
0xb4: {  	[sflag:s29] =	ssyncadd.s32 $0xFFFFFFFF  }
0xb5: {  	_ =	strace $0x9000004E  }
0xb6: {  	_ =	sfence  }
0xb7: {  	s30 =	sld [smem:$0x0];
	_ =	sdelay $0x2  }
0xb8: {  	s31 =	sshll.u32 s1, $0xD;
	s1 =	sshrl.u32 s1, $0x2  }
0xb9: {  	s3 =	sand.u32 $0x4000, s31;
	s1 =	sadd.s32 s1, s30  }
0xba: {  	s0 =	sor.u32 s3, s0;
	s1 =	sshll.u32 s1, $0x11  }
0xbb: {  	s0 =	sor.u32 s1, s0  }
0xbc: {  	s0 =	sadd.s32 $0x8F2B, s0  }
0xbd: {  	[sflag:s0] =	ssyncadd.remote.s32 $0x1  }
0xbe: {  	_ =	sfence.sel $0xFFFF  }
0xbf: {  	[dreg:$0x0] =	wrdreg $0xFFFFFFFF;
	(pc) =	sbr.abs _section_cstart, $3  }
0xc0: {  	[dreg:$0x1] =	wrdreg $0xFFFFFFFF  }
0xc1: {  	_ =	task.clear_ibuf [dreg:s6], $0x2FFFF;
	_ =	strace $0x9FFFFFFF  }
0xc2: {  	(tm) =	ssettm $0x7FFFFFFF  }
0xc3: {  	_ =	shalt  }
tec
execute0_lowered:
.L_overlay_start_1:
0x0: {  	(tag) =	ssettag $0x1  }
0x1: {  	s6 =	rddreg [dreg:$0x0]  }
0x2: {  	s1 =	rddreg [dreg:$0x1]  }
0x3: {  	s0 =	rddreg [dreg:$0x2]  }
0x4: {  	s2 =	simm.s32 $0x0;
	s14 =	stileid.u32;
	s5 =	srdreg.scid  }
0x5: {  	s20 =	simm.s32 $0x6800;
	s21 =	simm.s32 $0x1;
	s22 =	simm.s32 $0x2  }
0x6: {  	s23 =	simm.s32 $0x2700;
	s24 =	simm.s32 $0x2780;
	s25 =	simm.s32 $0x0  }
0x7: {  	[smem:$0x7FF] =	sst s2;
	s9 =	smul.u32 $0x13800, s14;
	s3 =	sadd.s32 $0x3EC00, s6  }
0x8: {  	s10 =	sadd.s32 $0xDA00, s6;
	s11 =	sadd.s32 $0x3A00, s6;
	s7 =	sand.u32 $0x1, s5  }
0x9: {  	s8 =	sshll.u32 s14, $0x1;
	s12 =	smul.u32 $0x4E000, s14;
	s13 =	sadd.s32 $0xDBC00, s6  }
0xa: {  	s29 =	sshll.u32 s14, $0x6;
	s18 =	sadd.s32 $0x138000, s1;
	p0 =	sne.s32 s14, $0x0  }
0xb: {  	_ =	strace $0x8000004D;
	s5 =	ssub.s32 $0x2, s7;
	s8 =	sor.u32 s7, s8  }
0xc: {  	s17 =	smul.u32 $0x138C00, s7;
	s4 =	sshrl.u32 s9, $0x3;
	s15 =	sshrl.u32 s5, $0x1  }
0xd: {  	s28 =	sshrl.u32 s12, $0x2;
	s8 =	smul.u32 $0x2800, s8;
	s4 =	sadd.s32 s4, s6  }
0xe: {  	s15 =	ssub.s32 s5, s15;
	s16 =	sadd.s32 s28, s1;
	s5 =	sor.u32 $0x1C03, s29  }
0xf: {  	s6 =	sadd.s32 $0x3EA00, s6;
	s19 =	sadd.s32 s9, s17;
	s17 =	sshrl.u32 s17, $0x3  }
0x10: {  	s4 =	sadd.s32 $0x17A00, s4;
	s30 =	sshrl.u32 s8, $0x3;
	s19 =	sshrl.u32 s19, $0x3  }
0x11: {  	s31 =	sadd.s32 s13, s17;
	s14 =	sshrl.u32 s16, $0x3;
	s16 =	sshrl.u32 @!p0 s18, $0x3  }
0x12: {  	s17 =	simm.s32 $0x1400;
	s18 =	simm.s32 $0x80;
	s12 =	sadd.s32 $0x280, s30  }
0x13: {  	s7 =	sadd.s32 s10, s30;
	s8 =	sadd.s32 s11, s30;
	s9 =	sadd.s32 s10, s12  }
0x14: {  	s10 =	sadd.s32 s11, s12;
	s11 =	sadd.s32 s13, s19;
	s12 =	sadd.s32 $0x27000, s31  }
0x15: {  	s13 =	smax.u32 s15, $0x1;
	s15 =	simm.s32 $0x3;
	s19 =	simm.s32 $0x2800  }
.LBB2_1:
0x16: {  	[spmem:s14], [sflag:s5] =	dma.local [hbm:s4], $0x2700  }
0x17: {  	_ =	swait.ge [sflag:s15], $0x2700  }
0x18: {  	[sflag:s15] =	ssyncset.done $0x0  }
0x19: {  	s26 =	simm.s32 @!p0 $0x3;
	[sflag:s15] =	ssyncadd.s32 $0xFFFFD900  }
0x1a: {  	[spmem:s16], [sflag:s5] =	dma.local @!p0 [hbm:s6], $0x180  }
0x1b: {  	_ =	swait.ge @!p0 [sflag:s26], $0x180  }
0x1c: {  	[sflag:s26] =	ssyncset.done @!p0 $0x0  }
0x1d: {  	[sflag:s26] =	ssyncadd.s32 @!p0 $0xFFFFFE80  }
0x1e: {  	[bflag:$0x0] =	sbarrier.arrive $0xFFFF  }
0x1f: {  	[tilespmem:s2], [sflag:$0x3] =	stream.linear.gather [hbm4b:s7+s2], $0x1400, $0x38;
	[tilespmem:$0x1E0C0] =	vst v63  }
0x20: {  	_ =	swait.ge [sflag:s15], $0x1400  }
0x21: {  	[sflag:s15] =	ssyncset.done $0x0  }
0x22: {  	[sflag:s15] =	ssyncadd.s32 $0xFFFFEC00  }
0x23: {  	[tilespmem:s17], [sflag:$0x3] =	stream.linear.gather [hbm4b:s8+s2], $0x1400, $0x38;
	[tilespmem:$0x1E0C0] =	vst v63  }
0x24: {  	_ =	swait.ge [sflag:s15], $0x1400  }
0x25: {  	[sflag:s15] =	ssyncset.done $0x0  }
0x26: {  	[sflag:s15] =	ssyncadd.s32 $0xFFFFEC00  }
0x27: {  	[tilespmem:s19], [sflag:$0x1] =	stream.indirect.gather [hbm4b:s3+s18], $0x80, s2, s18, $0xb8;
	[tilespmem:$0x1E0C0] =	vst v63  }
0x28: {  	_ = 	snop  }
0x29: {  	[tilespmem:s20], [sflag:$0x2] =	stream.indirect.gather [hbm4b:s3+s18], $0x80, s18, s18, $0xb8;
	[tilespmem:$0x1E0C0] =	vst v63  }
0x2a: {  	_ =	swait.ge [sflag:s21], $0x4000  }
0x2b: {  	[sflag:s21] =	ssyncset.done $0x0  }
0x2c: {  	s29 =	simm.s32 $0x1400;
	[sflag:s21] =	ssyncadd.s32 $0xFFFFC000  }
0x2d: {  	[spmem:s1] =	stream.indirect.scatter.add.f32 [tilespmem:s19], [sflag:$0x3], $0x80, s29, s18, $0xb8;
	[tilespmem:$0x1E0C0] =	vst v63  }
0x2e: {  	_ =	swait.ge [sflag:s15], $0x4000  }
0x2f: {  	[sflag:s15] =	ssyncset.done $0x0  }
0x30: {  	s30 =	simm.s32 $0x100;
	[sflag:s15] =	ssyncadd.s32 $0xFFFFC000  }
0x31: {  	[tilespmem:s19], [sflag:$0x1] =	stream.indirect.gather [hbm4b:s3+s18], $0x80, s30, s18, $0xb8;
	[tilespmem:$0x1E0C0] =	vst v63  }
0x32: {  	_ =	swait.ge [sflag:s22], $0x4000  }
0x33: {  	[sflag:s22] =	ssyncset.done $0x0  }
0x34: {  	s31 =	simm.s32 $0x1480;
	[sflag:s22] =	ssyncadd.s32 $0xFFFFC000  }
0x35: {  	[spmem:s1] =	stream.indirect.scatter.add.f32 [tilespmem:s20], [sflag:$0x3], $0x80, s31, s18, $0xb8;
	[tilespmem:$0x1E0C0] =	vst v63  }
0x36: {  	_ =	swait.ge [sflag:s15], $0x4000  }
0x37: {  	[sflag:s15] =	ssyncset.done $0x0  }
0x38: {  	s28 =	simm.s32 $0x180;
	s26 =	simm.s32 $0x400;
	[sflag:s15] =	ssyncadd.s32 $0xFFFFC000  }
.LBB2_2:
0x39: {  	[tilespmem:s20], [sflag:$0x2] =	stream.indirect.gather [hbm4b:s3+s18], $0x80, s28, s18, $0xb8;
	[tilespmem:$0x1E0C0] =	vst v63  }
0x3a: {  	s28 =	smov.u32 s26  }
0x3b: {  	p1 =	sne.s32 s26, $0x4800;
	s26 =	sadd.s32 $0x400, s26;
	_ =	swait.ge [sflag:s21], $0x4000  }
0x3c: {  	s28 =	sshra.s32 s28, $0x2;
	[sflag:s21] =	ssyncset.done $0x0  }
0x3d: {  	s29 =	sadd.s32 $0x1400, s28;
	[sflag:s21] =	ssyncadd.s32 $0xFFFFC000  }
0x3e: {  	[spmem:s1] =	stream.indirect.scatter.add.f32 [tilespmem:s19], [sflag:$0x3], $0x80, s29, s18, $0xb8;
	[tilespmem:$0x1E0C0] =	vst v63  }
0x3f: {  	_ =	swait.ge [sflag:s15], $0x4000  }
0x40: {  	[sflag:s15] =	ssyncset.done $0x0  }
0x41: {  	s29 =	sadd.s32 $0x100, s28;
	[sflag:s15] =	ssyncadd.s32 $0xFFFFC000  }
0x42: {  	[tilespmem:s19], [sflag:$0x1] =	stream.indirect.gather [hbm4b:s3+s18], $0x80, s29, s18, $0xb8;
	[tilespmem:$0x1E0C0] =	vst v63  }
0x43: {  	_ =	swait.ge [sflag:s22], $0x4000  }
0x44: {  	[sflag:s22] =	ssyncset.done $0x0  }
.Ltmp0:
0x45: {  	s29 =	sadd.s32 $0x1480, s28;
	[sflag:s22] =	ssyncadd.s32 $0xFFFFC000;
	(pc) =	sbr.rel @p1 .LBB2_2-.Ltmp0, $4  }
0x46: {  	[spmem:s1] =	stream.indirect.scatter.add.f32 [tilespmem:s20], [sflag:$0x3], $0x80, s29, s18, $0xb8;
	[tilespmem:$0x1E0C0] =	vst v63  }
0x47: {  	_ =	swait.ge [sflag:s15], $0x4000  }
0x48: {  	[sflag:s15] =	ssyncset.done $0x0  }
0x49: {  	s28 =	sadd.s32 $0x180, s28;
	[sflag:s15] =	ssyncadd.s32 $0xFFFFC000  }
0x4a: {  	[tilespmem:s20], [sflag:$0x2] =	stream.indirect.gather [hbm4b:s3+s18], $0x80, s28, s18, $0xb8;
	[tilespmem:$0x1E0C0] =	vst v63  }
0x4b: {  	_ =	swait.ge [sflag:s21], $0x4000  }
0x4c: {  	[sflag:s21] =	ssyncset.done $0x0  }
0x4d: {  	[sflag:s21] =	ssyncadd.s32 $0xFFFFC000  }
0x4e: {  	[spmem:s1] =	stream.indirect.scatter.add.f32 [tilespmem:s19], [sflag:$0x3], $0x80, s23, s18, $0xb8;
	[tilespmem:$0x1E0C0] =	vst v63  }
0x4f: {  	_ =	swait.ge [sflag:s15], $0x4000  }
0x50: {  	[sflag:s15] =	ssyncset.done $0x0  }
0x51: {  	[sflag:s15] =	ssyncadd.s32 $0xFFFFC000  }
0x52: {  	_ =	swait.ge [sflag:s22], $0x4000  }
0x53: {  	[sflag:s22] =	ssyncset.done $0x0  }
0x54: {  	[sflag:s22] =	ssyncadd.s32 $0xFFFFC000  }
0x55: {  	[spmem:s1] =	stream.indirect.scatter.add.f32 [tilespmem:s20], [sflag:$0x3], $0x80, s24, s18, $0xb8;
	[tilespmem:$0x1E0C0] =	vst v63  }
0x56: {  	_ =	swait.ge [sflag:s15], $0x4000  }
0x57: {  	[sflag:s15] =	ssyncset.done $0x0  }
0x58: {  	s26 =	simm.s32 $0x0;
	[sflag:s15] =	ssyncadd.s32 $0xFFFFC000  }
0x59: {  	[tilespmem:s26], [sflag:$0x3] =	stream.linear.gather [hbm4b:s9+s26], $0x1400, $0x38;
	[tilespmem:$0x1E0C0] =	vst v63  }
0x5a: {  	_ =	swait.ge [sflag:s15], $0x1400  }
0x5b: {  	[sflag:s15] =	ssyncset.done $0x0  }
0x5c: {  	[sflag:s15] =	ssyncadd.s32 $0xFFFFEC00  }
0x5d: {  	[tilespmem:s17], [sflag:$0x3] =	stream.linear.gather [hbm4b:s10+s26], $0x1400, $0x38;
	[tilespmem:$0x1E0C0] =	vst v63  }
0x5e: {  	_ =	swait.ge [sflag:s15], $0x1400  }
0x5f: {  	[sflag:s15] =	ssyncset.done $0x0  }
0x60: {  	[sflag:s15] =	ssyncadd.s32 $0xFFFFEC00  }
0x61: {  	[tilespmem:s19], [sflag:$0x1] =	stream.indirect.gather [hbm4b:s3+s18], $0x80, s26, s18, $0xb8;
	[tilespmem:$0x1E0C0] =	vst v63  }
0x62: {  	_ = 	snop  }
0x63: {  	[tilespmem:s20], [sflag:$0x2] =	stream.indirect.gather [hbm4b:s3+s18], $0x80, s18, s18, $0xb8;
	[tilespmem:$0x1E0C0] =	vst v63  }
0x64: {  	_ =	swait.ge [sflag:s21], $0x4000  }
0x65: {  	[sflag:s21] =	ssyncset.done $0x0  }
0x66: {  	s29 =	simm.s32 $0x1400;
	[sflag:s21] =	ssyncadd.s32 $0xFFFFC000  }
0x67: {  	[spmem:s1] =	stream.indirect.scatter.add.f32 [tilespmem:s19], [sflag:$0x3], $0x80, s29, s18, $0xb8;
	[tilespmem:$0x1E0C0] =	vst v63  }
0x68: {  	_ =	swait.ge [sflag:s15], $0x4000  }
0x69: {  	[sflag:s15] =	ssyncset.done $0x0  }
0x6a: {  	s30 =	simm.s32 $0x100;
	[sflag:s15] =	ssyncadd.s32 $0xFFFFC000  }
0x6b: {  	[tilespmem:s19], [sflag:$0x1] =	stream.indirect.gather [hbm4b:s3+s18], $0x80, s30, s18, $0xb8;
	[tilespmem:$0x1E0C0] =	vst v63  }
0x6c: {  	_ =	swait.ge [sflag:s22], $0x4000  }
0x6d: {  	[sflag:s22] =	ssyncset.done $0x0  }
0x6e: {  	s31 =	simm.s32 $0x1480;
	[sflag:s22] =	ssyncadd.s32 $0xFFFFC000  }
0x6f: {  	[spmem:s1] =	stream.indirect.scatter.add.f32 [tilespmem:s20], [sflag:$0x3], $0x80, s31, s18, $0xb8;
	[tilespmem:$0x1E0C0] =	vst v63  }
0x70: {  	_ =	swait.ge [sflag:s15], $0x4000  }
0x71: {  	[sflag:s15] =	ssyncset.done $0x0  }
0x72: {  	s28 =	simm.s32 $0x180;
	s26 =	simm.s32 $0x400;
	[sflag:s15] =	ssyncadd.s32 $0xFFFFC000  }
.LBB2_4:
0x73: {  	[tilespmem:s20], [sflag:$0x2] =	stream.indirect.gather [hbm4b:s3+s18], $0x80, s28, s18, $0xb8;
	[tilespmem:$0x1E0C0] =	vst v63  }
0x74: {  	s28 =	smov.u32 s26  }
0x75: {  	p1 =	sne.s32 s26, $0x4800;
	s26 =	sadd.s32 $0x400, s26;
	_ =	swait.ge [sflag:s21], $0x4000  }
0x76: {  	s28 =	sshra.s32 s28, $0x2;
	[sflag:s21] =	ssyncset.done $0x0  }
0x77: {  	s29 =	sadd.s32 $0x1400, s28;
	[sflag:s21] =	ssyncadd.s32 $0xFFFFC000  }
0x78: {  	[spmem:s1] =	stream.indirect.scatter.add.f32 [tilespmem:s19], [sflag:$0x3], $0x80, s29, s18, $0xb8;
	[tilespmem:$0x1E0C0] =	vst v63  }
0x79: {  	_ =	swait.ge [sflag:s15], $0x4000  }
0x7a: {  	[sflag:s15] =	ssyncset.done $0x0  }
0x7b: {  	s29 =	sadd.s32 $0x100, s28;
	[sflag:s15] =	ssyncadd.s32 $0xFFFFC000  }
0x7c: {  	[tilespmem:s19], [sflag:$0x1] =	stream.indirect.gather [hbm4b:s3+s18], $0x80, s29, s18, $0xb8;
	[tilespmem:$0x1E0C0] =	vst v63  }
0x7d: {  	_ =	swait.ge [sflag:s22], $0x4000  }
0x7e: {  	[sflag:s22] =	ssyncset.done $0x0  }
.Ltmp1:
0x7f: {  	s29 =	sadd.s32 $0x1480, s28;
	[sflag:s22] =	ssyncadd.s32 $0xFFFFC000;
	(pc) =	sbr.rel @p1 .LBB2_4-.Ltmp1, $4  }
0x80: {  	[spmem:s1] =	stream.indirect.scatter.add.f32 [tilespmem:s20], [sflag:$0x3], $0x80, s29, s18, $0xb8;
	[tilespmem:$0x1E0C0] =	vst v63  }
0x81: {  	_ =	swait.ge [sflag:s15], $0x4000  }
0x82: {  	[sflag:s15] =	ssyncset.done $0x0  }
0x83: {  	s28 =	sadd.s32 $0x180, s28;
	[sflag:s15] =	ssyncadd.s32 $0xFFFFC000  }
0x84: {  	[tilespmem:s20], [sflag:$0x2] =	stream.indirect.gather [hbm4b:s3+s18], $0x80, s28, s18, $0xb8;
	[tilespmem:$0x1E0C0] =	vst v63  }
0x85: {  	_ =	swait.ge [sflag:s21], $0x4000  }
0x86: {  	[sflag:s21] =	ssyncset.done $0x0  }
0x87: {  	[sflag:s21] =	ssyncadd.s32 $0xFFFFC000  }
0x88: {  	[spmem:s1] =	stream.indirect.scatter.add.f32 [tilespmem:s19], [sflag:$0x3], $0x80, s23, s18, $0xb8;
	[tilespmem:$0x1E0C0] =	vst v63  }
0x89: {  	_ =	swait.ge [sflag:s15], $0x4000  }
0x8a: {  	[sflag:s15] =	ssyncset.done $0x0  }
0x8b: {  	[sflag:s15] =	ssyncadd.s32 $0xFFFFC000  }
0x8c: {  	_ =	swait.ge [sflag:s22], $0x4000  }
0x8d: {  	[sflag:s22] =	ssyncset.done $0x0  }
0x8e: {  	[sflag:s22] =	ssyncadd.s32 $0xFFFFC000  }
0x8f: {  	[spmem:s1] =	stream.indirect.scatter.add.f32 [tilespmem:s20], [sflag:$0x3], $0x80, s24, s18, $0xb8;
	[tilespmem:$0x1E0C0] =	vst v63  }
0x90: {  	_ =	swait.ge [sflag:s15], $0x4000  }
0x91: {  	[sflag:s15] =	ssyncset.done $0x0  }
0x92: {  	[sflag:s15] =	ssyncadd.s32 $0xFFFFC000  }
0x93: {  	[bflag:$0x0] =	sbarrier.arrive $0xFFFF  }
0x94: {  	[hbm:s11], [sflag:s5] =	dma.local [spmem:s14], $0x2700  }
0x95: {  	s25 =	sadd.s32 $0x1, s25;
	_ =	swait.ge [sflag:s15], $0x2700  }
0x96: {  	p1 =	sne.s32 s25, s13;
	[sflag:s15] =	ssyncset.done $0x0  }
.Ltmp2:
0x97: {  	s26 =	simm.s32 @!p0 $0x3;
	[sflag:s15] =	ssyncadd.s32 $0xFFFFD900;
	(pc) =	sbr.rel @p1 .LBB2_1-.Ltmp2, $4  }
0x98: {  	[hbm:s12], [sflag:s5] =	dma.local @!p0 [spmem:s16], $0x180  }
0x99: {  	_ =	swait.ge @!p0 [sflag:s26], $0x180  }
0x9a: {  	[sflag:s26] =	ssyncset.done @!p0 $0x0  }
0x9b: {  	[sflag:s26] =	ssyncadd.s32 @!p0 $0xFFFFFE80  }
0x9c: {  	_ =	sfence.sel $0x180000  }
0x9d: {  	[bflag:$0x0] =	sbarrier.arrive $0xFFFF  }
0x9e: {  	_ =	strace $0x9000004D  }
0x9f: {  	s0 =	sadd.s32 @!p0 $0x100000, s0;
	[bflag:$0x2] =	sbarrier.arrive $0xFFFF  }
0xa0: {  	[sflag:s0] =	ssyncadd.tile.s32 @!p0 $0x1;
	_ =	shalt  }
.Lfunc_end2:
_tile_overlayer_lowered:
.L_overlay_start_2:
0xa1: {  	(tag) =	ssettag $0x2  }
0xa2: {  	s0 =	rddreg [dreg:$0x0];
	s2 =	stileid.u32  }
0xa3: {  	s1 =	rddreg [dreg:$0x1];
	p0 =	sne.s32 s2, $0x0  }
0xa4: {  	s3 =	rddreg [dreg:$0x2];
	[bflag:$0x3] =	sbarrier.arrive $0xFFFF;
	s2 =	simm.s32 @!p0 $0x1C03  }
0xa5: {  	[timem:s3], [sflag:s2] =	dma.local @!p0 [hbm:s0], s1  }
0xa6: {  	s0 =	simm.s32 @!p0 $0x3  }
0xa7: {  	_ =	swait.ge @!p0 [sflag:s0], s1  }
0xa8: {  	s1 =	ssub.s32 @!p0 $0x0, s1;
	[sflag:s0] =	ssyncset.done @!p0 $0x0  }
0xa9: {  	[sflag:s0] =	ssyncadd.s32 @!p0 s1  }
0xaa: {  	[bflag:$0x3] =	sbarrier.arrive $0xFFFF  }
0xab: {  	_ =	shalt  }

// kernel: kernel.19.cloned.1.call-start
scs
__scs_entry_jumppad:
0x0: {  	(pc) =	sbr.rel $0x88, $3  }
0x1: {  	(tag) =	ssettag $0x0;
	lr =	simm.s32 $0x1  }
0x2: {  	[smem:$0x3F8D] =	sst lr;
	_ =	strace $0xD0000000  }
0x3: {  	_ = 	snop  }
0x4: {  	_ = 	snop  }
0x5: {  	_ = 	snop  }
0x6: {  	_ = 	snop  }
0x7: {  	_ = 	snop  }
__scs_overlays_trampoline_lowered:
0x8: {  	[smem:$0x3F9C] =	sst s0  }
0x9: {  	[smem:$0x3F9D] =	sst s1  }
0xa: {  	[smem:$0x3F9E] =	sst s2  }
0xb: {  	[smem:$0x3F9F] =	sst s3  }
0xc: {  	[smem:$0x3FA0] =	sst s4  }
0xd: {  	[smem:$0x3FA1] =	sst s5  }
0xe: {  	[smem:$0x3FA2] =	sst s6  }
0xf: {  	[smem:$0x3FA3] =	sst s7  }
0x10: {  	[smem:$0x3FA4] =	sst s8  }
0x11: {  	[smem:$0x3FA5] =	sst s9;
	s0 =	simm.s32 @!p0 $0x0  }
0x12: {  	s1 =	sld [smem:$0x3F8B];
	s0 =	simm.s32 @p0 $0x1  }
0x13: {  	[smem:$0x3FA6] =	sst s0;
	s0 =	simm.s32 @!p1 $0x0  }
0x14: {  	s2 =	sld [smem:$0x3F8A];
	s0 =	simm.s32 @p1 $0x1  }
0x15: {  	[smem:$0x3FA7] =	sst s0;
	s0 =	simm.s32 @!p2 $0x0  }
0x16: {  	s3 =	sld [smem:$0x3FDB];
	s0 =	simm.s32 @p2 $0x1  }
0x17: {  	s4 =	simm.s32 $0x1BF5;
	[smem:$0x3FA9] =	sst s0  }
0x18: {  	s0 =	sld [smem:$0x3F8C];
	_ =	swait.ge [sflag:s4], $0x0  }
0x19: {  	s7 =	sld [smem:$0x3F8D]  }
0x1a: {  	s8 =	sadd.s32 $0xFFFFE003, lr  }
0x1b: {  	s9 =	sadd.s32 $0xFFFFFEF7, lr;
	s5 =	simm.s32 $0xFFFFFFFF;
	p2 =	slt.u32 s8, $0xFFFFF086  }
0x1c: {  	p1 =	slt.u32 s9, $0xF7A;
	s5 =	simm.s32 @!p2 $0x0  }
0x1d: {  	s5 =	simm.s32 @p1 $0x1;
	p0 =	seq.s32 s7, s2  }
0x1e: {  	s7 =	smul.u32 @!p0 $0xF7A, s2;
	p2 =	seq.s32 @!p0 s5, $0x0  }
0x1f: {  	s9 =	smul.u32 $0xF7A, s1;
	s8 =	simm.s32 @!p0 $0x1BF5;
	p2 =	por !p2, p0  }
0x20: {  	[sflag:s8] =	ssyncset.s32 @!p0 $0xFFFFF086;
	s6 =	sadd.s32 @!p0 s3, s7;
	s7 =	simm.s32 @!p0 $0x108  }
0x21: {  	s3 =	sadd.s32 s3, s9;
	s6 =	sadd.s32 @!p0 $0x88, s6;
	s7 =	simm.s32 @p2 $0x1082  }
0x22: {  	[simem:s7], [sflag:s8] =	dma.local @!p0 [hbm:s6], $0xF7A  }
0x23: {  	s9 =	sor.u32 $0xD0000000, s2;
	s6 =	simm.s32 $0x108;
	_ =	swait.ge @!p0 [sflag:s8], $0x0  }
0x24: {  	s3 =	sadd.s32 $0x88, s3;
	s6 =	simm.s32 @!p1 $0x1082;
	[sflag:s4] =	ssyncset.s32 $0xFFFFF086  }
0x25: {  	[simem:s6], [sflag:s4] =	dma.local [hbm:s3], $0xF7A  }
0x26: {  	[smem:$0x3F8D] =	sst s1;
	(tag) =	ssettag s2;
	_ =	strace s9  }
0x27: {  	s1 =	sld [smem:$0x3F9D]  }
0x28: {  	s2 =	sld [smem:$0x3F9E]  }
0x29: {  	s4 =	sld [smem:$0x3FA0]  }
0x2a: {  	p0 =	seq.s32 s5, $0x0;
	s5 =	sld [smem:$0x3FA1]  }
0x2b: {  	s6 =	sld [smem:$0x3FA2]  }
0x2c: {  	s7 =	sld [smem:$0x3FA3]  }
0x2d: {  	s3 =	simm.s32 $0x108;
	s8 =	sld [smem:$0x3FA4]  }
0x2e: {  	s3 =	simm.s32 @!p0 $0x1082;
	s9 =	sld [smem:$0x3FA5]  }
0x2f: {  	lr =	sadd.s32 s0, s3;
	s0 =	sld [smem:$0x3F9C]  }
0x30: {  	s3 =	sld [smem:$0x3F9F]  }
0x31: {  	[smem:$0x3FA8] =	sst s10  }
0x32: {  	s10 =	sld [smem:$0x3FA6];
	_ =	sdelay $0x3  }
0x33: {  	p0 =	seq.s32 s10, $0x1;
	s10 =	sld [smem:$0x3FA8];
	_ =	sdelay $0x3  }
0x34: {  	[smem:$0x3FA8] =	sst s10  }
0x35: {  	s10 =	sld [smem:$0x3FA7];
	_ =	sdelay $0x3  }
0x36: {  	p1 =	seq.s32 s10, $0x1;
	s10 =	sld [smem:$0x3FA8];
	_ =	sdelay $0x3  }
0x37: {  	[smem:$0x3FA8] =	sst s10  }
0x38: {  	s10 =	sld [smem:$0x3FA9]  }
0x39: {  	_ = 	snop;
	(pc) =	sbr.ind lr, $3  }
0x3a: {  	_ = 	snop  }
0x3b: {  	_ = 	snop  }
0x3c: {  	p2 =	seq.s32 s10, $0x1;
	s10 =	sld [smem:$0x3FA8]  }
0x3d: {  	_ =	shalt  }
0x3e: {  	_ =	shalt  }
0x3f: {  	_ =	shalt  }
0x40: {  	_ =	shalt  }
0x41: {  	_ =	shalt  }
0x42: {  	_ =	shalt  }
0x43: {  	_ =	shalt  }
0x44: {  	_ =	shalt  }
0x45: {  	_ =	shalt  }
0x46: {  	_ =	shalt  }
0x47: {  	_ =	shalt  }
0x48: {  	_ =	shalt  }
0x49: {  	_ =	shalt  }
0x4a: {  	_ =	shalt  }
0x4b: {  	_ =	shalt  }
0x4c: {  	_ =	shalt  }
0x4d: {  	_ =	shalt  }
0x4e: {  	_ =	shalt  }
0x4f: {  	_ =	shalt  }
0x50: {  	_ =	shalt  }
0x51: {  	_ =	shalt  }
0x52: {  	_ =	shalt  }
0x53: {  	_ =	shalt  }
0x54: {  	_ =	shalt  }
0x55: {  	_ =	shalt  }
0x56: {  	_ =	shalt  }
0x57: {  	_ =	shalt  }
0x58: {  	_ =	shalt  }
0x59: {  	_ =	shalt  }
0x5a: {  	_ =	shalt  }
0x5b: {  	_ =	shalt  }
0x5c: {  	_ =	shalt  }
0x5d: {  	_ =	shalt  }
0x5e: {  	_ =	shalt  }
0x5f: {  	_ =	shalt  }
0x60: {  	_ =	shalt  }
0x61: {  	_ =	shalt  }
0x62: {  	_ =	shalt  }
0x63: {  	_ =	shalt  }
0x64: {  	_ =	shalt  }
0x65: {  	_ =	shalt  }
0x66: {  	_ =	shalt  }
0x67: {  	_ =	shalt  }
0x68: {  	_ =	shalt  }
0x69: {  	_ =	shalt  }
0x6a: {  	_ =	shalt  }
0x6b: {  	_ =	shalt  }
0x6c: {  	_ =	shalt  }
0x6d: {  	_ =	shalt  }
0x6e: {  	_ =	shalt  }
0x6f: {  	_ =	shalt  }
0x70: {  	_ =	shalt  }
0x71: {  	_ =	shalt  }
0x72: {  	_ =	shalt  }
0x73: {  	_ =	shalt  }
0x74: {  	_ =	shalt  }
0x75: {  	_ =	shalt  }
0x76: {  	_ =	shalt  }
0x77: {  	_ =	shalt  }
0x78: {  	_ =	shalt  }
0x79: {  	_ =	shalt  }
0x7a: {  	_ =	shalt  }
0x7b: {  	_ =	shalt  }
0x7c: {  	_ =	shalt  }
0x7d: {  	_ =	shalt  }
0x7e: {  	_ =	shalt  }
0x7f: {  	_ =	shalt  }
0x80: {  	_ =	shalt  }
0x81: {  	_ =	shalt  }
0x82: {  	_ =	shalt  }
0x83: {  	_ =	shalt  }
0x84: {  	_ =	shalt  }
0x85: {  	_ =	shalt  }
0x86: {  	_ =	shalt  }
0x87: {  	_ =	shalt  }
.Lfunc_end0:
.L_simem_size_0:
called_computation.3_lowered:
.L_overlay_start_0:
0x88: {  	s2 =	sld [smem:$0x3FD9]  }
0x89: {  	s3 =	sld [smem:$0x3FFE];
	_ =	sdelay $0x1  }
0x8a: {  	s1 =	srdreg.scid  }
0x8b: {  	s0 =	sand.u32 $0x1, s1  }
0x8c: {  	s16 =	sshll.u32 s0, $0xA;
	s2 =	sadd.s32 s3, s2  }
0x8d: {  	s2 =	sadd.s32 s2, s16  }
0x8e: {  	[smem:$0x3FB4] =	sst s2  }
0x8f: {  	_ = 	snop  }
0x90: {  	(tm) =	ssettm $0x1  }
0x91: {  	s17 =	sld [smem:$0x3FFB];
	_ =	sdelay $0x3  }
0x92: {  	_ =	strace s17  }
0x93: {  	s2 =	sld [smem:$0x3FFC];
	_ =	sdelay $0x3  }
0x94: {  	_ =	strace s2  }
0x95: {  	s2 =	sld [smem:$0x3FFD];
	_ =	sdelay $0x3  }
0x96: {  	_ =	strace s2  }
0x97: {  	_ =	strace $0x8FFFFFFF  }
0x98: {  	s18 =	sld [smem:$0x3FDB];
	_ =	sdelay $0x1  }
0x99: {  	s19 =	simm.s32 $_scs_section_size  }
0x9a: {  	s4 =	simm.s32 $_size__tile_overlayer_lowered;
	s5 =	simm.s32 $_tile_overlayer_lowered  }
0x9b: {  	s22 =	simm.s32 $0x1BFF;
	s21 =	sshll.u32 s5, $0x1;
	s2 =	sadd.s32 s19, s18  }
0x9c: {  	s6 =	simm.s32 $0x0;
	s20 =	sshll.u32 s4, $0x1;
	s4 =	sadd.s32 s21, s2  }
0x9d: {  	[timem:s6], [sflag:s22] =	dma.local [hbm:s4], s20  }
0x9e: {  	_ =	swait.ge [sflag:s22], s20  }
0x9f: {  	s3 =	ssub.s32 $0x0, s20;
	[sflag:s22] =	ssyncset.done $0x0  }
0xa0: {  	[sflag:s22] =	ssyncadd.s32 s3;
	_ =	sdelay $0x1  }
0xa1: {  	s23 =	simm.s32 $0x1B8B  }
0xa2: {  	_ =	swait.ge [sflag:s23], $0x1  }
0xa3: {  	[sflag:s23] =	ssyncset.done $0x0  }
0xa4: {  	s25 =	simm.s32 $0x1B8E;
	s24 =	sld [smem:$0x3FFE];
	[sflag:s23] =	ssyncadd.s32 $0xFFFFFFFF  }
0xa5: {  	s26 =	simm.s32 $execute0_lowered;
	[smem:$0x3FD2] =	sst s25  }
0xa6: {  	s4 =	sshll.u32 s26, $0x1;
	_ =	strace $0x8000004F;
	[dreg:$0x1] =	wrdreg $0xFFFFFFFF  }
0xa7: {  	s28 =	simm.s32 $_size_execute0_lowered;
	s2 =	sadd.s32 s2, s4;
	[dreg:$0x0] =	wrdreg $0x0  }
0xa8: {  	s4 =	sshll.u32 s28, $0x1;
	[dreg:$0x2] =	wrdreg s2  }
0xa9: {  	[dreg:$0x3] =	wrdreg s4  }
0xaa: {  	[dreg:$0x4] =	wrdreg $0xC0  }
0xab: {  	_ =	task [dreg:s6], $0x5FFFF  }
0xac: {  	[dreg:$0x1] =	wrdreg $0xFFFFFFFF  }
0xad: {  	[dreg:$0x0] =	wrdreg $0x60  }
0xae: {  	[dreg:$0x2] =	wrdreg s24  }
0xaf: {  	[dreg:$0x3] =	wrdreg $0xA8000  }
0xb0: {  	[dreg:$0x4] =	wrdreg $0x9  }
0xb1: {  	_ =	task.clear_ibuf [dreg:s6], $0x5FFFF;
	_ =	strace $0x9000004F  }
0xb2: {  	s29 =	simm.s32 $0x9;
	_ =	strace $0x80000051  }
0xb3: {  	_ =	swait.ge [sflag:s29], $0x1  }
0xb4: {  	[sflag:s29] =	ssyncadd.s32 $0xFFFFFFFF  }
0xb5: {  	_ =	strace $0x90000051  }
0xb6: {  	_ =	sfence  }
0xb7: {  	s30 =	sld [smem:$0x0];
	_ =	sdelay $0x2  }
0xb8: {  	s31 =	sshll.u32 s1, $0xD;
	s1 =	sshrl.u32 s1, $0x2  }
0xb9: {  	s3 =	sand.u32 $0x4000, s31;
	s1 =	sadd.s32 s1, s30  }
0xba: {  	s0 =	sor.u32 s3, s0;
	s1 =	sshll.u32 s1, $0x11  }
0xbb: {  	s0 =	sor.u32 s1, s0  }
0xbc: {  	s0 =	sadd.s32 $0x8F2B, s0  }
0xbd: {  	[sflag:s0] =	ssyncadd.remote.s32 $0x1  }
0xbe: {  	_ =	sfence.sel $0xFFFF  }
0xbf: {  	[dreg:$0x0] =	wrdreg $0xFFFFFFFF;
	(pc) =	sbr.abs _section_cstart, $3  }
0xc0: {  	[dreg:$0x1] =	wrdreg $0xFFFFFFFF  }
0xc1: {  	_ =	task.clear_ibuf [dreg:s6], $0x2FFFF;
	_ =	strace $0x9FFFFFFF  }
0xc2: {  	(tm) =	ssettm $0x7FFFFFFF  }
0xc3: {  	_ =	shalt  }
tec
execute0_lowered:
.L_overlay_start_1:
0x0: {  	(tag) =	ssettag $0x1  }
0x1: {  	s6 =	rddreg [dreg:$0x0]  }
0x2: {  	s1 =	rddreg [dreg:$0x1]  }
0x3: {  	s0 =	rddreg [dreg:$0x2]  }
0x4: {  	s2 =	simm.s32 $0x0;
	s14 =	stileid.u32;
	s5 =	srdreg.scid  }
0x5: {  	s20 =	simm.s32 $0x6800;
	s21 =	simm.s32 $0x1;
	s22 =	simm.s32 $0x2  }
0x6: {  	s23 =	simm.s32 $0x2700;
	s24 =	simm.s32 $0x2780;
	s25 =	simm.s32 $0x0  }
0x7: {  	[smem:$0x7FF] =	sst s2;
	s9 =	smul.u32 $0x13800, s14;
	s3 =	sadd.s32 $0x3EC00, s6  }
0x8: {  	s10 =	sadd.s32 $0xDA00, s6;
	s11 =	sadd.s32 $0x3A00, s6;
	s7 =	sand.u32 $0x1, s5  }
0x9: {  	s8 =	sshll.u32 s14, $0x1;
	s12 =	smul.u32 $0x4E000, s14;
	s13 =	sadd.s32 $0xDBC00, s6  }
0xa: {  	s29 =	sshll.u32 s14, $0x6;
	s18 =	sadd.s32 $0x138000, s1;
	p0 =	sne.s32 s14, $0x0  }
0xb: {  	_ =	strace $0x80000050;
	s5 =	ssub.s32 $0x2, s7;
	s8 =	sor.u32 s7, s8  }
0xc: {  	s17 =	smul.u32 $0x138C00, s7;
	s4 =	sshrl.u32 s9, $0x3;
	s15 =	sshrl.u32 s5, $0x1  }
0xd: {  	s28 =	sshrl.u32 s12, $0x2;
	s8 =	smul.u32 $0x2800, s8;
	s4 =	sadd.s32 s4, s6  }
0xe: {  	s15 =	ssub.s32 s5, s15;
	s16 =	sadd.s32 s28, s1;
	s5 =	sor.u32 $0x1C03, s29  }
0xf: {  	s6 =	sadd.s32 $0x3EA00, s6;
	s19 =	sadd.s32 s9, s17;
	s17 =	sshrl.u32 s17, $0x3  }
0x10: {  	s4 =	sadd.s32 $0x17A00, s4;
	s30 =	sshrl.u32 s8, $0x3;
	s19 =	sshrl.u32 s19, $0x3  }
0x11: {  	s31 =	sadd.s32 s13, s17;
	s14 =	sshrl.u32 s16, $0x3;
	s16 =	sshrl.u32 @!p0 s18, $0x3  }
0x12: {  	s17 =	simm.s32 $0x1400;
	s18 =	simm.s32 $0x80;
	s12 =	sadd.s32 $0x280, s30  }
0x13: {  	s7 =	sadd.s32 s10, s30;
	s8 =	sadd.s32 s11, s30;
	s9 =	sadd.s32 s10, s12  }
0x14: {  	s10 =	sadd.s32 s11, s12;
	s11 =	sadd.s32 s13, s19;
	s12 =	sadd.s32 $0x27000, s31  }
0x15: {  	s13 =	smax.u32 s15, $0x1;
	s15 =	simm.s32 $0x3;
	s19 =	simm.s32 $0x2800  }
.LBB2_1:
0x16: {  	[spmem:s14], [sflag:s5] =	dma.local [hbm:s4], $0x2700  }
0x17: {  	_ =	swait.ge [sflag:s15], $0x2700  }
0x18: {  	[sflag:s15] =	ssyncset.done $0x0  }
0x19: {  	s26 =	simm.s32 @!p0 $0x3;
	[sflag:s15] =	ssyncadd.s32 $0xFFFFD900  }
0x1a: {  	[spmem:s16], [sflag:s5] =	dma.local @!p0 [hbm:s6], $0x180  }
0x1b: {  	_ =	swait.ge @!p0 [sflag:s26], $0x180  }
0x1c: {  	[sflag:s26] =	ssyncset.done @!p0 $0x0  }
0x1d: {  	[sflag:s26] =	ssyncadd.s32 @!p0 $0xFFFFFE80  }
0x1e: {  	[bflag:$0x0] =	sbarrier.arrive $0xFFFF  }
0x1f: {  	[tilespmem:s2], [sflag:$0x3] =	stream.linear.gather [hbm4b:s7+s2], $0x1400, $0x38;
	[tilespmem:$0x1E0C0] =	vst v63  }
0x20: {  	_ =	swait.ge [sflag:s15], $0x1400  }
0x21: {  	[sflag:s15] =	ssyncset.done $0x0  }
0x22: {  	[sflag:s15] =	ssyncadd.s32 $0xFFFFEC00  }
0x23: {  	[tilespmem:s17], [sflag:$0x3] =	stream.linear.gather [hbm4b:s8+s2], $0x1400, $0x38;
	[tilespmem:$0x1E0C0] =	vst v63  }
0x24: {  	_ =	swait.ge [sflag:s15], $0x1400  }
0x25: {  	[sflag:s15] =	ssyncset.done $0x0  }
0x26: {  	[sflag:s15] =	ssyncadd.s32 $0xFFFFEC00  }
0x27: {  	[tilespmem:s19], [sflag:$0x1] =	stream.indirect.gather [hbm4b:s3+s18], $0x80, s2, s18, $0xb8;
	[tilespmem:$0x1E0C0] =	vst v63  }
0x28: {  	_ = 	snop  }
0x29: {  	[tilespmem:s20], [sflag:$0x2] =	stream.indirect.gather [hbm4b:s3+s18], $0x80, s18, s18, $0xb8;
	[tilespmem:$0x1E0C0] =	vst v63  }
0x2a: {  	_ =	swait.ge [sflag:s21], $0x4000  }
0x2b: {  	[sflag:s21] =	ssyncset.done $0x0  }
0x2c: {  	s29 =	simm.s32 $0x1400;
	[sflag:s21] =	ssyncadd.s32 $0xFFFFC000  }
0x2d: {  	[spmem:s1] =	stream.indirect.scatter.add.f32 [tilespmem:s19], [sflag:$0x3], $0x80, s29, s18, $0xb8;
	[tilespmem:$0x1E0C0] =	vst v63  }
0x2e: {  	_ =	swait.ge [sflag:s15], $0x4000  }
0x2f: {  	[sflag:s15] =	ssyncset.done $0x0  }
0x30: {  	s30 =	simm.s32 $0x100;
	[sflag:s15] =	ssyncadd.s32 $0xFFFFC000  }
0x31: {  	[tilespmem:s19], [sflag:$0x1] =	stream.indirect.gather [hbm4b:s3+s18], $0x80, s30, s18, $0xb8;
	[tilespmem:$0x1E0C0] =	vst v63  }
0x32: {  	_ =	swait.ge [sflag:s22], $0x4000  }
0x33: {  	[sflag:s22] =	ssyncset.done $0x0  }
0x34: {  	s31 =	simm.s32 $0x1480;
	[sflag:s22] =	ssyncadd.s32 $0xFFFFC000  }
0x35: {  	[spmem:s1] =	stream.indirect.scatter.add.f32 [tilespmem:s20], [sflag:$0x3], $0x80, s31, s18, $0xb8;
	[tilespmem:$0x1E0C0] =	vst v63  }
0x36: {  	_ =	swait.ge [sflag:s15], $0x4000  }
0x37: {  	[sflag:s15] =	ssyncset.done $0x0  }
0x38: {  	s28 =	simm.s32 $0x180;
	s26 =	simm.s32 $0x400;
	[sflag:s15] =	ssyncadd.s32 $0xFFFFC000  }
.LBB2_2:
0x39: {  	[tilespmem:s20], [sflag:$0x2] =	stream.indirect.gather [hbm4b:s3+s18], $0x80, s28, s18, $0xb8;
	[tilespmem:$0x1E0C0] =	vst v63  }
0x3a: {  	s28 =	smov.u32 s26  }
0x3b: {  	p1 =	sne.s32 s26, $0x4800;
	s26 =	sadd.s32 $0x400, s26;
	_ =	swait.ge [sflag:s21], $0x4000  }
0x3c: {  	s28 =	sshra.s32 s28, $0x2;
	[sflag:s21] =	ssyncset.done $0x0  }
0x3d: {  	s29 =	sadd.s32 $0x1400, s28;
	[sflag:s21] =	ssyncadd.s32 $0xFFFFC000  }
0x3e: {  	[spmem:s1] =	stream.indirect.scatter.add.f32 [tilespmem:s19], [sflag:$0x3], $0x80, s29, s18, $0xb8;
	[tilespmem:$0x1E0C0] =	vst v63  }
0x3f: {  	_ =	swait.ge [sflag:s15], $0x4000  }
0x40: {  	[sflag:s15] =	ssyncset.done $0x0  }
0x41: {  	s29 =	sadd.s32 $0x100, s28;
	[sflag:s15] =	ssyncadd.s32 $0xFFFFC000  }
0x42: {  	[tilespmem:s19], [sflag:$0x1] =	stream.indirect.gather [hbm4b:s3+s18], $0x80, s29, s18, $0xb8;
	[tilespmem:$0x1E0C0] =	vst v63  }
0x43: {  	_ =	swait.ge [sflag:s22], $0x4000  }
0x44: {  	[sflag:s22] =	ssyncset.done $0x0  }
.Ltmp0:
0x45: {  	s29 =	sadd.s32 $0x1480, s28;
	[sflag:s22] =	ssyncadd.s32 $0xFFFFC000;
	(pc) =	sbr.rel @p1 .LBB2_2-.Ltmp0, $4  }
0x46: {  	[spmem:s1] =	stream.indirect.scatter.add.f32 [tilespmem:s20], [sflag:$0x3], $0x80, s29, s18, $0xb8;
	[tilespmem:$0x1E0C0] =	vst v63  }
0x47: {  	_ =	swait.ge [sflag:s15], $0x4000  }
0x48: {  	[sflag:s15] =	ssyncset.done $0x0  }
0x49: {  	s28 =	sadd.s32 $0x180, s28;
	[sflag:s15] =	ssyncadd.s32 $0xFFFFC000  }
0x4a: {  	[tilespmem:s20], [sflag:$0x2] =	stream.indirect.gather [hbm4b:s3+s18], $0x80, s28, s18, $0xb8;
	[tilespmem:$0x1E0C0] =	vst v63  }
0x4b: {  	_ =	swait.ge [sflag:s21], $0x4000  }
0x4c: {  	[sflag:s21] =	ssyncset.done $0x0  }
0x4d: {  	[sflag:s21] =	ssyncadd.s32 $0xFFFFC000  }
0x4e: {  	[spmem:s1] =	stream.indirect.scatter.add.f32 [tilespmem:s19], [sflag:$0x3], $0x80, s23, s18, $0xb8;
	[tilespmem:$0x1E0C0] =	vst v63  }
0x4f: {  	_ =	swait.ge [sflag:s15], $0x4000  }
0x50: {  	[sflag:s15] =	ssyncset.done $0x0  }
0x51: {  	[sflag:s15] =	ssyncadd.s32 $0xFFFFC000  }
0x52: {  	_ =	swait.ge [sflag:s22], $0x4000  }
0x53: {  	[sflag:s22] =	ssyncset.done $0x0  }
0x54: {  	[sflag:s22] =	ssyncadd.s32 $0xFFFFC000  }
0x55: {  	[spmem:s1] =	stream.indirect.scatter.add.f32 [tilespmem:s20], [sflag:$0x3], $0x80, s24, s18, $0xb8;
	[tilespmem:$0x1E0C0] =	vst v63  }
0x56: {  	_ =	swait.ge [sflag:s15], $0x4000  }
0x57: {  	[sflag:s15] =	ssyncset.done $0x0  }
0x58: {  	s26 =	simm.s32 $0x0;
	[sflag:s15] =	ssyncadd.s32 $0xFFFFC000  }
0x59: {  	[tilespmem:s26], [sflag:$0x3] =	stream.linear.gather [hbm4b:s9+s26], $0x1400, $0x38;
	[tilespmem:$0x1E0C0] =	vst v63  }
0x5a: {  	_ =	swait.ge [sflag:s15], $0x1400  }
0x5b: {  	[sflag:s15] =	ssyncset.done $0x0  }
0x5c: {  	[sflag:s15] =	ssyncadd.s32 $0xFFFFEC00  }
0x5d: {  	[tilespmem:s17], [sflag:$0x3] =	stream.linear.gather [hbm4b:s10+s26], $0x1400, $0x38;
	[tilespmem:$0x1E0C0] =	vst v63  }
0x5e: {  	_ =	swait.ge [sflag:s15], $0x1400  }
0x5f: {  	[sflag:s15] =	ssyncset.done $0x0  }
0x60: {  	[sflag:s15] =	ssyncadd.s32 $0xFFFFEC00  }
0x61: {  	[tilespmem:s19], [sflag:$0x1] =	stream.indirect.gather [hbm4b:s3+s18], $0x80, s26, s18, $0xb8;
	[tilespmem:$0x1E0C0] =	vst v63  }
0x62: {  	_ = 	snop  }
0x63: {  	[tilespmem:s20], [sflag:$0x2] =	stream.indirect.gather [hbm4b:s3+s18], $0x80, s18, s18, $0xb8;
	[tilespmem:$0x1E0C0] =	vst v63  }
0x64: {  	_ =	swait.ge [sflag:s21], $0x4000  }
0x65: {  	[sflag:s21] =	ssyncset.done $0x0  }
0x66: {  	s29 =	simm.s32 $0x1400;
	[sflag:s21] =	ssyncadd.s32 $0xFFFFC000  }
0x67: {  	[spmem:s1] =	stream.indirect.scatter.add.f32 [tilespmem:s19], [sflag:$0x3], $0x80, s29, s18, $0xb8;
	[tilespmem:$0x1E0C0] =	vst v63  }
0x68: {  	_ =	swait.ge [sflag:s15], $0x4000  }
0x69: {  	[sflag:s15] =	ssyncset.done $0x0  }
0x6a: {  	s30 =	simm.s32 $0x100;
	[sflag:s15] =	ssyncadd.s32 $0xFFFFC000  }
0x6b: {  	[tilespmem:s19], [sflag:$0x1] =	stream.indirect.gather [hbm4b:s3+s18], $0x80, s30, s18, $0xb8;
	[tilespmem:$0x1E0C0] =	vst v63  }
0x6c: {  	_ =	swait.ge [sflag:s22], $0x4000  }
0x6d: {  	[sflag:s22] =	ssyncset.done $0x0  }
0x6e: {  	s31 =	simm.s32 $0x1480;
	[sflag:s22] =	ssyncadd.s32 $0xFFFFC000  }
0x6f: {  	[spmem:s1] =	stream.indirect.scatter.add.f32 [tilespmem:s20], [sflag:$0x3], $0x80, s31, s18, $0xb8;
	[tilespmem:$0x1E0C0] =	vst v63  }
0x70: {  	_ =	swait.ge [sflag:s15], $0x4000  }
0x71: {  	[sflag:s15] =	ssyncset.done $0x0  }
0x72: {  	s28 =	simm.s32 $0x180;
	s26 =	simm.s32 $0x400;
	[sflag:s15] =	ssyncadd.s32 $0xFFFFC000  }
.LBB2_4:
0x73: {  	[tilespmem:s20], [sflag:$0x2] =	stream.indirect.gather [hbm4b:s3+s18], $0x80, s28, s18, $0xb8;
	[tilespmem:$0x1E0C0] =	vst v63  }
0x74: {  	s28 =	smov.u32 s26  }
0x75: {  	p1 =	sne.s32 s26, $0x4800;
	s26 =	sadd.s32 $0x400, s26;
	_ =	swait.ge [sflag:s21], $0x4000  }
0x76: {  	s28 =	sshra.s32 s28, $0x2;
	[sflag:s21] =	ssyncset.done $0x0  }
0x77: {  	s29 =	sadd.s32 $0x1400, s28;
	[sflag:s21] =	ssyncadd.s32 $0xFFFFC000  }
0x78: {  	[spmem:s1] =	stream.indirect.scatter.add.f32 [tilespmem:s19], [sflag:$0x3], $0x80, s29, s18, $0xb8;
	[tilespmem:$0x1E0C0] =	vst v63  }
0x79: {  	_ =	swait.ge [sflag:s15], $0x4000  }
0x7a: {  	[sflag:s15] =	ssyncset.done $0x0  }
0x7b: {  	s29 =	sadd.s32 $0x100, s28;
	[sflag:s15] =	ssyncadd.s32 $0xFFFFC000  }
0x7c: {  	[tilespmem:s19], [sflag:$0x1] =	stream.indirect.gather [hbm4b:s3+s18], $0x80, s29, s18, $0xb8;
	[tilespmem:$0x1E0C0] =	vst v63  }
0x7d: {  	_ =	swait.ge [sflag:s22], $0x4000  }
0x7e: {  	[sflag:s22] =	ssyncset.done $0x0  }
.Ltmp1:
0x7f: {  	s29 =	sadd.s32 $0x1480, s28;
	[sflag:s22] =	ssyncadd.s32 $0xFFFFC000;
	(pc) =	sbr.rel @p1 .LBB2_4-.Ltmp1, $4  }
0x80: {  	[spmem:s1] =	stream.indirect.scatter.add.f32 [tilespmem:s20], [sflag:$0x3], $0x80, s29, s18, $0xb8;
	[tilespmem:$0x1E0C0] =	vst v63  }
0x81: {  	_ =	swait.ge [sflag:s15], $0x4000  }
0x82: {  	[sflag:s15] =	ssyncset.done $0x0  }
0x83: {  	s28 =	sadd.s32 $0x180, s28;
	[sflag:s15] =	ssyncadd.s32 $0xFFFFC000  }
0x84: {  	[tilespmem:s20], [sflag:$0x2] =	stream.indirect.gather [hbm4b:s3+s18], $0x80, s28, s18, $0xb8;
	[tilespmem:$0x1E0C0] =	vst v63  }
0x85: {  	_ =	swait.ge [sflag:s21], $0x4000  }
0x86: {  	[sflag:s21] =	ssyncset.done $0x0  }
0x87: {  	[sflag:s21] =	ssyncadd.s32 $0xFFFFC000  }
0x88: {  	[spmem:s1] =	stream.indirect.scatter.add.f32 [tilespmem:s19], [sflag:$0x3], $0x80, s23, s18, $0xb8;
	[tilespmem:$0x1E0C0] =	vst v63  }
0x89: {  	_ =	swait.ge [sflag:s15], $0x4000  }
0x8a: {  	[sflag:s15] =	ssyncset.done $0x0  }
0x8b: {  	[sflag:s15] =	ssyncadd.s32 $0xFFFFC000  }
0x8c: {  	_ =	swait.ge [sflag:s22], $0x4000  }
0x8d: {  	[sflag:s22] =	ssyncset.done $0x0  }
0x8e: {  	[sflag:s22] =	ssyncadd.s32 $0xFFFFC000  }
0x8f: {  	[spmem:s1] =	stream.indirect.scatter.add.f32 [tilespmem:s20], [sflag:$0x3], $0x80, s24, s18, $0xb8;
	[tilespmem:$0x1E0C0] =	vst v63  }
0x90: {  	_ =	swait.ge [sflag:s15], $0x4000  }
0x91: {  	[sflag:s15] =	ssyncset.done $0x0  }
0x92: {  	[sflag:s15] =	ssyncadd.s32 $0xFFFFC000  }
0x93: {  	[bflag:$0x0] =	sbarrier.arrive $0xFFFF  }
0x94: {  	[hbm:s11], [sflag:s5] =	dma.local [spmem:s14], $0x2700  }
0x95: {  	s25 =	sadd.s32 $0x1, s25;
	_ =	swait.ge [sflag:s15], $0x2700  }
0x96: {  	p1 =	sne.s32 s25, s13;
	[sflag:s15] =	ssyncset.done $0x0  }
.Ltmp2:
0x97: {  	s26 =	simm.s32 @!p0 $0x3;
	[sflag:s15] =	ssyncadd.s32 $0xFFFFD900;
	(pc) =	sbr.rel @p1 .LBB2_1-.Ltmp2, $4  }
0x98: {  	[hbm:s12], [sflag:s5] =	dma.local @!p0 [spmem:s16], $0x180  }
0x99: {  	_ =	swait.ge @!p0 [sflag:s26], $0x180  }
0x9a: {  	[sflag:s26] =	ssyncset.done @!p0 $0x0  }
0x9b: {  	[sflag:s26] =	ssyncadd.s32 @!p0 $0xFFFFFE80  }
0x9c: {  	_ =	sfence.sel $0x180000  }
0x9d: {  	[bflag:$0x0] =	sbarrier.arrive $0xFFFF  }
0x9e: {  	_ =	strace $0x90000050  }
0x9f: {  	s0 =	sadd.s32 @!p0 $0x100000, s0;
	[bflag:$0x2] =	sbarrier.arrive $0xFFFF  }
0xa0: {  	[sflag:s0] =	ssyncadd.tile.s32 @!p0 $0x1;
	_ =	shalt  }
.Lfunc_end2:
_tile_overlayer_lowered:
.L_overlay_start_2:
0xa1: {  	(tag) =	ssettag $0x2  }
0xa2: {  	s0 =	rddreg [dreg:$0x0];
	s2 =	stileid.u32  }
0xa3: {  	s1 =	rddreg [dreg:$0x1];
	p0 =	sne.s32 s2, $0x0  }
0xa4: {  	s3 =	rddreg [dreg:$0x2];
	[bflag:$0x3] =	sbarrier.arrive $0xFFFF;
	s2 =	simm.s32 @!p0 $0x1C03  }
0xa5: {  	[timem:s3], [sflag:s2] =	dma.local @!p0 [hbm:s0], s1  }
0xa6: {  	s0 =	simm.s32 @!p0 $0x3  }
0xa7: {  	_ =	swait.ge @!p0 [sflag:s0], s1  }
0xa8: {  	s1 =	ssub.s32 @!p0 $0x0, s1;
	[sflag:s0] =	ssyncset.done @!p0 $0x0  }
0xa9: {  	[sflag:s0] =	ssyncadd.s32 @!p0 s1  }
0xaa: {  	[bflag:$0x3] =	sbarrier.arrive $0xFFFF  }
0xab: {  	_ =	shalt  }

</sc_bundles>
